<compile_context>
chip_gen: v7x
topology: tpu7x:2x2x1
jax: 0.10.2.dev20260603
libtpu: 0.0.44.dev20260713+nightly
codegen_flags: <defaults>
</compile_context>

<pallas_src>
import jax
import jax.numpy as jnp
from jax import lax
from jax.experimental import pallas as pl
from jax.experimental.pallas import tpu as pltpu
from jax.experimental.pallas import tpu_sc as plsc

_NUM_HEADS = 16
_EMBED = 3969
_S = 1024
_NC = 2
_NS = 16
_L = 16
_HPC = _NUM_HEADS // _NC
_ROWS_PER_W = _S // _NS
_SLAB_ROWS = 4
_SLABS = _ROWS_PER_W // _SLAB_ROWS
_GPR = _S // _L
_GROUPS = _SLAB_ROWS * _GPR


def _gather_body(table_hbm, idx_hbm, out_hbm,
                 table_v, idx0_v, idx1_v, out0_v, out1_v,
                 isem0, isem1, osem0, osem1):
  hh = lax.axis_index("c")
  rb = lax.axis_index("s")
  row_base = rb * _ROWS_PER_W

  ibufs = (idx0_v, idx1_v)
  obufs = (out0_v, out1_v)
  isems = (isem0, isem1)
  osems = (osem0, osem1)

  pltpu.async_copy(idx_hbm.at[pl.ds(row_base, _SLAB_ROWS)], idx0_v, isem0)
  pltpu.async_copy(idx_hbm.at[pl.ds(row_base + _SLAB_ROWS, _SLAB_ROWS)],
                   idx1_v, isem1)
  pltpu.sync_copy(table_hbm.at[pl.ds(hh * (_HPC * _EMBED), _HPC * _EMBED)],
                  table_v)

  def do_pair(k, carry):
    for b in range(2):
      s = 2 * k + b
      ibuf, obuf = ibufs[b], obufs[b]
      pltpu.make_async_copy(
          idx_hbm.at[pl.ds(row_base, _SLAB_ROWS)], ibuf, isems[b]).wait()

      @pl.when(k > 0)
      def _wait(obuf=obuf, osem=osems[b]):
        for h in range(_HPC):
          pltpu.make_async_copy(
              obuf.at[h], out_hbm.at[0, pl.ds(0, _SLAB_ROWS)], osem).wait()

      def do_group(g, ibuf=ibuf, obuf=obuf):
        rr = g // _GPR
        gg = g - rr * _GPR
        vi = ibuf[rr, pl.ds(gg * _L, _L)]
        for h in range(_HPC):
          obuf[h, rr, pl.ds(gg * _L, _L)] = plsc.load_gather(
              table_v, [vi + h * _EMBED])

      plsc.parallel_loop(0, _GROUPS, unroll=2)(do_group)

      row = row_base + s * _SLAB_ROWS
      for h in range(_HPC):
        pltpu.async_copy(obuf.at[h],
                         out_hbm.at[hh * _HPC + h, pl.ds(row, _SLAB_ROWS)],
                         osems[b])

      @pl.when(s + 2 < _SLABS)
      def _prefetch(ibuf=ibuf, isem=isems[b], s=s):
        pltpu.async_copy(
            idx_hbm.at[pl.ds(row_base + (s + 2) * _SLAB_ROWS, _SLAB_ROWS)],
            ibuf, isem)
    return carry

  lax.fori_loop(0, _SLABS // 2, do_pair, 0)
  for b in range(2):
    for h in range(_HPC):
      pltpu.make_async_copy(
          obufs[b].at[h], out_hbm.at[0, pl.ds(0, _SLAB_ROWS)], osems[b]).wait()


@jax.jit
def kernel(attn_rpe_index, relative_position_bias_table):
  idx = attn_rpe_index.astype(jnp.int32)
  table_flat = relative_position_bias_table.reshape(-1)
  mesh = plsc.VectorSubcoreMesh(
      core_axis_name="c", subcore_axis_name="s",
      num_cores=_NC, num_subcores=_NS)
  out = pl.kernel(
      _gather_body,
      out_type=jax.ShapeDtypeStruct((_NUM_HEADS, _S, _S), jnp.float32),
      mesh=mesh,
      scratch_types=[
          pltpu.VMEM((_HPC * _EMBED,), jnp.float32),
          pltpu.VMEM((_SLAB_ROWS, _S), jnp.int32),
          pltpu.VMEM((_SLAB_ROWS, _S), jnp.int32),
          pltpu.VMEM((_HPC, _SLAB_ROWS, _S), jnp.float32),
          pltpu.VMEM((_HPC, _SLAB_ROWS, _S), jnp.float32),
          pltpu.SemaphoreType.DMA,
          pltpu.SemaphoreType.DMA,
          pltpu.SemaphoreType.DMA,
          pltpu.SemaphoreType.DMA,
      ],
      compiler_params=pltpu.CompilerParams(needs_layout_passes=False),
  )(table_flat, idx)
  return out[None]

# --- scband reference (transcript-rebuilt; emitter-appended) ---
"""Pipeline reference for scband-relative-position2-dencoder-2508260901706 (READ-ONLY COPY).

The authoritative reference and input builder live on the scoring server;
editing this copy changes nothing except your own understanding.
"""

import jax, jax.numpy as jnp
import numpy as np

NUM_HEADS = 16
EMBED_SIZE = 3969
S = 1024

def setup_inputs(seed: int = 0) -> dict:
    key = jax.random.key(seed)
    k1, k2 = jax.random.split(key)
    attn_rpe_index = jax.random.randint(k1, (S, S), 0, EMBED_SIZE, dtype=jnp.int64 if jax.config.jax_enable_x64 else jnp.int32)
    # trunc_normal_(std=0.02) approximated by normal * 0.02
    relative_position_bias_table = jax.random.normal(k2, (NUM_HEADS, EMBED_SIZE), dtype=jnp.float32) * 0.02
    return {"attn_rpe_index": attn_rpe_index, "relative_position_bias_table": relative_position_bias_table}

def reference(attn_rpe_index, relative_position_bias_table):
    # table[:, attn_rpe_index] -> gather along axis=1 with multi-dim index
    gathered = jnp.take(relative_position_bias_table, attn_rpe_index, axis=1)  # (num_heads, S, S)
    return gathered[None]  # (1, num_heads, S, S)

if __name__ == "__main__":
    import jax
    _d = setup_inputs()
    print(jax.jit(kernel)(*tuple(_d.values())))

</pallas_src>

<mosaic_0001>
#map = affine_map<(d0, d1) -> (0)>
#map1 = affine_map<(d0, d1) -> (0, 0)>
#map2 = affine_map<(d0, d1) -> (0, 0, 0)>
module attributes {stable_mosaic.version = 14 : i64} {
  func.func @_gather_body(%arg0: i32, %arg1: i32, %arg2: memref<63504xf32, #tpu.memory_space<hbm>>, %arg3: memref<1024x1024xi32, #tpu.memory_space<hbm>>, %arg4: memref<16x1024x1024xf32, #tpu.memory_space<hbm>>, %arg5: memref<31752xf32, #tpu.memory_space<vmem>>, %arg6: memref<4x1024xi32, #tpu.memory_space<vmem>>, %arg7: memref<4x1024xi32, #tpu.memory_space<vmem>>, %arg8: memref<8x4x1024xf32, #tpu.memory_space<vmem>>, %arg9: memref<8x4x1024xf32, #tpu.memory_space<vmem>>, %arg10: memref<!tpu.dma_semaphore, #tpu.memory_space<semaphore_mem>>, %arg11: memref<!tpu.dma_semaphore, #tpu.memory_space<semaphore_mem>>, %arg12: memref<!tpu.dma_semaphore, #tpu.memory_space<semaphore_mem>>, %arg13: memref<!tpu.dma_semaphore, #tpu.memory_space<semaphore_mem>>) attributes {dimension_semantics = [#tpu.dimension_semantics<core_parallel>, #tpu.dimension_semantics<subcore_parallel>], iteration_bounds = array<i64: 2, 16>, scalar_prefetch = 0 : i64, scratch_operands = 9 : i64, tpu.core_type = #tpu.core_type<sc_vector_subcore>, window_params = [{transform_indices = #map}, {transform_indices = #map1}, {transform_indices = #map2}]} {
    %mul3A = arith.constant 64 : i32
    %mul3A_0 = arith.muli %arg1, %mul3A : i32
    %dma_start3A = arith.constant 0 : i32
    %dma_start3A_1 = tpu.memref_slice %arg3[%mul3A_0, %dma_start3A] : memref<1024x1024xi32, #tpu.memory_space<hbm>> -> memref<4x1024xi32, #tpu.memory_space<hbm>>
    %dma_start3A_2 = arith.constant 0 : i32
    %dma_start3A_3 = tpu.memref_slice %arg3[%mul3A_0, %dma_start3A_2] : memref<1024x1024xi32, #tpu.memory_space<hbm>> -> memref<4x1024xi32, #tpu.memory_space<hbm>>
    tpu.enqueue_dma source(%dma_start3A_3 : memref<4x1024xi32, #tpu.memory_space<hbm>>) target(%arg6 : memref<4x1024xi32, #tpu.memory_space<vmem>>) target_semaphore(%arg10 : memref<!tpu.dma_semaphore, #tpu.memory_space<semaphore_mem>>)
    %add3A = arith.constant 4 : i32
    %add3A_4 = arith.addi %mul3A_0, %add3A : i32
    %dma_start3A_5 = arith.constant 0 : i32
    %dma_start3A_6 = tpu.memref_slice %arg3[%add3A_4, %dma_start3A_5] : memref<1024x1024xi32, #tpu.memory_space<hbm>> -> memref<4x1024xi32, #tpu.memory_space<hbm>>
    %dma_start3A_7 = arith.constant 0 : i32
    %dma_start3A_8 = tpu.memref_slice %arg3[%add3A_4, %dma_start3A_7] : memref<1024x1024xi32, #tpu.memory_space<hbm>> -> memref<4x1024xi32, #tpu.memory_space<hbm>>
    tpu.enqueue_dma source(%dma_start3A_8 : memref<4x1024xi32, #tpu.memory_space<hbm>>) target(%arg7 : memref<4x1024xi32, #tpu.memory_space<vmem>>) target_semaphore(%arg11 : memref<!tpu.dma_semaphore, #tpu.memory_space<semaphore_mem>>)
    %mul3A_9 = arith.constant 31752 : i32
    %mul3A_10 = arith.muli %arg0, %mul3A_9 : i32
    "tpu.region"() ({
      %run_scoped3A = tpu.sem_alloc : memref<!tpu.dma_semaphore, #tpu.memory_space<semaphore_mem>>
      %dma_start3A_303 = tpu.memref_slice %arg2[%mul3A_10] : memref<63504xf32, #tpu.memory_space<hbm>> -> memref<31752xf32, #tpu.memory_space<hbm>>
      %dma_start3A_304 = tpu.memref_slice %arg2[%mul3A_10] : memref<63504xf32, #tpu.memory_space<hbm>> -> memref<31752xf32, #tpu.memory_space<hbm>>
      tpu.enqueue_dma source(%dma_start3A_304 : memref<31752xf32, #tpu.memory_space<hbm>>) target(%arg5 : memref<31752xf32, #tpu.memory_space<vmem>>) target_semaphore(%run_scoped3A : memref<!tpu.dma_semaphore, #tpu.memory_space<semaphore_mem>>)
      %dma_wait3A_305 = tpu.memref_slice %arg2[%mul3A_10] : memref<63504xf32, #tpu.memory_space<hbm>> -> memref<31752xf32, #tpu.memory_space<hbm>>
      %dma_wait3A_306 = tpu.memref_slice %arg2[%mul3A_10] : memref<63504xf32, #tpu.memory_space<hbm>> -> memref<31752xf32, #tpu.memory_space<hbm>>
      tpu.wait_dma2 semaphore(%run_scoped3A : memref<!tpu.dma_semaphore, #tpu.memory_space<semaphore_mem>>) src(%dma_wait3A_306 : memref<31752xf32, #tpu.memory_space<hbm>>) dst(%arg5 : memref<31752xf32, #tpu.memory_space<vmem>>)
      tpu.yield
    }) : () -> ()
    %scan3A = arith.constant 0 : i32
    %scan3A_11 = arith.constant 0 : i32
    %scan3A_12 = arith.constant 8 : i32
    %scan3A_13 = arith.addi %scan3A_11, %scan3A_12 : i32
    %scan3A_14 = arith.constant 1 : i32
    scf.for %scan3A_303 = %scan3A_11 to %scan3A_13 step %scan3A_14  : i32 {
      %mul3A_304 = arith.constant 2 : i32
      %mul3A_305 = arith.muli %mul3A_304, %scan3A_303 : i32
      %add3A_306 = arith.constant 0 : i32
      %add3A_307 = arith.addi %mul3A_305, %add3A_306 : i32
      %dma_wait3A_308 = arith.constant 0 : i32
      %dma_wait3A_309 = tpu.memref_slice %arg3[%mul3A_0, %dma_wait3A_308] : memref<1024x1024xi32, #tpu.memory_space<hbm>> -> memref<4x1024xi32, #tpu.memory_space<hbm>>
      %dma_wait3A_310 = arith.constant 0 : i32
      %dma_wait3A_311 = tpu.memref_slice %arg3[%mul3A_0, %dma_wait3A_310] : memref<1024x1024xi32, #tpu.memory_space<hbm>> -> memref<4x1024xi32, #tpu.memory_space<hbm>>
      tpu.wait_dma2 semaphore(%arg10 : memref<!tpu.dma_semaphore, #tpu.memory_space<semaphore_mem>>) src(%dma_wait3A_311 : memref<4x1024xi32, #tpu.memory_space<hbm>>) dst(%arg6 : memref<4x1024xi32, #tpu.memory_space<vmem>>)
      %gt3A = arith.constant 0 : i32
      %gt3A_312 = arith.cmpi sgt, %scan3A_303, %gt3A : i32
      %convert_element_type3A = arith.extui %gt3A_312 : i1 to i32
      %cond3A = arith.constant 0 : i32
      %cond3A_313 = arith.cmpi ne, %convert_element_type3A, %cond3A : i32
      scf.if %cond3A_313 {
        %dma_wait3A_655 = arith.constant 0 : i32
        %dma_wait3A_656 = arith.constant 0 : i32
        %dma_wait3A_657 = arith.constant 0 : i32
        %dma_wait3A_658 = arith.constant 0 : i32
        %dma_wait3A_659 = tpu.memref_slice %arg8[%dma_wait3A_655, %dma_wait3A_657, %dma_wait3A_658] : memref<8x4x1024xf32, #tpu.memory_space<vmem>> -> memref<1x4x1024xf32, #tpu.memory_space<vmem>>
        %dma_wait3A_660 = tpu.memref_squeeze %dma_wait3A_659 : memref<1x4x1024xf32, #tpu.memory_space<vmem>> -> memref<4x1024xf32, #tpu.memory_space<vmem>>
        %dma_wait3A_661 = arith.constant 0 : i32
        %dma_wait3A_662 = arith.constant 0 : i32
        %dma_wait3A_663 = tpu.memref_slice %arg4[%dma_wait3A_656, %dma_wait3A_661, %dma_wait3A_662] : memref<16x1024x1024xf32, #tpu.memory_space<hbm>> -> memref<1x4x1024xf32, #tpu.memory_space<hbm>>
        %dma_wait3A_664 = tpu.memref_squeeze %dma_wait3A_663 : memref<1x4x1024xf32, #tpu.memory_space<hbm>> -> memref<4x1024xf32, #tpu.memory_space<hbm>>
        %dma_wait3A_665 = arith.constant 0 : i32
        %dma_wait3A_666 = arith.constant 0 : i32
        %dma_wait3A_667 = tpu.memref_slice %arg4[%dma_wait3A_656, %dma_wait3A_665, %dma_wait3A_666] : memref<16x1024x1024xf32, #tpu.memory_space<hbm>> -> memref<1x4x1024xf32, #tpu.memory_space<hbm>>
        %dma_wait3A_668 = tpu.memref_squeeze %dma_wait3A_667 : memref<1x4x1024xf32, #tpu.memory_space<hbm>> -> memref<4x1024xf32, #tpu.memory_space<hbm>>
        %dma_wait3A_669 = arith.constant 0 : i32
        %dma_wait3A_670 = arith.constant 0 : i32
        %dma_wait3A_671 = tpu.memref_slice %arg8[%dma_wait3A_655, %dma_wait3A_669, %dma_wait3A_670] : memref<8x4x1024xf32, #tpu.memory_space<vmem>> -> memref<1x4x1024xf32, #tpu.memory_space<vmem>>
        %dma_wait3A_672 = tpu.memref_squeeze %dma_wait3A_671 : memref<1x4x1024xf32, #tpu.memory_space<vmem>> -> memref<4x1024xf32, #tpu.memory_space<vmem>>
        tpu.wait_dma2 semaphore(%arg12 : memref<!tpu.dma_semaphore, #tpu.memory_space<semaphore_mem>>) src(%dma_wait3A_672 : memref<4x1024xf32, #tpu.memory_space<vmem>>) dst(%dma_wait3A_668 : memref<4x1024xf32, #tpu.memory_space<hbm>>)
        %dma_wait3A_673 = arith.constant 1 : i32
        %dma_wait3A_674 = arith.constant 0 : i32
        %dma_wait3A_675 = arith.constant 0 : i32
        %dma_wait3A_676 = arith.constant 0 : i32
        %dma_wait3A_677 = tpu.memref_slice %arg8[%dma_wait3A_673, %dma_wait3A_675, %dma_wait3A_676] : memref<8x4x1024xf32, #tpu.memory_space<vmem>> -> memref<1x4x1024xf32, #tpu.memory_space<vmem>>
        %dma_wait3A_678 = tpu.memref_squeeze %dma_wait3A_677 : memref<1x4x1024xf32, #tpu.memory_space<vmem>> -> memref<4x1024xf32, #tpu.memory_space<vmem>>
        %dma_wait3A_679 = arith.constant 0 : i32
        %dma_wait3A_680 = arith.constant 0 : i32
        %dma_wait3A_681 = tpu.memref_slice %arg4[%dma_wait3A_674, %dma_wait3A_679, %dma_wait3A_680] : memref<16x1024x1024xf32, #tpu.memory_space<hbm>> -> memref<1x4x1024xf32, #tpu.memory_space<hbm>>
        %dma_wait3A_682 = tpu.memref_squeeze %dma_wait3A_681 : memref<1x4x1024xf32, #tpu.memory_space<hbm>> -> memref<4x1024xf32, #tpu.memory_space<hbm>>
        %dma_wait3A_683 = arith.constant 0 : i32
        %dma_wait3A_684 = arith.constant 0 : i32
        %dma_wait3A_685 = tpu.memref_slice %arg4[%dma_wait3A_674, %dma_wait3A_683, %dma_wait3A_684] : memref<16x1024x1024xf32, #tpu.memory_space<hbm>> -> memref<1x4x1024xf32, #tpu.memory_space<hbm>>
        %dma_wait3A_686 = tpu.memref_squeeze %dma_wait3A_685 : memref<1x4x1024xf32, #tpu.memory_space<hbm>> -> memref<4x1024xf32, #tpu.memory_space<hbm>>
        %dma_wait3A_687 = arith.constant 0 : i32
        %dma_wait3A_688 = arith.constant 0 : i32
        %dma_wait3A_689 = tpu.memref_slice %arg8[%dma_wait3A_673, %dma_wait3A_687, %dma_wait3A_688] : memref<8x4x1024xf32, #tpu.memory_space<vmem>> -> memref<1x4x1024xf32, #tpu.memory_space<vmem>>
        %dma_wait3A_690 = tpu.memref_squeeze %dma_wait3A_689 : memref<1x4x1024xf32, #tpu.memory_space<vmem>> -> memref<4x1024xf32, #tpu.memory_space<vmem>>
        tpu.wait_dma2 semaphore(%arg12 : memref<!tpu.dma_semaphore, #tpu.memory_space<semaphore_mem>>) src(%dma_wait3A_690 : memref<4x1024xf32, #tpu.memory_space<vmem>>) dst(%dma_wait3A_686 : memref<4x1024xf32, #tpu.memory_space<hbm>>)
        %dma_wait3A_691 = arith.constant 2 : i32
        %dma_wait3A_692 = arith.constant 0 : i32
        %dma_wait3A_693 = arith.constant 0 : i32
        %dma_wait3A_694 = arith.constant 0 : i32
        %dma_wait3A_695 = tpu.memref_slice %arg8[%dma_wait3A_691, %dma_wait3A_693, %dma_wait3A_694] : memref<8x4x1024xf32, #tpu.memory_space<vmem>> -> memref<1x4x1024xf32, #tpu.memory_space<vmem>>
        %dma_wait3A_696 = tpu.memref_squeeze %dma_wait3A_695 : memref<1x4x1024xf32, #tpu.memory_space<vmem>> -> memref<4x1024xf32, #tpu.memory_space<vmem>>
        %dma_wait3A_697 = arith.constant 0 : i32
        %dma_wait3A_698 = arith.constant 0 : i32
        %dma_wait3A_699 = tpu.memref_slice %arg4[%dma_wait3A_692, %dma_wait3A_697, %dma_wait3A_698] : memref<16x1024x1024xf32, #tpu.memory_space<hbm>> -> memref<1x4x1024xf32, #tpu.memory_space<hbm>>
        %dma_wait3A_700 = tpu.memref_squeeze %dma_wait3A_699 : memref<1x4x1024xf32, #tpu.memory_space<hbm>> -> memref<4x1024xf32, #tpu.memory_space<hbm>>
        %dma_wait3A_701 = arith.constant 0 : i32
        %dma_wait3A_702 = arith.constant 0 : i32
        %dma_wait3A_703 = tpu.memref_slice %arg4[%dma_wait3A_692, %dma_wait3A_701, %dma_wait3A_702] : memref<16x1024x1024xf32, #tpu.memory_space<hbm>> -> memref<1x4x1024xf32, #tpu.memory_space<hbm>>
        %dma_wait3A_704 = tpu.memref_squeeze %dma_wait3A_703 : memref<1x4x1024xf32, #tpu.memory_space<hbm>> -> memref<4x1024xf32, #tpu.memory_space<hbm>>
        %dma_wait3A_705 = arith.constant 0 : i32
        %dma_wait3A_706 = arith.constant 0 : i32
        %dma_wait3A_707 = tpu.memref_slice %arg8[%dma_wait3A_691, %dma_wait3A_705, %dma_wait3A_706] : memref<8x4x1024xf32, #tpu.memory_space<vmem>> -> memref<1x4x1024xf32, #tpu.memory_space<vmem>>
        %dma_wait3A_708 = tpu.memref_squeeze %dma_wait3A_707 : memref<1x4x1024xf32, #tpu.memory_space<vmem>> -> memref<4x1024xf32, #tpu.memory_space<vmem>>
        tpu.wait_dma2 semaphore(%arg12 : memref<!tpu.dma_semaphore, #tpu.memory_space<semaphore_mem>>) src(%dma_wait3A_708 : memref<4x1024xf32, #tpu.memory_space<vmem>>) dst(%dma_wait3A_704 : memref<4x1024xf32, #tpu.memory_space<hbm>>)
        %dma_wait3A_709 = arith.constant 3 : i32
        %dma_wait3A_710 = arith.constant 0 : i32
        %dma_wait3A_711 = arith.constant 0 : i32
        %dma_wait3A_712 = arith.constant 0 : i32
        %dma_wait3A_713 = tpu.memref_slice %arg8[%dma_wait3A_709, %dma_wait3A_711, %dma_wait3A_712] : memref<8x4x1024xf32, #tpu.memory_space<vmem>> -> memref<1x4x1024xf32, #tpu.memory_space<vmem>>
        %dma_wait3A_714 = tpu.memref_squeeze %dma_wait3A_713 : memref<1x4x1024xf32, #tpu.memory_space<vmem>> -> memref<4x1024xf32, #tpu.memory_space<vmem>>
        %dma_wait3A_715 = arith.constant 0 : i32
        %dma_wait3A_716 = arith.constant 0 : i32
        %dma_wait3A_717 = tpu.memref_slice %arg4[%dma_wait3A_710, %dma_wait3A_715, %dma_wait3A_716] : memref<16x1024x1024xf32, #tpu.memory_space<hbm>> -> memref<1x4x1024xf32, #tpu.memory_space<hbm>>
        %dma_wait3A_718 = tpu.memref_squeeze %dma_wait3A_717 : memref<1x4x1024xf32, #tpu.memory_space<hbm>> -> memref<4x1024xf32, #tpu.memory_space<hbm>>
        %dma_wait3A_719 = arith.constant 0 : i32
        %dma_wait3A_720 = arith.constant 0 : i32
        %dma_wait3A_721 = tpu.memref_slice %arg4[%dma_wait3A_710, %dma_wait3A_719, %dma_wait3A_720] : memref<16x1024x1024xf32, #tpu.memory_space<hbm>> -> memref<1x4x1024xf32, #tpu.memory_space<hbm>>
        %dma_wait3A_722 = tpu.memref_squeeze %dma_wait3A_721 : memref<1x4x1024xf32, #tpu.memory_space<hbm>> -> memref<4x1024xf32, #tpu.memory_space<hbm>>
        %dma_wait3A_723 = arith.constant 0 : i32
        %dma_wait3A_724 = arith.constant 0 : i32
        %dma_wait3A_725 = tpu.memref_slice %arg8[%dma_wait3A_709, %dma_wait3A_723, %dma_wait3A_724] : memref<8x4x1024xf32, #tpu.memory_space<vmem>> -> memref<1x4x1024xf32, #tpu.memory_space<vmem>>
        %dma_wait3A_726 = tpu.memref_squeeze %dma_wait3A_725 : memref<1x4x1024xf32, #tpu.memory_space<vmem>> -> memref<4x1024xf32, #tpu.memory_space<vmem>>
        tpu.wait_dma2 semaphore(%arg12 : memref<!tpu.dma_semaphore, #tpu.memory_space<semaphore_mem>>) src(%dma_wait3A_726 : memref<4x1024xf32, #tpu.memory_space<vmem>>) dst(%dma_wait3A_722 : memref<4x1024xf32, #tpu.memory_space<hbm>>)
        %dma_wait3A_727 = arith.constant 4 : i32
        %dma_wait3A_728 = arith.constant 0 : i32
        %dma_wait3A_729 = arith.constant 0 : i32
        %dma_wait3A_730 = arith.constant 0 : i32
        %dma_wait3A_731 = tpu.memref_slice %arg8[%dma_wait3A_727, %dma_wait3A_729, %dma_wait3A_730] : memref<8x4x1024xf32, #tpu.memory_space<vmem>> -> memref<1x4x1024xf32, #tpu.memory_space<vmem>>
        %dma_wait3A_732 = tpu.memref_squeeze %dma_wait3A_731 : memref<1x4x1024xf32, #tpu.memory_space<vmem>> -> memref<4x1024xf32, #tpu.memory_space<vmem>>
        %dma_wait3A_733 = arith.constant 0 : i32
        %dma_wait3A_734 = arith.constant 0 : i32
        %dma_wait3A_735 = tpu.memref_slice %arg4[%dma_wait3A_728, %dma_wait3A_733, %dma_wait3A_734] : memref<16x1024x1024xf32, #tpu.memory_space<hbm>> -> memref<1x4x1024xf32, #tpu.memory_space<hbm>>
        %dma_wait3A_736 = tpu.memref_squeeze %dma_wait3A_735 : memref<1x4x1024xf32, #tpu.memory_space<hbm>> -> memref<4x1024xf32, #tpu.memory_space<hbm>>
        %dma_wait3A_737 = arith.constant 0 : i32
        %dma_wait3A_738 = arith.constant 0 : i32
        %dma_wait3A_739 = tpu.memref_slice %arg4[%dma_wait3A_728, %dma_wait3A_737, %dma_wait3A_738] : memref<16x1024x1024xf32, #tpu.memory_space<hbm>> -> memref<1x4x1024xf32, #tpu.memory_space<hbm>>
        %dma_wait3A_740 = tpu.memref_squeeze %dma_wait3A_739 : memref<1x4x1024xf32, #tpu.memory_space<hbm>> -> memref<4x1024xf32, #tpu.memory_space<hbm>>
        %dma_wait3A_741 = arith.constant 0 : i32
        %dma_wait3A_742 = arith.constant 0 : i32
        %dma_wait3A_743 = tpu.memref_slice %arg8[%dma_wait3A_727, %dma_wait3A_741, %dma_wait3A_742] : memref<8x4x1024xf32, #tpu.memory_space<vmem>> -> memref<1x4x1024xf32, #tpu.memory_space<vmem>>
        %dma_wait3A_744 = tpu.memref_squeeze %dma_wait3A_743 : memref<1x4x1024xf32, #tpu.memory_space<vmem>> -> memref<4x1024xf32, #tpu.memory_space<vmem>>
        tpu.wait_dma2 semaphore(%arg12 : memref<!tpu.dma_semaphore, #tpu.memory_space<semaphore_mem>>) src(%dma_wait3A_744 : memref<4x1024xf32, #tpu.memory_space<vmem>>) dst(%dma_wait3A_740 : memref<4x1024xf32, #tpu.memory_space<hbm>>)
        %dma_wait3A_745 = arith.constant 5 : i32
        %dma_wait3A_746 = arith.constant 0 : i32
        %dma_wait3A_747 = arith.constant 0 : i32
        %dma_wait3A_748 = arith.constant 0 : i32
        %dma_wait3A_749 = tpu.memref_slice %arg8[%dma_wait3A_745, %dma_wait3A_747, %dma_wait3A_748] : memref<8x4x1024xf32, #tpu.memory_space<vmem>> -> memref<1x4x1024xf32, #tpu.memory_space<vmem>>
        %dma_wait3A_750 = tpu.memref_squeeze %dma_wait3A_749 : memref<1x4x1024xf32, #tpu.memory_space<vmem>> -> memref<4x1024xf32, #tpu.memory_space<vmem>>
        %dma_wait3A_751 = arith.constant 0 : i32
        %dma_wait3A_752 = arith.constant 0 : i32
        %dma_wait3A_753 = tpu.memref_slice %arg4[%dma_wait3A_746, %dma_wait3A_751, %dma_wait3A_752] : memref<16x1024x1024xf32, #tpu.memory_space<hbm>> -> memref<1x4x1024xf32, #tpu.memory_space<hbm>>
        %dma_wait3A_754 = tpu.memref_squeeze %dma_wait3A_753 : memref<1x4x1024xf32, #tpu.memory_space<hbm>> -> memref<4x1024xf32, #tpu.memory_space<hbm>>
        %dma_wait3A_755 = arith.constant 0 : i32
        %dma_wait3A_756 = arith.constant 0 : i32
        %dma_wait3A_757 = tpu.memref_slice %arg4[%dma_wait3A_746, %dma_wait3A_755, %dma_wait3A_756] : memref<16x1024x1024xf32, #tpu.memory_space<hbm>> -> memref<1x4x1024xf32, #tpu.memory_space<hbm>>
        %dma_wait3A_758 = tpu.memref_squeeze %dma_wait3A_757 : memref<1x4x1024xf32, #tpu.memory_space<hbm>> -> memref<4x1024xf32, #tpu.memory_space<hbm>>
        %dma_wait3A_759 = arith.constant 0 : i32
        %dma_wait3A_760 = arith.constant 0 : i32
        %dma_wait3A_761 = tpu.memref_slice %arg8[%dma_wait3A_745, %dma_wait3A_759, %dma_wait3A_760] : memref<8x4x1024xf32, #tpu.memory_space<vmem>> -> memref<1x4x1024xf32, #tpu.memory_space<vmem>>
        %dma_wait3A_762 = tpu.memref_squeeze %dma_wait3A_761 : memref<1x4x1024xf32, #tpu.memory_space<vmem>> -> memref<4x1024xf32, #tpu.memory_space<vmem>>
        tpu.wait_dma2 semaphore(%arg12 : memref<!tpu.dma_semaphore, #tpu.memory_space<semaphore_mem>>) src(%dma_wait3A_762 : memref<4x1024xf32, #tpu.memory_space<vmem>>) dst(%dma_wait3A_758 : memref<4x1024xf32, #tpu.memory_space<hbm>>)
        %dma_wait3A_763 = arith.constant 6 : i32
        %dma_wait3A_764 = arith.constant 0 : i32
        %dma_wait3A_765 = arith.constant 0 : i32
        %dma_wait3A_766 = arith.constant 0 : i32
        %dma_wait3A_767 = tpu.memref_slice %arg8[%dma_wait3A_763, %dma_wait3A_765, %dma_wait3A_766] : memref<8x4x1024xf32, #tpu.memory_space<vmem>> -> memref<1x4x1024xf32, #tpu.memory_space<vmem>>
        %dma_wait3A_768 = tpu.memref_squeeze %dma_wait3A_767 : memref<1x4x1024xf32, #tpu.memory_space<vmem>> -> memref<4x1024xf32, #tpu.memory_space<vmem>>
        %dma_wait3A_769 = arith.constant 0 : i32
        %dma_wait3A_770 = arith.constant 0 : i32
        %dma_wait3A_771 = tpu.memref_slice %arg4[%dma_wait3A_764, %dma_wait3A_769, %dma_wait3A_770] : memref<16x1024x1024xf32, #tpu.memory_space<hbm>> -> memref<1x4x1024xf32, #tpu.memory_space<hbm>>
        %dma_wait3A_772 = tpu.memref_squeeze %dma_wait3A_771 : memref<1x4x1024xf32, #tpu.memory_space<hbm>> -> memref<4x1024xf32, #tpu.memory_space<hbm>>
        %dma_wait3A_773 = arith.constant 0 : i32
        %dma_wait3A_774 = arith.constant 0 : i32
        %dma_wait3A_775 = tpu.memref_slice %arg4[%dma_wait3A_764, %dma_wait3A_773, %dma_wait3A_774] : memref<16x1024x1024xf32, #tpu.memory_space<hbm>> -> memref<1x4x1024xf32, #tpu.memory_space<hbm>>
        %dma_wait3A_776 = tpu.memref_squeeze %dma_wait3A_775 : memref<1x4x1024xf32, #tpu.memory_space<hbm>> -> memref<4x1024xf32, #tpu.memory_space<hbm>>
        %dma_wait3A_777 = arith.constant 0 : i32
        %dma_wait3A_778 = arith.constant 0 : i32
        %dma_wait3A_779 = tpu.memref_slice %arg8[%dma_wait3A_763, %dma_wait3A_777, %dma_wait3A_778] : memref<8x4x1024xf32, #tpu.memory_space<vmem>> -> memref<1x4x1024xf32, #tpu.memory_space<vmem>>
        %dma_wait3A_780 = tpu.memref_squeeze %dma_wait3A_779 : memref<1x4x1024xf32, #tpu.memory_space<vmem>> -> memref<4x1024xf32, #tpu.memory_space<vmem>>
        tpu.wait_dma2 semaphore(%arg12 : memref<!tpu.dma_semaphore, #tpu.memory_space<semaphore_mem>>) src(%dma_wait3A_780 : memref<4x1024xf32, #tpu.memory_space<vmem>>) dst(%dma_wait3A_776 : memref<4x1024xf32, #tpu.memory_space<hbm>>)
        %dma_wait3A_781 = arith.constant 7 : i32
        %dma_wait3A_782 = arith.constant 0 : i32
        %dma_wait3A_783 = arith.constant 0 : i32
        %dma_wait3A_784 = arith.constant 0 : i32
        %dma_wait3A_785 = tpu.memref_slice %arg8[%dma_wait3A_781, %dma_wait3A_783, %dma_wait3A_784] : memref<8x4x1024xf32, #tpu.memory_space<vmem>> -> memref<1x4x1024xf32, #tpu.memory_space<vmem>>
        %dma_wait3A_786 = tpu.memref_squeeze %dma_wait3A_785 : memref<1x4x1024xf32, #tpu.memory_space<vmem>> -> memref<4x1024xf32, #tpu.memory_space<vmem>>
        %dma_wait3A_787 = arith.constant 0 : i32
        %dma_wait3A_788 = arith.constant 0 : i32
        %dma_wait3A_789 = tpu.memref_slice %arg4[%dma_wait3A_782, %dma_wait3A_787, %dma_wait3A_788] : memref<16x1024x1024xf32, #tpu.memory_space<hbm>> -> memref<1x4x1024xf32, #tpu.memory_space<hbm>>
        %dma_wait3A_790 = tpu.memref_squeeze %dma_wait3A_789 : memref<1x4x1024xf32, #tpu.memory_space<hbm>> -> memref<4x1024xf32, #tpu.memory_space<hbm>>
        %dma_wait3A_791 = arith.constant 0 : i32
        %dma_wait3A_792 = arith.constant 0 : i32
        %dma_wait3A_793 = tpu.memref_slice %arg4[%dma_wait3A_782, %dma_wait3A_791, %dma_wait3A_792] : memref<16x1024x1024xf32, #tpu.memory_space<hbm>> -> memref<1x4x1024xf32, #tpu.memory_space<hbm>>
        %dma_wait3A_794 = tpu.memref_squeeze %dma_wait3A_793 : memref<1x4x1024xf32, #tpu.memory_space<hbm>> -> memref<4x1024xf32, #tpu.memory_space<hbm>>
        %dma_wait3A_795 = arith.constant 0 : i32
        %dma_wait3A_796 = arith.constant 0 : i32
        %dma_wait3A_797 = tpu.memref_slice %arg8[%dma_wait3A_781, %dma_wait3A_795, %dma_wait3A_796] : memref<8x4x1024xf32, #tpu.memory_space<vmem>> -> memref<1x4x1024xf32, #tpu.memory_space<vmem>>
        %dma_wait3A_798 = tpu.memref_squeeze %dma_wait3A_797 : memref<1x4x1024xf32, #tpu.memory_space<vmem>> -> memref<4x1024xf32, #tpu.memory_space<vmem>>
        tpu.wait_dma2 semaphore(%arg12 : memref<!tpu.dma_semaphore, #tpu.memory_space<semaphore_mem>>) src(%dma_wait3A_798 : memref<4x1024xf32, #tpu.memory_space<vmem>>) dst(%dma_wait3A_794 : memref<4x1024xf32, #tpu.memory_space<hbm>>)
      } else {
      }
      %parallel_loop3A = arith.constant 0 : i32
      %parallel_loop3A_314 = arith.constant 256 : i32
      %parallel_loop3A_315 = arith.constant 1 : i32
      scf.for %parallel_loop3A_655 = %parallel_loop3A to %parallel_loop3A_314 step %parallel_loop3A_315  : i32 {
        %parallel_loop3A_656 = arith.constant 64 : i32
        %parallel_loop3A_657 = arith.divsi %parallel_loop3A_655, %parallel_loop3A_656 : i32
        %parallel_loop3A_658 = arith.constant 0 : i32
        %parallel_loop3A_659 = arith.cmpi sgt, %parallel_loop3A_655, %parallel_loop3A_658 : i32
        %parallel_loop3A_660 = arith.extui %parallel_loop3A_659 : i1 to i32
        %parallel_loop3A_661 = arith.constant 0 : i32
        %parallel_loop3A_662 = arith.cmpi slt, %parallel_loop3A_655, %parallel_loop3A_661 : i32
        %parallel_loop3A_663 = arith.extui %parallel_loop3A_662 : i1 to i32
        %parallel_loop3A_664 = arith.subi %parallel_loop3A_660, %parallel_loop3A_663 : i32
        %parallel_loop3A_665 = arith.constant 0 : i32
        %parallel_loop3A_666 = arith.cmpi sgt, %parallel_loop3A_656, %parallel_loop3A_665 : i32
        %parallel_loop3A_667 = arith.extui %parallel_loop3A_666 : i1 to i32
        %parallel_loop3A_668 = arith.constant 0 : i32
        %parallel_loop3A_669 = arith.cmpi slt, %parallel_loop3A_656, %parallel_loop3A_668 : i32
        %parallel_loop3A_670 = arith.extui %parallel_loop3A_669 : i1 to i32
        %parallel_loop3A_671 = arith.subi %parallel_loop3A_667, %parallel_loop3A_670 : i32
        %parallel_loop3A_672 = arith.cmpi ne, %parallel_loop3A_664, %parallel_loop3A_671 : i32
        %parallel_loop3A_673 = arith.remsi %parallel_loop3A_655, %parallel_loop3A_656 : i32
        %parallel_loop3A_674 = arith.constant 0 : i32
        %parallel_loop3A_675 = arith.cmpi ne, %parallel_loop3A_673, %parallel_loop3A_674 : i32
        %parallel_loop3A_676 = arith.andi %parallel_loop3A_672, %parallel_loop3A_675 : i1
        %parallel_loop3A_677 = arith.constant 1 : i32
        %parallel_loop3A_678 = arith.subi %parallel_loop3A_657, %parallel_loop3A_677 : i32
        %parallel_loop3A_679 = arith.select %parallel_loop3A_676, %parallel_loop3A_678, %parallel_loop3A_657 : i32
        %parallel_loop3A_680 = arith.constant 64 : i32
        %parallel_loop3A_681 = arith.muli %parallel_loop3A_679, %parallel_loop3A_680 : i32
        %parallel_loop3A_682 = arith.subi %parallel_loop3A_655, %parallel_loop3A_681 : i32
        %parallel_loop3A_683 = arith.constant 16 : i32
        %parallel_loop3A_684 = arith.muli %parallel_loop3A_682, %parallel_loop3A_683 : i32
        %parallel_loop3A_685 = arith.index_cast %parallel_loop3A_679 : i32 to index
        %parallel_loop3A_686 = arith.index_cast %parallel_loop3A_684 : i32 to index
        %parallel_loop3A_687 = tpu.vector_load %arg6[%parallel_loop3A_685, %parallel_loop3A_686] {strides = array<i32>} : memref<4x1024xi32, #tpu.memory_space<vmem>>, vector<16xi32>,
        %parallel_loop3A_688 = arith.constant 0 : i32
        %parallel_loop3A_689 = vector.broadcast %parallel_loop3A_688 : i32 to vector<16xi32>
        %parallel_loop3A_690 = arith.addi %parallel_loop3A_687, %parallel_loop3A_689 : vector<16xi32>
        %parallel_loop3A_691 = tpu.vector_load_idx %arg5[%parallel_loop3A_690] : memref<31752xf32, #tpu.memory_space<vmem>>[vector<16xi32>], vector<16xf32>,
        %parallel_loop3A_692 = arith.constant 16 : i32
        %parallel_loop3A_693 = arith.muli %parallel_loop3A_682, %parallel_loop3A_692 : i32
        %parallel_loop3A_694 = arith.constant 0 : i32
        %parallel_loop3A_695 = arith.index_cast %parallel_loop3A_694 : i32 to index
        %parallel_loop3A_696 = arith.index_cast %parallel_loop3A_679 : i32 to index
        %parallel_loop3A_697 = arith.index_cast %parallel_loop3A_693 : i32 to index
        %parallel_loop3A_698 = tpu.vector_load %arg8[%parallel_loop3A_695, %parallel_loop3A_696, %parallel_loop3A_697] {strides = array<i32>} : memref<8x4x1024xf32, #tpu.memory_space<vmem>>, vector<16xf32>,
        tpu.vector_store %arg8[%parallel_loop3A_695, %parallel_loop3A_696, %parallel_loop3A_697], %parallel_loop3A_691 {strides = array<i32>} : memref<8x4x1024xf32, #tpu.memory_space<vmem>>, vector<16xf32>,
        %parallel_loop3A_699 = arith.constant 3969 : i32
        %parallel_loop3A_700 = vector.broadcast %parallel_loop3A_699 : i32 to vector<16xi32>
        %parallel_loop3A_701 = arith.addi %parallel_loop3A_687, %parallel_loop3A_700 : vector<16xi32>
        %parallel_loop3A_702 = tpu.vector_load_idx %arg5[%parallel_loop3A_701] : memref<31752xf32, #tpu.memory_space<vmem>>[vector<16xi32>], vector<16xf32>,
        %parallel_loop3A_703 = arith.constant 16 : i32
        %parallel_loop3A_704 = arith.muli %parallel_loop3A_682, %parallel_loop3A_703 : i32
        %parallel_loop3A_705 = arith.constant 1 : i32
        %parallel_loop3A_706 = arith.index_cast %parallel_loop3A_705 : i32 to index
        %parallel_loop3A_707 = arith.index_cast %parallel_loop3A_679 : i32 to index
        %parallel_loop3A_708 = arith.index_cast %parallel_loop3A_704 : i32 to index
        %parallel_loop3A_709 = tpu.vector_load %arg8[%parallel_loop3A_706, %parallel_loop3A_707, %parallel_loop3A_708] {strides = array<i32>} : memref<8x4x1024xf32, #tpu.memory_space<vmem>>, vector<16xf32>,
        tpu.vector_store %arg8[%parallel_loop3A_706, %parallel_loop3A_707, %parallel_loop3A_708], %parallel_loop3A_702 {strides = array<i32>} : memref<8x4x1024xf32, #tpu.memory_space<vmem>>, vector<16xf32>,
        %parallel_loop3A_710 = arith.constant 7938 : i32
        %parallel_loop3A_711 = vector.broadcast %parallel_loop3A_710 : i32 to vector<16xi32>
        %parallel_loop3A_712 = arith.addi %parallel_loop3A_687, %parallel_loop3A_711 : vector<16xi32>
        %parallel_loop3A_713 = tpu.vector_load_idx %arg5[%parallel_loop3A_712] : memref<31752xf32, #tpu.memory_space<vmem>>[vector<16xi32>], vector<16xf32>,
        %parallel_loop3A_714 = arith.constant 16 : i32
        %parallel_loop3A_715 = arith.muli %parallel_loop3A_682, %parallel_loop3A_714 : i32
        %parallel_loop3A_716 = arith.constant 2 : i32
        %parallel_loop3A_717 = arith.index_cast %parallel_loop3A_716 : i32 to index
        %parallel_loop3A_718 = arith.index_cast %parallel_loop3A_679 : i32 to index
        %parallel_loop3A_719 = arith.index_cast %parallel_loop3A_715 : i32 to index
        %parallel_loop3A_720 = tpu.vector_load %arg8[%parallel_loop3A_717, %parallel_loop3A_718, %parallel_loop3A_719] {strides = array<i32>} : memref<8x4x1024xf32, #tpu.memory_space<vmem>>, vector<16xf32>,
        tpu.vector_store %arg8[%parallel_loop3A_717, %parallel_loop3A_718, %parallel_loop3A_719], %parallel_loop3A_713 {strides = array<i32>} : memref<8x4x1024xf32, #tpu.memory_space<vmem>>, vector<16xf32>,
        %parallel_loop3A_721 = arith.constant 11907 : i32
        %parallel_loop3A_722 = vector.broadcast %parallel_loop3A_721 : i32 to vector<16xi32>
        %parallel_loop3A_723 = arith.addi %parallel_loop3A_687, %parallel_loop3A_722 : vector<16xi32>
        %parallel_loop3A_724 = tpu.vector_load_idx %arg5[%parallel_loop3A_723] : memref<31752xf32, #tpu.memory_space<vmem>>[vector<16xi32>], vector<16xf32>,
        %parallel_loop3A_725 = arith.constant 16 : i32
        %parallel_loop3A_726 = arith.muli %parallel_loop3A_682, %parallel_loop3A_725 : i32
        %parallel_loop3A_727 = arith.constant 3 : i32
        %parallel_loop3A_728 = arith.index_cast %parallel_loop3A_727 : i32 to index
        %parallel_loop3A_729 = arith.index_cast %parallel_loop3A_679 : i32 to index
        %parallel_loop3A_730 = arith.index_cast %parallel_loop3A_726 : i32 to index
        %parallel_loop3A_731 = tpu.vector_load %arg8[%parallel_loop3A_728, %parallel_loop3A_729, %parallel_loop3A_730] {strides = array<i32>} : memref<8x4x1024xf32, #tpu.memory_space<vmem>>, vector<16xf32>,
        tpu.vector_store %arg8[%parallel_loop3A_728, %parallel_loop3A_729, %parallel_loop3A_730], %parallel_loop3A_724 {strides = array<i32>} : memref<8x4x1024xf32, #tpu.memory_space<vmem>>, vector<16xf32>,
        %parallel_loop3A_732 = arith.constant 15876 : i32
        %parallel_loop3A_733 = vector.broadcast %parallel_loop3A_732 : i32 to vector<16xi32>
        %parallel_loop3A_734 = arith.addi %parallel_loop3A_687, %parallel_loop3A_733 : vector<16xi32>
        %parallel_loop3A_735 = tpu.vector_load_idx %arg5[%parallel_loop3A_734] : memref<31752xf32, #tpu.memory_space<vmem>>[vector<16xi32>], vector<16xf32>,
        %parallel_loop3A_736 = arith.constant 16 : i32
        %parallel_loop3A_737 = arith.muli %parallel_loop3A_682, %parallel_loop3A_736 : i32
        %parallel_loop3A_738 = arith.constant 4 : i32
        %parallel_loop3A_739 = arith.index_cast %parallel_loop3A_738 : i32 to index
        %parallel_loop3A_740 = arith.index_cast %parallel_loop3A_679 : i32 to index
        %parallel_loop3A_741 = arith.index_cast %parallel_loop3A_737 : i32 to index
        %parallel_loop3A_742 = tpu.vector_load %arg8[%parallel_loop3A_739, %parallel_loop3A_740, %parallel_loop3A_741] {strides = array<i32>} : memref<8x4x1024xf32, #tpu.memory_space<vmem>>, vector<16xf32>,
        tpu.vector_store %arg8[%parallel_loop3A_739, %parallel_loop3A_740, %parallel_loop3A_741], %parallel_loop3A_735 {strides = array<i32>} : memref<8x4x1024xf32, #tpu.memory_space<vmem>>, vector<16xf32>,
        %parallel_loop3A_743 = arith.constant 19845 : i32
        %parallel_loop3A_744 = vector.broadcast %parallel_loop3A_743 : i32 to vector<16xi32>
        %parallel_loop3A_745 = arith.addi %parallel_loop3A_687, %parallel_loop3A_744 : vector<16xi32>
        %parallel_loop3A_746 = tpu.vector_load_idx %arg5[%parallel_loop3A_745] : memref<31752xf32, #tpu.memory_space<vmem>>[vector<16xi32>], vector<16xf32>,
        %parallel_loop3A_747 = arith.constant 16 : i32
        %parallel_loop3A_748 = arith.muli %parallel_loop3A_682, %parallel_loop3A_747 : i32
        %parallel_loop3A_749 = arith.constant 5 : i32
        %parallel_loop3A_750 = arith.index_cast %parallel_loop3A_749 : i32 to index
        %parallel_loop3A_751 = arith.index_cast %parallel_loop3A_679 : i32 to index
        %parallel_loop3A_752 = arith.index_cast %parallel_loop3A_748 : i32 to index
        %parallel_loop3A_753 = tpu.vector_load %arg8[%parallel_loop3A_750, %parallel_loop3A_751, %parallel_loop3A_752] {strides = array<i32>} : memref<8x4x1024xf32, #tpu.memory_space<vmem>>, vector<16xf32>,
        tpu.vector_store %arg8[%parallel_loop3A_750, %parallel_loop3A_751, %parallel_loop3A_752], %parallel_loop3A_746 {strides = array<i32>} : memref<8x4x1024xf32, #tpu.memory_space<vmem>>, vector<16xf32>,
        %parallel_loop3A_754 = arith.constant 23814 : i32
        %parallel_loop3A_755 = vector.broadcast %parallel_loop3A_754 : i32 to vector<16xi32>
        %parallel_loop3A_756 = arith.addi %parallel_loop3A_687, %parallel_loop3A_755 : vector<16xi32>
        %parallel_loop3A_757 = tpu.vector_load_idx %arg5[%parallel_loop3A_756] : memref<31752xf32, #tpu.memory_space<vmem>>[vector<16xi32>], vector<16xf32>,
        %parallel_loop3A_758 = arith.constant 16 : i32
        %parallel_loop3A_759 = arith.muli %parallel_loop3A_682, %parallel_loop3A_758 : i32
        %parallel_loop3A_760 = arith.constant 6 : i32
        %parallel_loop3A_761 = arith.index_cast %parallel_loop3A_760 : i32 to index
        %parallel_loop3A_762 = arith.index_cast %parallel_loop3A_679 : i32 to index
        %parallel_loop3A_763 = arith.index_cast %parallel_loop3A_759 : i32 to index
        %parallel_loop3A_764 = tpu.vector_load %arg8[%parallel_loop3A_761, %parallel_loop3A_762, %parallel_loop3A_763] {strides = array<i32>} : memref<8x4x1024xf32, #tpu.memory_space<vmem>>, vector<16xf32>,
        tpu.vector_store %arg8[%parallel_loop3A_761, %parallel_loop3A_762, %parallel_loop3A_763], %parallel_loop3A_757 {strides = array<i32>} : memref<8x4x1024xf32, #tpu.memory_space<vmem>>, vector<16xf32>,
        %parallel_loop3A_765 = arith.constant 27783 : i32
        %parallel_loop3A_766 = vector.broadcast %parallel_loop3A_765 : i32 to vector<16xi32>
        %parallel_loop3A_767 = arith.addi %parallel_loop3A_687, %parallel_loop3A_766 : vector<16xi32>
        %parallel_loop3A_768 = tpu.vector_load_idx %arg5[%parallel_loop3A_767] : memref<31752xf32, #tpu.memory_space<vmem>>[vector<16xi32>], vector<16xf32>,
        %parallel_loop3A_769 = arith.constant 16 : i32
        %parallel_loop3A_770 = arith.muli %parallel_loop3A_682, %parallel_loop3A_769 : i32
        %parallel_loop3A_771 = arith.constant 7 : i32
        %parallel_loop3A_772 = arith.index_cast %parallel_loop3A_771 : i32 to index
        %parallel_loop3A_773 = arith.index_cast %parallel_loop3A_679 : i32 to index
        %parallel_loop3A_774 = arith.index_cast %parallel_loop3A_770 : i32 to index
        %parallel_loop3A_775 = tpu.vector_load %arg8[%parallel_loop3A_772, %parallel_loop3A_773, %parallel_loop3A_774] {strides = array<i32>} : memref<8x4x1024xf32, #tpu.memory_space<vmem>>, vector<16xf32>,
        tpu.vector_store %arg8[%parallel_loop3A_772, %parallel_loop3A_773, %parallel_loop3A_774], %parallel_loop3A_768 {strides = array<i32>} : memref<8x4x1024xf32, #tpu.memory_space<vmem>>, vector<16xf32>,
      } {sc.loop_unroll_factor = 2 : i64, sc.parallel_access}
      %mul3A_316 = arith.constant 4 : i32
      %mul3A_317 = arith.muli %add3A_307, %mul3A_316 : i32
      %add3A_318 = arith.addi %mul3A_0, %mul3A_317 : i32
      %mul3A_319 = arith.constant 8 : i32
      %mul3A_320 = arith.muli %arg0, %mul3A_319 : i32
      %add3A_321 = arith.constant 0 : i32
      %add3A_322 = arith.addi %mul3A_320, %add3A_321 : i32
      %dma_start3A_323 = arith.constant 0 : i32
      %dma_start3A_324 = arith.constant 0 : i32
      %dma_start3A_325 = arith.constant 0 : i32
      %dma_start3A_326 = tpu.memref_slice %arg8[%dma_start3A_323, %dma_start3A_324, %dma_start3A_325] : memref<8x4x1024xf32, #tpu.memory_space<vmem>> -> memref<1x4x1024xf32, #tpu.memory_space<vmem>>
      %dma_start3A_327 = tpu.memref_squeeze %dma_start3A_326 : memref<1x4x1024xf32, #tpu.memory_space<vmem>> -> memref<4x1024xf32, #tpu.memory_space<vmem>>
      %dma_start3A_328 = arith.constant 0 : i32
      %dma_start3A_329 = tpu.memref_slice %arg4[%add3A_322, %add3A_318, %dma_start3A_328] : memref<16x1024x1024xf32, #tpu.memory_space<hbm>> -> memref<1x4x1024xf32, #tpu.memory_space<hbm>>
      %dma_start3A_330 = tpu.memref_squeeze %dma_start3A_329 : memref<1x4x1024xf32, #tpu.memory_space<hbm>> -> memref<4x1024xf32, #tpu.memory_space<hbm>>
      %dma_start3A_331 = arith.constant 0 : i32
      %dma_start3A_332 = tpu.memref_slice %arg4[%add3A_322, %add3A_318, %dma_start3A_331] : memref<16x1024x1024xf32, #tpu.memory_space<hbm>> -> memref<1x4x1024xf32, #tpu.memory_space<hbm>>
      %dma_start3A_333 = tpu.memref_squeeze %dma_start3A_332 : memref<1x4x1024xf32, #tpu.memory_space<hbm>> -> memref<4x1024xf32, #tpu.memory_space<hbm>>
      %dma_start3A_334 = arith.constant 0 : i32
      %dma_start3A_335 = arith.constant 0 : i32
      %dma_start3A_336 = tpu.memref_slice %arg8[%dma_start3A_323, %dma_start3A_334, %dma_start3A_335] : memref<8x4x1024xf32, #tpu.memory_space<vmem>> -> memref<1x4x1024xf32, #tpu.memory_space<vmem>>
      %dma_start3A_337 = tpu.memref_squeeze %dma_start3A_336 : memref<1x4x1024xf32, #tpu.memory_space<vmem>> -> memref<4x1024xf32, #tpu.memory_space<vmem>>
      tpu.enqueue_dma source(%dma_start3A_337 : memref<4x1024xf32, #tpu.memory_space<vmem>>) target(%dma_start3A_333 : memref<4x1024xf32, #tpu.memory_space<hbm>>) target_semaphore(%arg12 : memref<!tpu.dma_semaphore, #tpu.memory_space<semaphore_mem>>)
      %mul3A_338 = arith.constant 8 : i32
      %mul3A_339 = arith.muli %arg0, %mul3A_338 : i32
      %add3A_340 = arith.constant 1 : i32
      %add3A_341 = arith.addi %mul3A_339, %add3A_340 : i32
      %dma_start3A_342 = arith.constant 1 : i32
      %dma_start3A_343 = arith.constant 0 : i32
      %dma_start3A_344 = arith.constant 0 : i32
      %dma_start3A_345 = tpu.memref_slice %arg8[%dma_start3A_342, %dma_start3A_343, %dma_start3A_344] : memref<8x4x1024xf32, #tpu.memory_space<vmem>> -> memref<1x4x1024xf32, #tpu.memory_space<vmem>>
      %dma_start3A_346 = tpu.memref_squeeze %dma_start3A_345 : memref<1x4x1024xf32, #tpu.memory_space<vmem>> -> memref<4x1024xf32, #tpu.memory_space<vmem>>
      %dma_start3A_347 = arith.constant 0 : i32
      %dma_start3A_348 = tpu.memref_slice %arg4[%add3A_341, %add3A_318, %dma_start3A_347] : memref<16x1024x1024xf32, #tpu.memory_space<hbm>> -> memref<1x4x1024xf32, #tpu.memory_space<hbm>>
      %dma_start3A_349 = tpu.memref_squeeze %dma_start3A_348 : memref<1x4x1024xf32, #tpu.memory_space<hbm>> -> memref<4x1024xf32, #tpu.memory_space<hbm>>
      %dma_start3A_350 = arith.constant 0 : i32
      %dma_start3A_351 = tpu.memref_slice %arg4[%add3A_341, %add3A_318, %dma_start3A_350] : memref<16x1024x1024xf32, #tpu.memory_space<hbm>> -> memref<1x4x1024xf32, #tpu.memory_space<hbm>>
      %dma_start3A_352 = tpu.memref_squeeze %dma_start3A_351 : memref<1x4x1024xf32, #tpu.memory_space<hbm>> -> memref<4x1024xf32, #tpu.memory_space<hbm>>
      %dma_start3A_353 = arith.constant 0 : i32
      %dma_start3A_354 = arith.constant 0 : i32
      %dma_start3A_355 = tpu.memref_slice %arg8[%dma_start3A_342, %dma_start3A_353, %dma_start3A_354] : memref<8x4x1024xf32, #tpu.memory_space<vmem>> -> memref<1x4x1024xf32, #tpu.memory_space<vmem>>
      %dma_start3A_356 = tpu.memref_squeeze %dma_start3A_355 : memref<1x4x1024xf32, #tpu.memory_space<vmem>> -> memref<4x1024xf32, #tpu.memory_space<vmem>>
      tpu.enqueue_dma source(%dma_start3A_356 : memref<4x1024xf32, #tpu.memory_space<vmem>>) target(%dma_start3A_352 : memref<4x1024xf32, #tpu.memory_space<hbm>>) target_semaphore(%arg12 : memref<!tpu.dma_semaphore, #tpu.memory_space<semaphore_mem>>)
      %mul3A_357 = arith.constant 8 : i32
      %mul3A_358 = arith.muli %arg0, %mul3A_357 : i32
      %add3A_359 = arith.constant 2 : i32
      %add3A_360 = arith.addi %mul3A_358, %add3A_359 : i32
      %dma_start3A_361 = arith.constant 2 : i32
      %dma_start3A_362 = arith.constant 0 : i32
      %dma_start3A_363 = arith.constant 0 : i32
      %dma_start3A_364 = tpu.memref_slice %arg8[%dma_start3A_361, %dma_start3A_362, %dma_start3A_363] : memref<8x4x1024xf32, #tpu.memory_space<vmem>> -> memref<1x4x1024xf32, #tpu.memory_space<vmem>>
      %dma_start3A_365 = tpu.memref_squeeze %dma_start3A_364 : memref<1x4x1024xf32, #tpu.memory_space<vmem>> -> memref<4x1024xf32, #tpu.memory_space<vmem>>
      %dma_start3A_366 = arith.constant 0 : i32
      %dma_start3A_367 = tpu.memref_slice %arg4[%add3A_360, %add3A_318, %dma_start3A_366] : memref<16x1024x1024xf32, #tpu.memory_space<hbm>> -> memref<1x4x1024xf32, #tpu.memory_space<hbm>>
      %dma_start3A_368 = tpu.memref_squeeze %dma_start3A_367 : memref<1x4x1024xf32, #tpu.memory_space<hbm>> -> memref<4x1024xf32, #tpu.memory_space<hbm>>
      %dma_start3A_369 = arith.constant 0 : i32
      %dma_start3A_370 = tpu.memref_slice %arg4[%add3A_360, %add3A_318, %dma_start3A_369] : memref<16x1024x1024xf32, #tpu.memory_space<hbm>> -> memref<1x4x1024xf32, #tpu.memory_space<hbm>>
      %dma_start3A_371 = tpu.memref_squeeze %dma_start3A_370 : memref<1x4x1024xf32, #tpu.memory_space<hbm>> -> memref<4x1024xf32, #tpu.memory_space<hbm>>
      %dma_start3A_372 = arith.constant 0 : i32
      %dma_start3A_373 = arith.constant 0 : i32
      %dma_start3A_374 = tpu.memref_slice %arg8[%dma_start3A_361, %dma_start3A_372, %dma_start3A_373] : memref<8x4x1024xf32, #tpu.memory_space<vmem>> -> memref<1x4x1024xf32, #tpu.memory_space<vmem>>
      %dma_start3A_375 = tpu.memref_squeeze %dma_start3A_374 : memref<1x4x1024xf32, #tpu.memory_space<vmem>> -> memref<4x1024xf32, #tpu.memory_space<vmem>>
      tpu.enqueue_dma source(%dma_start3A_375 : memref<4x1024xf32, #tpu.memory_space<vmem>>) target(%dma_start3A_371 : memref<4x1024xf32, #tpu.memory_space<hbm>>) target_semaphore(%arg12 : memref<!tpu.dma_semaphore, #tpu.memory_space<semaphore_mem>>)
      %mul3A_376 = arith.constant 8 : i32
      %mul3A_377 = arith.muli %arg0, %mul3A_376 : i32
      %add3A_378 = arith.constant 3 : i32
      %add3A_379 = arith.addi %mul3A_377, %add3A_378 : i32
      %dma_start3A_380 = arith.constant 3 : i32
      %dma_start3A_381 = arith.constant 0 : i32
      %dma_start3A_382 = arith.constant 0 : i32
      %dma_start3A_383 = tpu.memref_slice %arg8[%dma_start3A_380, %dma_start3A_381, %dma_start3A_382] : memref<8x4x1024xf32, #tpu.memory_space<vmem>> -> memref<1x4x1024xf32, #tpu.memory_space<vmem>>
      %dma_start3A_384 = tpu.memref_squeeze %dma_start3A_383 : memref<1x4x1024xf32, #tpu.memory_space<vmem>> -> memref<4x1024xf32, #tpu.memory_space<vmem>>
      %dma_start3A_385 = arith.constant 0 : i32
      %dma_start3A_386 = tpu.memref_slice %arg4[%add3A_379, %add3A_318, %dma_start3A_385] : memref<16x1024x1024xf32, #tpu.memory_space<hbm>> -> memref<1x4x1024xf32, #tpu.memory_space<hbm>>
      %dma_start3A_387 = tpu.memref_squeeze %dma_start3A_386 : memref<1x4x1024xf32, #tpu.memory_space<hbm>> -> memref<4x1024xf32, #tpu.memory_space<hbm>>
      %dma_start3A_388 = arith.constant 0 : i32
      %dma_start3A_389 = tpu.memref_slice %arg4[%add3A_379, %add3A_318, %dma_start3A_388] : memref<16x1024x1024xf32, #tpu.memory_space<hbm>> -> memref<1x4x1024xf32, #tpu.memory_space<hbm>>
      %dma_start3A_390 = tpu.memref_squeeze %dma_start3A_389 : memref<1x4x1024xf32, #tpu.memory_space<hbm>> -> memref<4x1024xf32, #tpu.memory_space<hbm>>
      %dma_start3A_391 = arith.constant 0 : i32
      %dma_start3A_392 = arith.constant 0 : i32
      %dma_start3A_393 = tpu.memref_slice %arg8[%dma_start3A_380, %dma_start3A_391, %dma_start3A_392] : memref<8x4x1024xf32, #tpu.memory_space<vmem>> -> memref<1x4x1024xf32, #tpu.memory_space<vmem>>
      %dma_start3A_394 = tpu.memref_squeeze %dma_start3A_393 : memref<1x4x1024xf32, #tpu.memory_space<vmem>> -> memref<4x1024xf32, #tpu.memory_space<vmem>>
      tpu.enqueue_dma source(%dma_start3A_394 : memref<4x1024xf32, #tpu.memory_space<vmem>>) target(%dma_start3A_390 : memref<4x1024xf32, #tpu.memory_space<hbm>>) target_semaphore(%arg12 : memref<!tpu.dma_semaphore, #tpu.memory_space<semaphore_mem>>)
      %mul3A_395 = arith.constant 8 : i32
      %mul3A_396 = arith.muli %arg0, %mul3A_395 : i32
      %add3A_397 = arith.constant 4 : i32
      %add3A_398 = arith.addi %mul3A_396, %add3A_397 : i32
      %dma_start3A_399 = arith.constant 4 : i32
      %dma_start3A_400 = arith.constant 0 : i32
      %dma_start3A_401 = arith.constant 0 : i32
      %dma_start3A_402 = tpu.memref_slice %arg8[%dma_start3A_399, %dma_start3A_400, %dma_start3A_401] : memref<8x4x1024xf32, #tpu.memory_space<vmem>> -> memref<1x4x1024xf32, #tpu.memory_space<vmem>>
      %dma_start3A_403 = tpu.memref_squeeze %dma_start3A_402 : memref<1x4x1024xf32, #tpu.memory_space<vmem>> -> memref<4x1024xf32, #tpu.memory_space<vmem>>
      %dma_start3A_404 = arith.constant 0 : i32
      %dma_start3A_405 = tpu.memref_slice %arg4[%add3A_398, %add3A_318, %dma_start3A_404] : memref<16x1024x1024xf32, #tpu.memory_space<hbm>> -> memref<1x4x1024xf32, #tpu.memory_space<hbm>>
      %dma_start3A_406 = tpu.memref_squeeze %dma_start3A_405 : memref<1x4x1024xf32, #tpu.memory_space<hbm>> -> memref<4x1024xf32, #tpu.memory_space<hbm>>
      %dma_start3A_407 = arith.constant 0 : i32
      %dma_start3A_408 = tpu.memref_slice %arg4[%add3A_398, %add3A_318, %dma_start3A_407] : memref<16x1024x1024xf32, #tpu.memory_space<hbm>> -> memref<1x4x1024xf32, #tpu.memory_space<hbm>>
      %dma_start3A_409 = tpu.memref_squeeze %dma_start3A_408 : memref<1x4x1024xf32, #tpu.memory_space<hbm>> -> memref<4x1024xf32, #tpu.memory_space<hbm>>
      %dma_start3A_410 = arith.constant 0 : i32
      %dma_start3A_411 = arith.constant 0 : i32
      %dma_start3A_412 = tpu.memref_slice %arg8[%dma_start3A_399, %dma_start3A_410, %dma_start3A_411] : memref<8x4x1024xf32, #tpu.memory_space<vmem>> -> memref<1x4x1024xf32, #tpu.memory_space<vmem>>
      %dma_start3A_413 = tpu.memref_squeeze %dma_start3A_412 : memref<1x4x1024xf32, #tpu.memory_space<vmem>> -> memref<4x1024xf32, #tpu.memory_space<vmem>>
      tpu.enqueue_dma source(%dma_start3A_413 : memref<4x1024xf32, #tpu.memory_space<vmem>>) target(%dma_start3A_409 : memref<4x1024xf32, #tpu.memory_space<hbm>>) target_semaphore(%arg12 : memref<!tpu.dma_semaphore, #tpu.memory_space<semaphore_mem>>)
      %mul3A_414 = arith.constant 8 : i32
      %mul3A_415 = arith.muli %arg0, %mul3A_414 : i32
      %add3A_416 = arith.constant 5 : i32
      %add3A_417 = arith.addi %mul3A_415, %add3A_416 : i32
      %dma_start3A_418 = arith.constant 5 : i32
      %dma_start3A_419 = arith.constant 0 : i32
      %dma_start3A_420 = arith.constant 0 : i32
      %dma_start3A_421 = tpu.memref_slice %arg8[%dma_start3A_418, %dma_start3A_419, %dma_start3A_420] : memref<8x4x1024xf32, #tpu.memory_space<vmem>> -> memref<1x4x1024xf32, #tpu.memory_space<vmem>>
      %dma_start3A_422 = tpu.memref_squeeze %dma_start3A_421 : memref<1x4x1024xf32, #tpu.memory_space<vmem>> -> memref<4x1024xf32, #tpu.memory_space<vmem>>
      %dma_start3A_423 = arith.constant 0 : i32
      %dma_start3A_424 = tpu.memref_slice %arg4[%add3A_417, %add3A_318, %dma_start3A_423] : memref<16x1024x1024xf32, #tpu.memory_space<hbm>> -> memref<1x4x1024xf32, #tpu.memory_space<hbm>>
      %dma_start3A_425 = tpu.memref_squeeze %dma_start3A_424 : memref<1x4x1024xf32, #tpu.memory_space<hbm>> -> memref<4x1024xf32, #tpu.memory_space<hbm>>
      %dma_start3A_426 = arith.constant 0 : i32
      %dma_start3A_427 = tpu.memref_slice %arg4[%add3A_417, %add3A_318, %dma_start3A_426] : memref<16x1024x1024xf32, #tpu.memory_space<hbm>> -> memref<1x4x1024xf32, #tpu.memory_space<hbm>>
      %dma_start3A_428 = tpu.memref_squeeze %dma_start3A_427 : memref<1x4x1024xf32, #tpu.memory_space<hbm>> -> memref<4x1024xf32, #tpu.memory_space<hbm>>
      %dma_start3A_429 = arith.constant 0 : i32
      %dma_start3A_430 = arith.constant 0 : i32
      %dma_start3A_431 = tpu.memref_slice %arg8[%dma_start3A_418, %dma_start3A_429, %dma_start3A_430] : memref<8x4x1024xf32, #tpu.memory_space<vmem>> -> memref<1x4x1024xf32, #tpu.memory_space<vmem>>
      %dma_start3A_432 = tpu.memref_squeeze %dma_start3A_431 : memref<1x4x1024xf32, #tpu.memory_space<vmem>> -> memref<4x1024xf32, #tpu.memory_space<vmem>>
      tpu.enqueue_dma source(%dma_start3A_432 : memref<4x1024xf32, #tpu.memory_space<vmem>>) target(%dma_start3A_428 : memref<4x1024xf32, #tpu.memory_space<hbm>>) target_semaphore(%arg12 : memref<!tpu.dma_semaphore, #tpu.memory_space<semaphore_mem>>)
      %mul3A_433 = arith.constant 8 : i32
      %mul3A_434 = arith.muli %arg0, %mul3A_433 : i32
      %add3A_435 = arith.constant 6 : i32
      %add3A_436 = arith.addi %mul3A_434, %add3A_435 : i32
      %dma_start3A_437 = arith.constant 6 : i32
      %dma_start3A_438 = arith.constant 0 : i32
      %dma_start3A_439 = arith.constant 0 : i32
      %dma_start3A_440 = tpu.memref_slice %arg8[%dma_start3A_437, %dma_start3A_438, %dma_start3A_439] : memref<8x4x1024xf32, #tpu.memory_space<vmem>> -> memref<1x4x1024xf32, #tpu.memory_space<vmem>>
      %dma_start3A_441 = tpu.memref_squeeze %dma_start3A_440 : memref<1x4x1024xf32, #tpu.memory_space<vmem>> -> memref<4x1024xf32, #tpu.memory_space<vmem>>
      %dma_start3A_442 = arith.constant 0 : i32
      %dma_start3A_443 = tpu.memref_slice %arg4[%add3A_436, %add3A_318, %dma_start3A_442] : memref<16x1024x1024xf32, #tpu.memory_space<hbm>> -> memref<1x4x1024xf32, #tpu.memory_space<hbm>>
      %dma_start3A_444 = tpu.memref_squeeze %dma_start3A_443 : memref<1x4x1024xf32, #tpu.memory_space<hbm>> -> memref<4x1024xf32, #tpu.memory_space<hbm>>
      %dma_start3A_445 = arith.constant 0 : i32
      %dma_start3A_446 = tpu.memref_slice %arg4[%add3A_436, %add3A_318, %dma_start3A_445] : memref<16x1024x1024xf32, #tpu.memory_space<hbm>> -> memref<1x4x1024xf32, #tpu.memory_space<hbm>>
      %dma_start3A_447 = tpu.memref_squeeze %dma_start3A_446 : memref<1x4x1024xf32, #tpu.memory_space<hbm>> -> memref<4x1024xf32, #tpu.memory_space<hbm>>
      %dma_start3A_448 = arith.constant 0 : i32
      %dma_start3A_449 = arith.constant 0 : i32
      %dma_start3A_450 = tpu.memref_slice %arg8[%dma_start3A_437, %dma_start3A_448, %dma_start3A_449] : memref<8x4x1024xf32, #tpu.memory_space<vmem>> -> memref<1x4x1024xf32, #tpu.memory_space<vmem>>
      %dma_start3A_451 = tpu.memref_squeeze %dma_start3A_450 : memref<1x4x1024xf32, #tpu.memory_space<vmem>> -> memref<4x1024xf32, #tpu.memory_space<vmem>>
      tpu.enqueue_dma source(%dma_start3A_451 : memref<4x1024xf32, #tpu.memory_space<vmem>>) target(%dma_start3A_447 : memref<4x1024xf32, #tpu.memory_space<hbm>>) target_semaphore(%arg12 : memref<!tpu.dma_semaphore, #tpu.memory_space<semaphore_mem>>)
      %mul3A_452 = arith.constant 8 : i32
      %mul3A_453 = arith.muli %arg0, %mul3A_452 : i32
      %add3A_454 = arith.constant 7 : i32
      %add3A_455 = arith.addi %mul3A_453, %add3A_454 : i32
      %dma_start3A_456 = arith.constant 7 : i32
      %dma_start3A_457 = arith.constant 0 : i32
      %dma_start3A_458 = arith.constant 0 : i32
      %dma_start3A_459 = tpu.memref_slice %arg8[%dma_start3A_456, %dma_start3A_457, %dma_start3A_458] : memref<8x4x1024xf32, #tpu.memory_space<vmem>> -> memref<1x4x1024xf32, #tpu.memory_space<vmem>>
      %dma_start3A_460 = tpu.memref_squeeze %dma_start3A_459 : memref<1x4x1024xf32, #tpu.memory_space<vmem>> -> memref<4x1024xf32, #tpu.memory_space<vmem>>
      %dma_start3A_461 = arith.constant 0 : i32
      %dma_start3A_462 = tpu.memref_slice %arg4[%add3A_455, %add3A_318, %dma_start3A_461] : memref<16x1024x1024xf32, #tpu.memory_space<hbm>> -> memref<1x4x1024xf32, #tpu.memory_space<hbm>>
      %dma_start3A_463 = tpu.memref_squeeze %dma_start3A_462 : memref<1x4x1024xf32, #tpu.memory_space<hbm>> -> memref<4x1024xf32, #tpu.memory_space<hbm>>
      %dma_start3A_464 = arith.constant 0 : i32
      %dma_start3A_465 = tpu.memref_slice %arg4[%add3A_455, %add3A_318, %dma_start3A_464] : memref<16x1024x1024xf32, #tpu.memory_space<hbm>> -> memref<1x4x1024xf32, #tpu.memory_space<hbm>>
      %dma_start3A_466 = tpu.memref_squeeze %dma_start3A_465 : memref<1x4x1024xf32, #tpu.memory_space<hbm>> -> memref<4x1024xf32, #tpu.memory_space<hbm>>
      %dma_start3A_467 = arith.constant 0 : i32
      %dma_start3A_468 = arith.constant 0 : i32
      %dma_start3A_469 = tpu.memref_slice %arg8[%dma_start3A_456, %dma_start3A_467, %dma_start3A_468] : memref<8x4x1024xf32, #tpu.memory_space<vmem>> -> memref<1x4x1024xf32, #tpu.memory_space<vmem>>
      %dma_start3A_470 = tpu.memref_squeeze %dma_start3A_469 : memref<1x4x1024xf32, #tpu.memory_space<vmem>> -> memref<4x1024xf32, #tpu.memory_space<vmem>>
      tpu.enqueue_dma source(%dma_start3A_470 : memref<4x1024xf32, #tpu.memory_space<vmem>>) target(%dma_start3A_466 : memref<4x1024xf32, #tpu.memory_space<hbm>>) target_semaphore(%arg12 : memref<!tpu.dma_semaphore, #tpu.memory_space<semaphore_mem>>)
      %add3A_471 = arith.constant 2 : i32
      %add3A_472 = arith.addi %add3A_307, %add3A_471 : i32
      %lt3A = arith.constant 16 : i32
      %lt3A_473 = arith.cmpi slt, %add3A_472, %lt3A : i32
      %convert_element_type3A_474 = arith.extui %lt3A_473 : i1 to i32
      %cond3A_475 = arith.constant 0 : i32
      %cond3A_476 = arith.cmpi ne, %convert_element_type3A_474, %cond3A_475 : i32
      scf.if %cond3A_476 {
        %add3A_655 = arith.constant 2 : i32
        %add3A_656 = arith.addi %add3A_307, %add3A_655 : i32
        %mul3A_657 = arith.constant 4 : i32
        %mul3A_658 = arith.muli %add3A_656, %mul3A_657 : i32
        %add3A_659 = arith.addi %mul3A_0, %mul3A_658 : i32
        %dma_start3A_660 = arith.constant 0 : i32
        %dma_start3A_661 = tpu.memref_slice %arg3[%add3A_659, %dma_start3A_660] : memref<1024x1024xi32, #tpu.memory_space<hbm>> -> memref<4x1024xi32, #tpu.memory_space<hbm>>
        %dma_start3A_662 = arith.constant 0 : i32
        %dma_start3A_663 = tpu.memref_slice %arg3[%add3A_659, %dma_start3A_662] : memref<1024x1024xi32, #tpu.memory_space<hbm>> -> memref<4x1024xi32, #tpu.memory_space<hbm>>
        tpu.enqueue_dma source(%dma_start3A_663 : memref<4x1024xi32, #tpu.memory_space<hbm>>) target(%arg6 : memref<4x1024xi32, #tpu.memory_space<vmem>>) target_semaphore(%arg10 : memref<!tpu.dma_semaphore, #tpu.memory_space<semaphore_mem>>)
      } else {
      }
      %mul3A_477 = arith.constant 2 : i32
      %mul3A_478 = arith.muli %mul3A_477, %scan3A_303 : i32
      %add3A_479 = arith.constant 1 : i32
      %add3A_480 = arith.addi %mul3A_478, %add3A_479 : i32
      %dma_wait3A_481 = arith.constant 0 : i32
      %dma_wait3A_482 = tpu.memref_slice %arg3[%mul3A_0, %dma_wait3A_481] : memref<1024x1024xi32, #tpu.memory_space<hbm>> -> memref<4x1024xi32, #tpu.memory_space<hbm>>
      %dma_wait3A_483 = arith.constant 0 : i32
      %dma_wait3A_484 = tpu.memref_slice %arg3[%mul3A_0, %dma_wait3A_483] : memref<1024x1024xi32, #tpu.memory_space<hbm>> -> memref<4x1024xi32, #tpu.memory_space<hbm>>
      tpu.wait_dma2 semaphore(%arg11 : memref<!tpu.dma_semaphore, #tpu.memory_space<semaphore_mem>>) src(%dma_wait3A_484 : memref<4x1024xi32, #tpu.memory_space<hbm>>) dst(%arg7 : memref<4x1024xi32, #tpu.memory_space<vmem>>)
      %gt3A_485 = arith.constant 0 : i32
      %gt3A_486 = arith.cmpi sgt, %scan3A_303, %gt3A_485 : i32
      %convert_element_type3A_487 = arith.extui %gt3A_486 : i1 to i32
      %cond3A_488 = arith.constant 0 : i32
      %cond3A_489 = arith.cmpi ne, %convert_element_type3A_487, %cond3A_488 : i32
      scf.if %cond3A_489 {
        %dma_wait3A_655 = arith.constant 0 : i32
        %dma_wait3A_656 = arith.constant 0 : i32
        %dma_wait3A_657 = arith.constant 0 : i32
        %dma_wait3A_658 = arith.constant 0 : i32
        %dma_wait3A_659 = tpu.memref_slice %arg9[%dma_wait3A_655, %dma_wait3A_657, %dma_wait3A_658] : memref<8x4x1024xf32, #tpu.memory_space<vmem>> -> memref<1x4x1024xf32, #tpu.memory_space<vmem>>
        %dma_wait3A_660 = tpu.memref_squeeze %dma_wait3A_659 : memref<1x4x1024xf32, #tpu.memory_space<vmem>> -> memref<4x1024xf32, #tpu.memory_space<vmem>>
        %dma_wait3A_661 = arith.constant 0 : i32
        %dma_wait3A_662 = arith.constant 0 : i32
        %dma_wait3A_663 = tpu.memref_slice %arg4[%dma_wait3A_656, %dma_wait3A_661, %dma_wait3A_662] : memref<16x1024x1024xf32, #tpu.memory_space<hbm>> -> memref<1x4x1024xf32, #tpu.memory_space<hbm>>
        %dma_wait3A_664 = tpu.memref_squeeze %dma_wait3A_663 : memref<1x4x1024xf32, #tpu.memory_space<hbm>> -> memref<4x1024xf32, #tpu.memory_space<hbm>>
        %dma_wait3A_665 = arith.constant 0 : i32
        %dma_wait3A_666 = arith.constant 0 : i32
        %dma_wait3A_667 = tpu.memref_slice %arg4[%dma_wait3A_656, %dma_wait3A_665, %dma_wait3A_666] : memref<16x1024x1024xf32, #tpu.memory_space<hbm>> -> memref<1x4x1024xf32, #tpu.memory_space<hbm>>
        %dma_wait3A_668 = tpu.memref_squeeze %dma_wait3A_667 : memref<1x4x1024xf32, #tpu.memory_space<hbm>> -> memref<4x1024xf32, #tpu.memory_space<hbm>>
        %dma_wait3A_669 = arith.constant 0 : i32
        %dma_wait3A_670 = arith.constant 0 : i32
        %dma_wait3A_671 = tpu.memref_slice %arg9[%dma_wait3A_655, %dma_wait3A_669, %dma_wait3A_670] : memref<8x4x1024xf32, #tpu.memory_space<vmem>> -> memref<1x4x1024xf32, #tpu.memory_space<vmem>>
        %dma_wait3A_672 = tpu.memref_squeeze %dma_wait3A_671 : memref<1x4x1024xf32, #tpu.memory_space<vmem>> -> memref<4x1024xf32, #tpu.memory_space<vmem>>
        tpu.wait_dma2 semaphore(%arg13 : memref<!tpu.dma_semaphore, #tpu.memory_space<semaphore_mem>>) src(%dma_wait3A_672 : memref<4x1024xf32, #tpu.memory_space<vmem>>) dst(%dma_wait3A_668 : memref<4x1024xf32, #tpu.memory_space<hbm>>)
        %dma_wait3A_673 = arith.constant 1 : i32
        %dma_wait3A_674 = arith.constant 0 : i32
        %dma_wait3A_675 = arith.constant 0 : i32
        %dma_wait3A_676 = arith.constant 0 : i32
        %dma_wait3A_677 = tpu.memref_slice %arg9[%dma_wait3A_673, %dma_wait3A_675, %dma_wait3A_676] : memref<8x4x1024xf32, #tpu.memory_space<vmem>> -> memref<1x4x1024xf32, #tpu.memory_space<vmem>>
        %dma_wait3A_678 = tpu.memref_squeeze %dma_wait3A_677 : memref<1x4x1024xf32, #tpu.memory_space<vmem>> -> memref<4x1024xf32, #tpu.memory_space<vmem>>
        %dma_wait3A_679 = arith.constant 0 : i32
        %dma_wait3A_680 = arith.constant 0 : i32
        %dma_wait3A_681 = tpu.memref_slice %arg4[%dma_wait3A_674, %dma_wait3A_679, %dma_wait3A_680] : memref<16x1024x1024xf32, #tpu.memory_space<hbm>> -> memref<1x4x1024xf32, #tpu.memory_space<hbm>>
        %dma_wait3A_682 = tpu.memref_squeeze %dma_wait3A_681 : memref<1x4x1024xf32, #tpu.memory_space<hbm>> -> memref<4x1024xf32, #tpu.memory_space<hbm>>
        %dma_wait3A_683 = arith.constant 0 : i32
        %dma_wait3A_684 = arith.constant 0 : i32
        %dma_wait3A_685 = tpu.memref_slice %arg4[%dma_wait3A_674, %dma_wait3A_683, %dma_wait3A_684] : memref<16x1024x1024xf32, #tpu.memory_space<hbm>> -> memref<1x4x1024xf32, #tpu.memory_space<hbm>>
        %dma_wait3A_686 = tpu.memref_squeeze %dma_wait3A_685 : memref<1x4x1024xf32, #tpu.memory_space<hbm>> -> memref<4x1024xf32, #tpu.memory_space<hbm>>
        %dma_wait3A_687 = arith.constant 0 : i32
        %dma_wait3A_688 = arith.constant 0 : i32
        %dma_wait3A_689 = tpu.memref_slice %arg9[%dma_wait3A_673, %dma_wait3A_687, %dma_wait3A_688] : memref<8x4x1024xf32, #tpu.memory_space<vmem>> -> memref<1x4x1024xf32, #tpu.memory_space<vmem>>
        %dma_wait3A_690 = tpu.memref_squeeze %dma_wait3A_689 : memref<1x4x1024xf32, #tpu.memory_space<vmem>> -> memref<4x1024xf32, #tpu.memory_space<vmem>>
        tpu.wait_dma2 semaphore(%arg13 : memref<!tpu.dma_semaphore, #tpu.memory_space<semaphore_mem>>) src(%dma_wait3A_690 : memref<4x1024xf32, #tpu.memory_space<vmem>>) dst(%dma_wait3A_686 : memref<4x1024xf32, #tpu.memory_space<hbm>>)
        %dma_wait3A_691 = arith.constant 2 : i32
        %dma_wait3A_692 = arith.constant 0 : i32
        %dma_wait3A_693 = arith.constant 0 : i32
        %dma_wait3A_694 = arith.constant 0 : i32
        %dma_wait3A_695 = tpu.memref_slice %arg9[%dma_wait3A_691, %dma_wait3A_693, %dma_wait3A_694] : memref<8x4x1024xf32, #tpu.memory_space<vmem>> -> memref<1x4x1024xf32, #tpu.memory_space<vmem>>
        %dma_wait3A_696 = tpu.memref_squeeze %dma_wait3A_695 : memref<1x4x1024xf32, #tpu.memory_space<vmem>> -> memref<4x1024xf32, #tpu.memory_space<vmem>>
        %dma_wait3A_697 = arith.constant 0 : i32
        %dma_wait3A_698 = arith.constant 0 : i32
        %dma_wait3A_699 = tpu.memref_slice %arg4[%dma_wait3A_692, %dma_wait3A_697, %dma_wait3A_698] : memref<16x1024x1024xf32, #tpu.memory_space<hbm>> -> memref<1x4x1024xf32, #tpu.memory_space<hbm>>
        %dma_wait3A_700 = tpu.memref_squeeze %dma_wait3A_699 : memref<1x4x1024xf32, #tpu.memory_space<hbm>> -> memref<4x1024xf32, #tpu.memory_space<hbm>>
        %dma_wait3A_701 = arith.constant 0 : i32
        %dma_wait3A_702 = arith.constant 0 : i32
        %dma_wait3A_703 = tpu.memref_slice %arg4[%dma_wait3A_692, %dma_wait3A_701, %dma_wait3A_702] : memref<16x1024x1024xf32, #tpu.memory_space<hbm>> -> memref<1x4x1024xf32, #tpu.memory_space<hbm>>
        %dma_wait3A_704 = tpu.memref_squeeze %dma_wait3A_703 : memref<1x4x1024xf32, #tpu.memory_space<hbm>> -> memref<4x1024xf32, #tpu.memory_space<hbm>>
        %dma_wait3A_705 = arith.constant 0 : i32
        %dma_wait3A_706 = arith.constant 0 : i32
        %dma_wait3A_707 = tpu.memref_slice %arg9[%dma_wait3A_691, %dma_wait3A_705, %dma_wait3A_706] : memref<8x4x1024xf32, #tpu.memory_space<vmem>> -> memref<1x4x1024xf32, #tpu.memory_space<vmem>>
        %dma_wait3A_708 = tpu.memref_squeeze %dma_wait3A_707 : memref<1x4x1024xf32, #tpu.memory_space<vmem>> -> memref<4x1024xf32, #tpu.memory_space<vmem>>
        tpu.wait_dma2 semaphore(%arg13 : memref<!tpu.dma_semaphore, #tpu.memory_space<semaphore_mem>>) src(%dma_wait3A_708 : memref<4x1024xf32, #tpu.memory_space<vmem>>) dst(%dma_wait3A_704 : memref<4x1024xf32, #tpu.memory_space<hbm>>)
        %dma_wait3A_709 = arith.constant 3 : i32
        %dma_wait3A_710 = arith.constant 0 : i32
        %dma_wait3A_711 = arith.constant 0 : i32
        %dma_wait3A_712 = arith.constant 0 : i32
        %dma_wait3A_713 = tpu.memref_slice %arg9[%dma_wait3A_709, %dma_wait3A_711, %dma_wait3A_712] : memref<8x4x1024xf32, #tpu.memory_space<vmem>> -> memref<1x4x1024xf32, #tpu.memory_space<vmem>>
        %dma_wait3A_714 = tpu.memref_squeeze %dma_wait3A_713 : memref<1x4x1024xf32, #tpu.memory_space<vmem>> -> memref<4x1024xf32, #tpu.memory_space<vmem>>
        %dma_wait3A_715 = arith.constant 0 : i32
        %dma_wait3A_716 = arith.constant 0 : i32
        %dma_wait3A_717 = tpu.memref_slice %arg4[%dma_wait3A_710, %dma_wait3A_715, %dma_wait3A_716] : memref<16x1024x1024xf32, #tpu.memory_space<hbm>> -> memref<1x4x1024xf32, #tpu.memory_space<hbm>>
        %dma_wait3A_718 = tpu.memref_squeeze %dma_wait3A_717 : memref<1x4x1024xf32, #tpu.memory_space<hbm>> -> memref<4x1024xf32, #tpu.memory_space<hbm>>
        %dma_wait3A_719 = arith.constant 0 : i32
        %dma_wait3A_720 = arith.constant 0 : i32
        %dma_wait3A_721 = tpu.memref_slice %arg4[%dma_wait3A_710, %dma_wait3A_719, %dma_wait3A_720] : memref<16x1024x1024xf32, #tpu.memory_space<hbm>> -> memref<1x4x1024xf32, #tpu.memory_space<hbm>>
        %dma_wait3A_722 = tpu.memref_squeeze %dma_wait3A_721 : memref<1x4x1024xf32, #tpu.memory_space<hbm>> -> memref<4x1024xf32, #tpu.memory_space<hbm>>
        %dma_wait3A_723 = arith.constant 0 : i32
        %dma_wait3A_724 = arith.constant 0 : i32
        %dma_wait3A_725 = tpu.memref_slice %arg9[%dma_wait3A_709, %dma_wait3A_723, %dma_wait3A_724] : memref<8x4x1024xf32, #tpu.memory_space<vmem>> -> memref<1x4x1024xf32, #tpu.memory_space<vmem>>
        %dma_wait3A_726 = tpu.memref_squeeze %dma_wait3A_725 : memref<1x4x1024xf32, #tpu.memory_space<vmem>> -> memref<4x1024xf32, #tpu.memory_space<vmem>>
        tpu.wait_dma2 semaphore(%arg13 : memref<!tpu.dma_semaphore, #tpu.memory_space<semaphore_mem>>) src(%dma_wait3A_726 : memref<4x1024xf32, #tpu.memory_space<vmem>>) dst(%dma_wait3A_722 : memref<4x1024xf32, #tpu.memory_space<hbm>>)
        %dma_wait3A_727 = arith.constant 4 : i32
        %dma_wait3A_728 = arith.constant 0 : i32
        %dma_wait3A_729 = arith.constant 0 : i32
        %dma_wait3A_730 = arith.constant 0 : i32
        %dma_wait3A_731 = tpu.memref_slice %arg9[%dma_wait3A_727, %dma_wait3A_729, %dma_wait3A_730] : memref<8x4x1024xf32, #tpu.memory_space<vmem>> -> memref<1x4x1024xf32, #tpu.memory_space<vmem>>
        %dma_wait3A_732 = tpu.memref_squeeze %dma_wait3A_731 : memref<1x4x1024xf32, #tpu.memory_space<vmem>> -> memref<4x1024xf32, #tpu.memory_space<vmem>>
        %dma_wait3A_733 = arith.constant 0 : i32
        %dma_wait3A_734 = arith.constant 0 : i32
        %dma_wait3A_735 = tpu.memref_slice %arg4[%dma_wait3A_728, %dma_wait3A_733, %dma_wait3A_734] : memref<16x1024x1024xf32, #tpu.memory_space<hbm>> -> memref<1x4x1024xf32, #tpu.memory_space<hbm>>
        %dma_wait3A_736 = tpu.memref_squeeze %dma_wait3A_735 : memref<1x4x1024xf32, #tpu.memory_space<hbm>> -> memref<4x1024xf32, #tpu.memory_space<hbm>>
        %dma_wait3A_737 = arith.constant 0 : i32
        %dma_wait3A_738 = arith.constant 0 : i32
        %dma_wait3A_739 = tpu.memref_slice %arg4[%dma_wait3A_728, %dma_wait3A_737, %dma_wait3A_738] : memref<16x1024x1024xf32, #tpu.memory_space<hbm>> -> memref<1x4x1024xf32, #tpu.memory_space<hbm>>
        %dma_wait3A_740 = tpu.memref_squeeze %dma_wait3A_739 : memref<1x4x1024xf32, #tpu.memory_space<hbm>> -> memref<4x1024xf32, #tpu.memory_space<hbm>>
        %dma_wait3A_741 = arith.constant 0 : i32
        %dma_wait3A_742 = arith.constant 0 : i32
        %dma_wait3A_743 = tpu.memref_slice %arg9[%dma_wait3A_727, %dma_wait3A_741, %dma_wait3A_742] : memref<8x4x1024xf32, #tpu.memory_space<vmem>> -> memref<1x4x1024xf32, #tpu.memory_space<vmem>>
        %dma_wait3A_744 = tpu.memref_squeeze %dma_wait3A_743 : memref<1x4x1024xf32, #tpu.memory_space<vmem>> -> memref<4x1024xf32, #tpu.memory_space<vmem>>
        tpu.wait_dma2 semaphore(%arg13 : memref<!tpu.dma_semaphore, #tpu.memory_space<semaphore_mem>>) src(%dma_wait3A_744 : memref<4x1024xf32, #tpu.memory_space<vmem>>) dst(%dma_wait3A_740 : memref<4x1024xf32, #tpu.memory_space<hbm>>)
        %dma_wait3A_745 = arith.constant 5 : i32
        %dma_wait3A_746 = arith.constant 0 : i32
        %dma_wait3A_747 = arith.constant 0 : i32
        %dma_wait3A_748 = arith.constant 0 : i32
        %dma_wait3A_749 = tpu.memref_slice %arg9[%dma_wait3A_745, %dma_wait3A_747, %dma_wait3A_748] : memref<8x4x1024xf32, #tpu.memory_space<vmem>> -> memref<1x4x1024xf32, #tpu.memory_space<vmem>>
        %dma_wait3A_750 = tpu.memref_squeeze %dma_wait3A_749 : memref<1x4x1024xf32, #tpu.memory_space<vmem>> -> memref<4x1024xf32, #tpu.memory_space<vmem>>
        %dma_wait3A_751 = arith.constant 0 : i32
        %dma_wait3A_752 = arith.constant 0 : i32
        %dma_wait3A_753 = tpu.memref_slice %arg4[%dma_wait3A_746, %dma_wait3A_751, %dma_wait3A_752] : memref<16x1024x1024xf32, #tpu.memory_space<hbm>> -> memref<1x4x1024xf32, #tpu.memory_space<hbm>>
        %dma_wait3A_754 = tpu.memref_squeeze %dma_wait3A_753 : memref<1x4x1024xf32, #tpu.memory_space<hbm>> -> memref<4x1024xf32, #tpu.memory_space<hbm>>
        %dma_wait3A_755 = arith.constant 0 : i32
        %dma_wait3A_756 = arith.constant 0 : i32
        %dma_wait3A_757 = tpu.memref_slice %arg4[%dma_wait3A_746, %dma_wait3A_755, %dma_wait3A_756] : memref<16x1024x1024xf32, #tpu.memory_space<hbm>> -> memref<1x4x1024xf32, #tpu.memory_space<hbm>>
        %dma_wait3A_758 = tpu.memref_squeeze %dma_wait3A_757 : memref<1x4x1024xf32, #tpu.memory_space<hbm>> -> memref<4x1024xf32, #tpu.memory_space<hbm>>
        %dma_wait3A_759 = arith.constant 0 : i32
        %dma_wait3A_760 = arith.constant 0 : i32
        %dma_wait3A_761 = tpu.memref_slice %arg9[%dma_wait3A_745, %dma_wait3A_759, %dma_wait3A_760] : memref<8x4x1024xf32, #tpu.memory_space<vmem>> -> memref<1x4x1024xf32, #tpu.memory_space<vmem>>
        %dma_wait3A_762 = tpu.memref_squeeze %dma_wait3A_761 : memref<1x4x1024xf32, #tpu.memory_space<vmem>> -> memref<4x1024xf32, #tpu.memory_space<vmem>>
        tpu.wait_dma2 semaphore(%arg13 : memref<!tpu.dma_semaphore, #tpu.memory_space<semaphore_mem>>) src(%dma_wait3A_762 : memref<4x1024xf32, #tpu.memory_space<vmem>>) dst(%dma_wait3A_758 : memref<4x1024xf32, #tpu.memory_space<hbm>>)
        %dma_wait3A_763 = arith.constant 6 : i32
        %dma_wait3A_764 = arith.constant 0 : i32
        %dma_wait3A_765 = arith.constant 0 : i32
        %dma_wait3A_766 = arith.constant 0 : i32
        %dma_wait3A_767 = tpu.memref_slice %arg9[%dma_wait3A_763, %dma_wait3A_765, %dma_wait3A_766] : memref<8x4x1024xf32, #tpu.memory_space<vmem>> -> memref<1x4x1024xf32, #tpu.memory_space<vmem>>
        %dma_wait3A_768 = tpu.memref_squeeze %dma_wait3A_767 : memref<1x4x1024xf32, #tpu.memory_space<vmem>> -> memref<4x1024xf32, #tpu.memory_space<vmem>>
        %dma_wait3A_769 = arith.constant 0 : i32
        %dma_wait3A_770 = arith.constant 0 : i32
        %dma_wait3A_771 = tpu.memref_slice %arg4[%dma_wait3A_764, %dma_wait3A_769, %dma_wait3A_770] : memref<16x1024x1024xf32, #tpu.memory_space<hbm>> -> memref<1x4x1024xf32, #tpu.memory_space<hbm>>
        %dma_wait3A_772 = tpu.memref_squeeze %dma_wait3A_771 : memref<1x4x1024xf32, #tpu.memory_space<hbm>> -> memref<4x1024xf32, #tpu.memory_space<hbm>>
        %dma_wait3A_773 = arith.constant 0 : i32
        %dma_wait3A_774 = arith.constant 0 : i32
        %dma_wait3A_775 = tpu.memref_slice %arg4[%dma_wait3A_764, %dma_wait3A_773, %dma_wait3A_774] : memref<16x1024x1024xf32, #tpu.memory_space<hbm>> -> memref<1x4x1024xf32, #tpu.memory_space<hbm>>
        %dma_wait3A_776 = tpu.memref_squeeze %dma_wait3A_775 : memref<1x4x1024xf32, #tpu.memory_space<hbm>> -> memref<4x1024xf32, #tpu.memory_space<hbm>>
        %dma_wait3A_777 = arith.constant 0 : i32
        %dma_wait3A_778 = arith.constant 0 : i32
        %dma_wait3A_779 = tpu.memref_slice %arg9[%dma_wait3A_763, %dma_wait3A_777, %dma_wait3A_778] : memref<8x4x1024xf32, #tpu.memory_space<vmem>> -> memref<1x4x1024xf32, #tpu.memory_space<vmem>>
        %dma_wait3A_780 = tpu.memref_squeeze %dma_wait3A_779 : memref<1x4x1024xf32, #tpu.memory_space<vmem>> -> memref<4x1024xf32, #tpu.memory_space<vmem>>
        tpu.wait_dma2 semaphore(%arg13 : memref<!tpu.dma_semaphore, #tpu.memory_space<semaphore_mem>>) src(%dma_wait3A_780 : memref<4x1024xf32, #tpu.memory_space<vmem>>) dst(%dma_wait3A_776 : memref<4x1024xf32, #tpu.memory_space<hbm>>)
        %dma_wait3A_781 = arith.constant 7 : i32
        %dma_wait3A_782 = arith.constant 0 : i32
        %dma_wait3A_783 = arith.constant 0 : i32
        %dma_wait3A_784 = arith.constant 0 : i32
        %dma_wait3A_785 = tpu.memref_slice %arg9[%dma_wait3A_781, %dma_wait3A_783, %dma_wait3A_784] : memref<8x4x1024xf32, #tpu.memory_space<vmem>> -> memref<1x4x1024xf32, #tpu.memory_space<vmem>>
        %dma_wait3A_786 = tpu.memref_squeeze %dma_wait3A_785 : memref<1x4x1024xf32, #tpu.memory_space<vmem>> -> memref<4x1024xf32, #tpu.memory_space<vmem>>
        %dma_wait3A_787 = arith.constant 0 : i32
        %dma_wait3A_788 = arith.constant 0 : i32
        %dma_wait3A_789 = tpu.memref_slice %arg4[%dma_wait3A_782, %dma_wait3A_787, %dma_wait3A_788] : memref<16x1024x1024xf32, #tpu.memory_space<hbm>> -> memref<1x4x1024xf32, #tpu.memory_space<hbm>>
        %dma_wait3A_790 = tpu.memref_squeeze %dma_wait3A_789 : memref<1x4x1024xf32, #tpu.memory_space<hbm>> -> memref<4x1024xf32, #tpu.memory_space<hbm>>
        %dma_wait3A_791 = arith.constant 0 : i32
        %dma_wait3A_792 = arith.constant 0 : i32
        %dma_wait3A_793 = tpu.memref_slice %arg4[%dma_wait3A_782, %dma_wait3A_791, %dma_wait3A_792] : memref<16x1024x1024xf32, #tpu.memory_space<hbm>> -> memref<1x4x1024xf32, #tpu.memory_space<hbm>>
        %dma_wait3A_794 = tpu.memref_squeeze %dma_wait3A_793 : memref<1x4x1024xf32, #tpu.memory_space<hbm>> -> memref<4x1024xf32, #tpu.memory_space<hbm>>
        %dma_wait3A_795 = arith.constant 0 : i32
        %dma_wait3A_796 = arith.constant 0 : i32
        %dma_wait3A_797 = tpu.memref_slice %arg9[%dma_wait3A_781, %dma_wait3A_795, %dma_wait3A_796] : memref<8x4x1024xf32, #tpu.memory_space<vmem>> -> memref<1x4x1024xf32, #tpu.memory_space<vmem>>
        %dma_wait3A_798 = tpu.memref_squeeze %dma_wait3A_797 : memref<1x4x1024xf32, #tpu.memory_space<vmem>> -> memref<4x1024xf32, #tpu.memory_space<vmem>>
        tpu.wait_dma2 semaphore(%arg13 : memref<!tpu.dma_semaphore, #tpu.memory_space<semaphore_mem>>) src(%dma_wait3A_798 : memref<4x1024xf32, #tpu.memory_space<vmem>>) dst(%dma_wait3A_794 : memref<4x1024xf32, #tpu.memory_space<hbm>>)
      } else {
      }
      %parallel_loop3A_490 = arith.constant 0 : i32
      %parallel_loop3A_491 = arith.constant 256 : i32
      %parallel_loop3A_492 = arith.constant 1 : i32
      scf.for %parallel_loop3A_655 = %parallel_loop3A_490 to %parallel_loop3A_491 step %parallel_loop3A_492  : i32 {
        %parallel_loop3A_656 = arith.constant 64 : i32
        %parallel_loop3A_657 = arith.divsi %parallel_loop3A_655, %parallel_loop3A_656 : i32
        %parallel_loop3A_658 = arith.constant 0 : i32
        %parallel_loop3A_659 = arith.cmpi sgt, %parallel_loop3A_655, %parallel_loop3A_658 : i32
        %parallel_loop3A_660 = arith.extui %parallel_loop3A_659 : i1 to i32
        %parallel_loop3A_661 = arith.constant 0 : i32
        %parallel_loop3A_662 = arith.cmpi slt, %parallel_loop3A_655, %parallel_loop3A_661 : i32
        %parallel_loop3A_663 = arith.extui %parallel_loop3A_662 : i1 to i32
        %parallel_loop3A_664 = arith.subi %parallel_loop3A_660, %parallel_loop3A_663 : i32
        %parallel_loop3A_665 = arith.constant 0 : i32
        %parallel_loop3A_666 = arith.cmpi sgt, %parallel_loop3A_656, %parallel_loop3A_665 : i32
        %parallel_loop3A_667 = arith.extui %parallel_loop3A_666 : i1 to i32
        %parallel_loop3A_668 = arith.constant 0 : i32
        %parallel_loop3A_669 = arith.cmpi slt, %parallel_loop3A_656, %parallel_loop3A_668 : i32
        %parallel_loop3A_670 = arith.extui %parallel_loop3A_669 : i1 to i32
        %parallel_loop3A_671 = arith.subi %parallel_loop3A_667, %parallel_loop3A_670 : i32
        %parallel_loop3A_672 = arith.cmpi ne, %parallel_loop3A_664, %parallel_loop3A_671 : i32
        %parallel_loop3A_673 = arith.remsi %parallel_loop3A_655, %parallel_loop3A_656 : i32
        %parallel_loop3A_674 = arith.constant 0 : i32
        %parallel_loop3A_675 = arith.cmpi ne, %parallel_loop3A_673, %parallel_loop3A_674 : i32
        %parallel_loop3A_676 = arith.andi %parallel_loop3A_672, %parallel_loop3A_675 : i1
        %parallel_loop3A_677 = arith.constant 1 : i32
        %parallel_loop3A_678 = arith.subi %parallel_loop3A_657, %parallel_loop3A_677 : i32
        %parallel_loop3A_679 = arith.select %parallel_loop3A_676, %parallel_loop3A_678, %parallel_loop3A_657 : i32
        %parallel_loop3A_680 = arith.constant 64 : i32
        %parallel_loop3A_681 = arith.muli %parallel_loop3A_679, %parallel_loop3A_680 : i32
        %parallel_loop3A_682 = arith.subi %parallel_loop3A_655, %parallel_loop3A_681 : i32
        %parallel_loop3A_683 = arith.constant 16 : i32
        %parallel_loop3A_684 = arith.muli %parallel_loop3A_682, %parallel_loop3A_683 : i32
        %parallel_loop3A_685 = arith.index_cast %parallel_loop3A_679 : i32 to index
        %parallel_loop3A_686 = arith.index_cast %parallel_loop3A_684 : i32 to index
        %parallel_loop3A_687 = tpu.vector_load %arg7[%parallel_loop3A_685, %parallel_loop3A_686] {strides = array<i32>} : memref<4x1024xi32, #tpu.memory_space<vmem>>, vector<16xi32>,
        %parallel_loop3A_688 = arith.constant 0 : i32
        %parallel_loop3A_689 = vector.broadcast %parallel_loop3A_688 : i32 to vector<16xi32>
        %parallel_loop3A_690 = arith.addi %parallel_loop3A_687, %parallel_loop3A_689 : vector<16xi32>
        %parallel_loop3A_691 = tpu.vector_load_idx %arg5[%parallel_loop3A_690] : memref<31752xf32, #tpu.memory_space<vmem>>[vector<16xi32>], vector<16xf32>,
        %parallel_loop3A_692 = arith.constant 16 : i32
        %parallel_loop3A_693 = arith.muli %parallel_loop3A_682, %parallel_loop3A_692 : i32
        %parallel_loop3A_694 = arith.constant 0 : i32
        %parallel_loop3A_695 = arith.index_cast %parallel_loop3A_694 : i32 to index
        %parallel_loop3A_696 = arith.index_cast %parallel_loop3A_679 : i32 to index
        %parallel_loop3A_697 = arith.index_cast %parallel_loop3A_693 : i32 to index
        %parallel_loop3A_698 = tpu.vector_load %arg9[%parallel_loop3A_695, %parallel_loop3A_696, %parallel_loop3A_697] {strides = array<i32>} : memref<8x4x1024xf32, #tpu.memory_space<vmem>>, vector<16xf32>,
        tpu.vector_store %arg9[%parallel_loop3A_695, %parallel_loop3A_696, %parallel_loop3A_697], %parallel_loop3A_691 {strides = array<i32>} : memref<8x4x1024xf32, #tpu.memory_space<vmem>>, vector<16xf32>,
        %parallel_loop3A_699 = arith.constant 3969 : i32
        %parallel_loop3A_700 = vector.broadcast %parallel_loop3A_699 : i32 to vector<16xi32>
        %parallel_loop3A_701 = arith.addi %parallel_loop3A_687, %parallel_loop3A_700 : vector<16xi32>
        %parallel_loop3A_702 = tpu.vector_load_idx %arg5[%parallel_loop3A_701] : memref<31752xf32, #tpu.memory_space<vmem>>[vector<16xi32>], vector<16xf32>,
        %parallel_loop3A_703 = arith.constant 16 : i32
        %parallel_loop3A_704 = arith.muli %parallel_loop3A_682, %parallel_loop3A_703 : i32
        %parallel_loop3A_705 = arith.constant 1 : i32
        %parallel_loop3A_706 = arith.index_cast %parallel_loop3A_705 : i32 to index
        %parallel_loop3A_707 = arith.index_cast %parallel_loop3A_679 : i32 to index
        %parallel_loop3A_708 = arith.index_cast %parallel_loop3A_704 : i32 to index
        %parallel_loop3A_709 = tpu.vector_load %arg9[%parallel_loop3A_706, %parallel_loop3A_707, %parallel_loop3A_708] {strides = array<i32>} : memref<8x4x1024xf32, #tpu.memory_space<vmem>>, vector<16xf32>,
        tpu.vector_store %arg9[%parallel_loop3A_706, %parallel_loop3A_707, %parallel_loop3A_708], %parallel_loop3A_702 {strides = array<i32>} : memref<8x4x1024xf32, #tpu.memory_space<vmem>>, vector<16xf32>,
        %parallel_loop3A_710 = arith.constant 7938 : i32
        %parallel_loop3A_711 = vector.broadcast %parallel_loop3A_710 : i32 to vector<16xi32>
        %parallel_loop3A_712 = arith.addi %parallel_loop3A_687, %parallel_loop3A_711 : vector<16xi32>
        %parallel_loop3A_713 = tpu.vector_load_idx %arg5[%parallel_loop3A_712] : memref<31752xf32, #tpu.memory_space<vmem>>[vector<16xi32>], vector<16xf32>,
        %parallel_loop3A_714 = arith.constant 16 : i32
        %parallel_loop3A_715 = arith.muli %parallel_loop3A_682, %parallel_loop3A_714 : i32
        %parallel_loop3A_716 = arith.constant 2 : i32
        %parallel_loop3A_717 = arith.index_cast %parallel_loop3A_716 : i32 to index
        %parallel_loop3A_718 = arith.index_cast %parallel_loop3A_679 : i32 to index
        %parallel_loop3A_719 = arith.index_cast %parallel_loop3A_715 : i32 to index
        %parallel_loop3A_720 = tpu.vector_load %arg9[%parallel_loop3A_717, %parallel_loop3A_718, %parallel_loop3A_719] {strides = array<i32>} : memref<8x4x1024xf32, #tpu.memory_space<vmem>>, vector<16xf32>,
        tpu.vector_store %arg9[%parallel_loop3A_717, %parallel_loop3A_718, %parallel_loop3A_719], %parallel_loop3A_713 {strides = array<i32>} : memref<8x4x1024xf32, #tpu.memory_space<vmem>>, vector<16xf32>,
        %parallel_loop3A_721 = arith.constant 11907 : i32
        %parallel_loop3A_722 = vector.broadcast %parallel_loop3A_721 : i32 to vector<16xi32>
        %parallel_loop3A_723 = arith.addi %parallel_loop3A_687, %parallel_loop3A_722 : vector<16xi32>
        %parallel_loop3A_724 = tpu.vector_load_idx %arg5[%parallel_loop3A_723] : memref<31752xf32, #tpu.memory_space<vmem>>[vector<16xi32>], vector<16xf32>,
        %parallel_loop3A_725 = arith.constant 16 : i32
        %parallel_loop3A_726 = arith.muli %parallel_loop3A_682, %parallel_loop3A_725 : i32
        %parallel_loop3A_727 = arith.constant 3 : i32
        %parallel_loop3A_728 = arith.index_cast %parallel_loop3A_727 : i32 to index
        %parallel_loop3A_729 = arith.index_cast %parallel_loop3A_679 : i32 to index
        %parallel_loop3A_730 = arith.index_cast %parallel_loop3A_726 : i32 to index
        %parallel_loop3A_731 = tpu.vector_load %arg9[%parallel_loop3A_728, %parallel_loop3A_729, %parallel_loop3A_730] {strides = array<i32>} : memref<8x4x1024xf32, #tpu.memory_space<vmem>>, vector<16xf32>,
        tpu.vector_store %arg9[%parallel_loop3A_728, %parallel_loop3A_729, %parallel_loop3A_730], %parallel_loop3A_724 {strides = array<i32>} : memref<8x4x1024xf32, #tpu.memory_space<vmem>>, vector<16xf32>,
        %parallel_loop3A_732 = arith.constant 15876 : i32
        %parallel_loop3A_733 = vector.broadcast %parallel_loop3A_732 : i32 to vector<16xi32>
        %parallel_loop3A_734 = arith.addi %parallel_loop3A_687, %parallel_loop3A_733 : vector<16xi32>
        %parallel_loop3A_735 = tpu.vector_load_idx %arg5[%parallel_loop3A_734] : memref<31752xf32, #tpu.memory_space<vmem>>[vector<16xi32>], vector<16xf32>,
        %parallel_loop3A_736 = arith.constant 16 : i32
        %parallel_loop3A_737 = arith.muli %parallel_loop3A_682, %parallel_loop3A_736 : i32
        %parallel_loop3A_738 = arith.constant 4 : i32
        %parallel_loop3A_739 = arith.index_cast %parallel_loop3A_738 : i32 to index
        %parallel_loop3A_740 = arith.index_cast %parallel_loop3A_679 : i32 to index
        %parallel_loop3A_741 = arith.index_cast %parallel_loop3A_737 : i32 to index
        %parallel_loop3A_742 = tpu.vector_load %arg9[%parallel_loop3A_739, %parallel_loop3A_740, %parallel_loop3A_741] {strides = array<i32>} : memref<8x4x1024xf32, #tpu.memory_space<vmem>>, vector<16xf32>,
        tpu.vector_store %arg9[%parallel_loop3A_739, %parallel_loop3A_740, %parallel_loop3A_741], %parallel_loop3A_735 {strides = array<i32>} : memref<8x4x1024xf32, #tpu.memory_space<vmem>>, vector<16xf32>,
        %parallel_loop3A_743 = arith.constant 19845 : i32
        %parallel_loop3A_744 = vector.broadcast %parallel_loop3A_743 : i32 to vector<16xi32>
        %parallel_loop3A_745 = arith.addi %parallel_loop3A_687, %parallel_loop3A_744 : vector<16xi32>
        %parallel_loop3A_746 = tpu.vector_load_idx %arg5[%parallel_loop3A_745] : memref<31752xf32, #tpu.memory_space<vmem>>[vector<16xi32>], vector<16xf32>,
        %parallel_loop3A_747 = arith.constant 16 : i32
        %parallel_loop3A_748 = arith.muli %parallel_loop3A_682, %parallel_loop3A_747 : i32
        %parallel_loop3A_749 = arith.constant 5 : i32
        %parallel_loop3A_750 = arith.index_cast %parallel_loop3A_749 : i32 to index
        %parallel_loop3A_751 = arith.index_cast %parallel_loop3A_679 : i32 to index
        %parallel_loop3A_752 = arith.index_cast %parallel_loop3A_748 : i32 to index
        %parallel_loop3A_753 = tpu.vector_load %arg9[%parallel_loop3A_750, %parallel_loop3A_751, %parallel_loop3A_752] {strides = array<i32>} : memref<8x4x1024xf32, #tpu.memory_space<vmem>>, vector<16xf32>,
        tpu.vector_store %arg9[%parallel_loop3A_750, %parallel_loop3A_751, %parallel_loop3A_752], %parallel_loop3A_746 {strides = array<i32>} : memref<8x4x1024xf32, #tpu.memory_space<vmem>>, vector<16xf32>,
        %parallel_loop3A_754 = arith.constant 23814 : i32
        %parallel_loop3A_755 = vector.broadcast %parallel_loop3A_754 : i32 to vector<16xi32>
        %parallel_loop3A_756 = arith.addi %parallel_loop3A_687, %parallel_loop3A_755 : vector<16xi32>
        %parallel_loop3A_757 = tpu.vector_load_idx %arg5[%parallel_loop3A_756] : memref<31752xf32, #tpu.memory_space<vmem>>[vector<16xi32>], vector<16xf32>,
        %parallel_loop3A_758 = arith.constant 16 : i32
        %parallel_loop3A_759 = arith.muli %parallel_loop3A_682, %parallel_loop3A_758 : i32
        %parallel_loop3A_760 = arith.constant 6 : i32
        %parallel_loop3A_761 = arith.index_cast %parallel_loop3A_760 : i32 to index
        %parallel_loop3A_762 = arith.index_cast %parallel_loop3A_679 : i32 to index
        %parallel_loop3A_763 = arith.index_cast %parallel_loop3A_759 : i32 to index
        %parallel_loop3A_764 = tpu.vector_load %arg9[%parallel_loop3A_761, %parallel_loop3A_762, %parallel_loop3A_763] {strides = array<i32>} : memref<8x4x1024xf32, #tpu.memory_space<vmem>>, vector<16xf32>,
        tpu.vector_store %arg9[%parallel_loop3A_761, %parallel_loop3A_762, %parallel_loop3A_763], %parallel_loop3A_757 {strides = array<i32>} : memref<8x4x1024xf32, #tpu.memory_space<vmem>>, vector<16xf32>,
        %parallel_loop3A_765 = arith.constant 27783 : i32
        %parallel_loop3A_766 = vector.broadcast %parallel_loop3A_765 : i32 to vector<16xi32>
        %parallel_loop3A_767 = arith.addi %parallel_loop3A_687, %parallel_loop3A_766 : vector<16xi32>
        %parallel_loop3A_768 = tpu.vector_load_idx %arg5[%parallel_loop3A_767] : memref<31752xf32, #tpu.memory_space<vmem>>[vector<16xi32>], vector<16xf32>,
        %parallel_loop3A_769 = arith.constant 16 : i32
        %parallel_loop3A_770 = arith.muli %parallel_loop3A_682, %parallel_loop3A_769 : i32
        %parallel_loop3A_771 = arith.constant 7 : i32
        %parallel_loop3A_772 = arith.index_cast %parallel_loop3A_771 : i32 to index
        %parallel_loop3A_773 = arith.index_cast %parallel_loop3A_679 : i32 to index
        %parallel_loop3A_774 = arith.index_cast %parallel_loop3A_770 : i32 to index
        %parallel_loop3A_775 = tpu.vector_load %arg9[%parallel_loop3A_772, %parallel_loop3A_773, %parallel_loop3A_774] {strides = array<i32>} : memref<8x4x1024xf32, #tpu.memory_space<vmem>>, vector<16xf32>,
        tpu.vector_store %arg9[%parallel_loop3A_772, %parallel_loop3A_773, %parallel_loop3A_774], %parallel_loop3A_768 {strides = array<i32>} : memref<8x4x1024xf32, #tpu.memory_space<vmem>>, vector<16xf32>,
      } {sc.loop_unroll_factor = 2 : i64, sc.parallel_access}
      %mul3A_493 = arith.constant 4 : i32
      %mul3A_494 = arith.muli %add3A_480, %mul3A_493 : i32
      %add3A_495 = arith.addi %mul3A_0, %mul3A_494 : i32
      %mul3A_496 = arith.constant 8 : i32
      %mul3A_497 = arith.muli %arg0, %mul3A_496 : i32
      %add3A_498 = arith.constant 0 : i32
      %add3A_499 = arith.addi %mul3A_497, %add3A_498 : i32
      %dma_start3A_500 = arith.constant 0 : i32
      %dma_start3A_501 = arith.constant 0 : i32
      %dma_start3A_502 = arith.constant 0 : i32
      %dma_start3A_503 = tpu.memref_slice %arg9[%dma_start3A_500, %dma_start3A_501, %dma_start3A_502] : memref<8x4x1024xf32, #tpu.memory_space<vmem>> -> memref<1x4x1024xf32, #tpu.memory_space<vmem>>
      %dma_start3A_504 = tpu.memref_squeeze %dma_start3A_503 : memref<1x4x1024xf32, #tpu.memory_space<vmem>> -> memref<4x1024xf32, #tpu.memory_space<vmem>>
      %dma_start3A_505 = arith.constant 0 : i32
      %dma_start3A_506 = tpu.memref_slice %arg4[%add3A_499, %add3A_495, %dma_start3A_505] : memref<16x1024x1024xf32, #tpu.memory_space<hbm>> -> memref<1x4x1024xf32, #tpu.memory_space<hbm>>
      %dma_start3A_507 = tpu.memref_squeeze %dma_start3A_506 : memref<1x4x1024xf32, #tpu.memory_space<hbm>> -> memref<4x1024xf32, #tpu.memory_space<hbm>>
      %dma_start3A_508 = arith.constant 0 : i32
      %dma_start3A_509 = tpu.memref_slice %arg4[%add3A_499, %add3A_495, %dma_start3A_508] : memref<16x1024x1024xf32, #tpu.memory_space<hbm>> -> memref<1x4x1024xf32, #tpu.memory_space<hbm>>
      %dma_start3A_510 = tpu.memref_squeeze %dma_start3A_509 : memref<1x4x1024xf32, #tpu.memory_space<hbm>> -> memref<4x1024xf32, #tpu.memory_space<hbm>>
      %dma_start3A_511 = arith.constant 0 : i32
      %dma_start3A_512 = arith.constant 0 : i32
      %dma_start3A_513 = tpu.memref_slice %arg9[%dma_start3A_500, %dma_start3A_511, %dma_start3A_512] : memref<8x4x1024xf32, #tpu.memory_space<vmem>> -> memref<1x4x1024xf32, #tpu.memory_space<vmem>>
      %dma_start3A_514 = tpu.memref_squeeze %dma_start3A_513 : memref<1x4x1024xf32, #tpu.memory_space<vmem>> -> memref<4x1024xf32, #tpu.memory_space<vmem>>
      tpu.enqueue_dma source(%dma_start3A_514 : memref<4x1024xf32, #tpu.memory_space<vmem>>) target(%dma_start3A_510 : memref<4x1024xf32, #tpu.memory_space<hbm>>) target_semaphore(%arg13 : memref<!tpu.dma_semaphore, #tpu.memory_space<semaphore_mem>>)
      %mul3A_515 = arith.constant 8 : i32
      %mul3A_516 = arith.muli %arg0, %mul3A_515 : i32
      %add3A_517 = arith.constant 1 : i32
      %add3A_518 = arith.addi %mul3A_516, %add3A_517 : i32
      %dma_start3A_519 = arith.constant 1 : i32
      %dma_start3A_520 = arith.constant 0 : i32
      %dma_start3A_521 = arith.constant 0 : i32
      %dma_start3A_522 = tpu.memref_slice %arg9[%dma_start3A_519, %dma_start3A_520, %dma_start3A_521] : memref<8x4x1024xf32, #tpu.memory_space<vmem>> -> memref<1x4x1024xf32, #tpu.memory_space<vmem>>
      %dma_start3A_523 = tpu.memref_squeeze %dma_start3A_522 : memref<1x4x1024xf32, #tpu.memory_space<vmem>> -> memref<4x1024xf32, #tpu.memory_space<vmem>>
      %dma_start3A_524 = arith.constant 0 : i32
      %dma_start3A_525 = tpu.memref_slice %arg4[%add3A_518, %add3A_495, %dma_start3A_524] : memref<16x1024x1024xf32, #tpu.memory_space<hbm>> -> memref<1x4x1024xf32, #tpu.memory_space<hbm>>
      %dma_start3A_526 = tpu.memref_squeeze %dma_start3A_525 : memref<1x4x1024xf32, #tpu.memory_space<hbm>> -> memref<4x1024xf32, #tpu.memory_space<hbm>>
      %dma_start3A_527 = arith.constant 0 : i32
      %dma_start3A_528 = tpu.memref_slice %arg4[%add3A_518, %add3A_495, %dma_start3A_527] : memref<16x1024x1024xf32, #tpu.memory_space<hbm>> -> memref<1x4x1024xf32, #tpu.memory_space<hbm>>
      %dma_start3A_529 = tpu.memref_squeeze %dma_start3A_528 : memref<1x4x1024xf32, #tpu.memory_space<hbm>> -> memref<4x1024xf32, #tpu.memory_space<hbm>>
      %dma_start3A_530 = arith.constant 0 : i32
      %dma_start3A_531 = arith.constant 0 : i32
      %dma_start3A_532 = tpu.memref_slice %arg9[%dma_start3A_519, %dma_start3A_530, %dma_start3A_531] : memref<8x4x1024xf32, #tpu.memory_space<vmem>> -> memref<1x4x1024xf32, #tpu.memory_space<vmem>>
      %dma_start3A_533 = tpu.memref_squeeze %dma_start3A_532 : memref<1x4x1024xf32, #tpu.memory_space<vmem>> -> memref<4x1024xf32, #tpu.memory_space<vmem>>
      tpu.enqueue_dma source(%dma_start3A_533 : memref<4x1024xf32, #tpu.memory_space<vmem>>) target(%dma_start3A_529 : memref<4x1024xf32, #tpu.memory_space<hbm>>) target_semaphore(%arg13 : memref<!tpu.dma_semaphore, #tpu.memory_space<semaphore_mem>>)
      %mul3A_534 = arith.constant 8 : i32
      %mul3A_535 = arith.muli %arg0, %mul3A_534 : i32
      %add3A_536 = arith.constant 2 : i32
      %add3A_537 = arith.addi %mul3A_535, %add3A_536 : i32
      %dma_start3A_538 = arith.constant 2 : i32
      %dma_start3A_539 = arith.constant 0 : i32
      %dma_start3A_540 = arith.constant 0 : i32
      %dma_start3A_541 = tpu.memref_slice %arg9[%dma_start3A_538, %dma_start3A_539, %dma_start3A_540] : memref<8x4x1024xf32, #tpu.memory_space<vmem>> -> memref<1x4x1024xf32, #tpu.memory_space<vmem>>
      %dma_start3A_542 = tpu.memref_squeeze %dma_start3A_541 : memref<1x4x1024xf32, #tpu.memory_space<vmem>> -> memref<4x1024xf32, #tpu.memory_space<vmem>>
      %dma_start3A_543 = arith.constant 0 : i32
      %dma_start3A_544 = tpu.memref_slice %arg4[%add3A_537, %add3A_495, %dma_start3A_543] : memref<16x1024x1024xf32, #tpu.memory_space<hbm>> -> memref<1x4x1024xf32, #tpu.memory_space<hbm>>
      %dma_start3A_545 = tpu.memref_squeeze %dma_start3A_544 : memref<1x4x1024xf32, #tpu.memory_space<hbm>> -> memref<4x1024xf32, #tpu.memory_space<hbm>>
      %dma_start3A_546 = arith.constant 0 : i32
      %dma_start3A_547 = tpu.memref_slice %arg4[%add3A_537, %add3A_495, %dma_start3A_546] : memref<16x1024x1024xf32, #tpu.memory_space<hbm>> -> memref<1x4x1024xf32, #tpu.memory_space<hbm>>
      %dma_start3A_548 = tpu.memref_squeeze %dma_start3A_547 : memref<1x4x1024xf32, #tpu.memory_space<hbm>> -> memref<4x1024xf32, #tpu.memory_space<hbm>>
      %dma_start3A_549 = arith.constant 0 : i32
      %dma_start3A_550 = arith.constant 0 : i32
      %dma_start3A_551 = tpu.memref_slice %arg9[%dma_start3A_538, %dma_start3A_549, %dma_start3A_550] : memref<8x4x1024xf32, #tpu.memory_space<vmem>> -> memref<1x4x1024xf32, #tpu.memory_space<vmem>>
      %dma_start3A_552 = tpu.memref_squeeze %dma_start3A_551 : memref<1x4x1024xf32, #tpu.memory_space<vmem>> -> memref<4x1024xf32, #tpu.memory_space<vmem>>
      tpu.enqueue_dma source(%dma_start3A_552 : memref<4x1024xf32, #tpu.memory_space<vmem>>) target(%dma_start3A_548 : memref<4x1024xf32, #tpu.memory_space<hbm>>) target_semaphore(%arg13 : memref<!tpu.dma_semaphore, #tpu.memory_space<semaphore_mem>>)
      %mul3A_553 = arith.constant 8 : i32
      %mul3A_554 = arith.muli %arg0, %mul3A_553 : i32
      %add3A_555 = arith.constant 3 : i32
      %add3A_556 = arith.addi %mul3A_554, %add3A_555 : i32
      %dma_start3A_557 = arith.constant 3 : i32
      %dma_start3A_558 = arith.constant 0 : i32
      %dma_start3A_559 = arith.constant 0 : i32
      %dma_start3A_560 = tpu.memref_slice %arg9[%dma_start3A_557, %dma_start3A_558, %dma_start3A_559] : memref<8x4x1024xf32, #tpu.memory_space<vmem>> -> memref<1x4x1024xf32, #tpu.memory_space<vmem>>
      %dma_start3A_561 = tpu.memref_squeeze %dma_start3A_560 : memref<1x4x1024xf32, #tpu.memory_space<vmem>> -> memref<4x1024xf32, #tpu.memory_space<vmem>>
      %dma_start3A_562 = arith.constant 0 : i32
      %dma_start3A_563 = tpu.memref_slice %arg4[%add3A_556, %add3A_495, %dma_start3A_562] : memref<16x1024x1024xf32, #tpu.memory_space<hbm>> -> memref<1x4x1024xf32, #tpu.memory_space<hbm>>
      %dma_start3A_564 = tpu.memref_squeeze %dma_start3A_563 : memref<1x4x1024xf32, #tpu.memory_space<hbm>> -> memref<4x1024xf32, #tpu.memory_space<hbm>>
      %dma_start3A_565 = arith.constant 0 : i32
      %dma_start3A_566 = tpu.memref_slice %arg4[%add3A_556, %add3A_495, %dma_start3A_565] : memref<16x1024x1024xf32, #tpu.memory_space<hbm>> -> memref<1x4x1024xf32, #tpu.memory_space<hbm>>
      %dma_start3A_567 = tpu.memref_squeeze %dma_start3A_566 : memref<1x4x1024xf32, #tpu.memory_space<hbm>> -> memref<4x1024xf32, #tpu.memory_space<hbm>>
      %dma_start3A_568 = arith.constant 0 : i32
      %dma_start3A_569 = arith.constant 0 : i32
      %dma_start3A_570 = tpu.memref_slice %arg9[%dma_start3A_557, %dma_start3A_568, %dma_start3A_569] : memref<8x4x1024xf32, #tpu.memory_space<vmem>> -> memref<1x4x1024xf32, #tpu.memory_space<vmem>>
      %dma_start3A_571 = tpu.memref_squeeze %dma_start3A_570 : memref<1x4x1024xf32, #tpu.memory_space<vmem>> -> memref<4x1024xf32, #tpu.memory_space<vmem>>
      tpu.enqueue_dma source(%dma_start3A_571 : memref<4x1024xf32, #tpu.memory_space<vmem>>) target(%dma_start3A_567 : memref<4x1024xf32, #tpu.memory_space<hbm>>) target_semaphore(%arg13 : memref<!tpu.dma_semaphore, #tpu.memory_space<semaphore_mem>>)
      %mul3A_572 = arith.constant 8 : i32
      %mul3A_573 = arith.muli %arg0, %mul3A_572 : i32
      %add3A_574 = arith.constant 4 : i32
      %add3A_575 = arith.addi %mul3A_573, %add3A_574 : i32
      %dma_start3A_576 = arith.constant 4 : i32
      %dma_start3A_577 = arith.constant 0 : i32
      %dma_start3A_578 = arith.constant 0 : i32
      %dma_start3A_579 = tpu.memref_slice %arg9[%dma_start3A_576, %dma_start3A_577, %dma_start3A_578] : memref<8x4x1024xf32, #tpu.memory_space<vmem>> -> memref<1x4x1024xf32, #tpu.memory_space<vmem>>
      %dma_start3A_580 = tpu.memref_squeeze %dma_start3A_579 : memref<1x4x1024xf32, #tpu.memory_space<vmem>> -> memref<4x1024xf32, #tpu.memory_space<vmem>>
      %dma_start3A_581 = arith.constant 0 : i32
      %dma_start3A_582 = tpu.memref_slice %arg4[%add3A_575, %add3A_495, %dma_start3A_581] : memref<16x1024x1024xf32, #tpu.memory_space<hbm>> -> memref<1x4x1024xf32, #tpu.memory_space<hbm>>
      %dma_start3A_583 = tpu.memref_squeeze %dma_start3A_582 : memref<1x4x1024xf32, #tpu.memory_space<hbm>> -> memref<4x1024xf32, #tpu.memory_space<hbm>>
      %dma_start3A_584 = arith.constant 0 : i32
      %dma_start3A_585 = tpu.memref_slice %arg4[%add3A_575, %add3A_495, %dma_start3A_584] : memref<16x1024x1024xf32, #tpu.memory_space<hbm>> -> memref<1x4x1024xf32, #tpu.memory_space<hbm>>
      %dma_start3A_586 = tpu.memref_squeeze %dma_start3A_585 : memref<1x4x1024xf32, #tpu.memory_space<hbm>> -> memref<4x1024xf32, #tpu.memory_space<hbm>>
      %dma_start3A_587 = arith.constant 0 : i32
      %dma_start3A_588 = arith.constant 0 : i32
      %dma_start3A_589 = tpu.memref_slice %arg9[%dma_start3A_576, %dma_start3A_587, %dma_start3A_588] : memref<8x4x1024xf32, #tpu.memory_space<vmem>> -> memref<1x4x1024xf32, #tpu.memory_space<vmem>>
      %dma_start3A_590 = tpu.memref_squeeze %dma_start3A_589 : memref<1x4x1024xf32, #tpu.memory_space<vmem>> -> memref<4x1024xf32, #tpu.memory_space<vmem>>
      tpu.enqueue_dma source(%dma_start3A_590 : memref<4x1024xf32, #tpu.memory_space<vmem>>) target(%dma_start3A_586 : memref<4x1024xf32, #tpu.memory_space<hbm>>) target_semaphore(%arg13 : memref<!tpu.dma_semaphore, #tpu.memory_space<semaphore_mem>>)
      %mul3A_591 = arith.constant 8 : i32
      %mul3A_592 = arith.muli %arg0, %mul3A_591 : i32
      %add3A_593 = arith.constant 5 : i32
      %add3A_594 = arith.addi %mul3A_592, %add3A_593 : i32
      %dma_start3A_595 = arith.constant 5 : i32
      %dma_start3A_596 = arith.constant 0 : i32
      %dma_start3A_597 = arith.constant 0 : i32
      %dma_start3A_598 = tpu.memref_slice %arg9[%dma_start3A_595, %dma_start3A_596, %dma_start3A_597] : memref<8x4x1024xf32, #tpu.memory_space<vmem>> -> memref<1x4x1024xf32, #tpu.memory_space<vmem>>
      %dma_start3A_599 = tpu.memref_squeeze %dma_start3A_598 : memref<1x4x1024xf32, #tpu.memory_space<vmem>> -> memref<4x1024xf32, #tpu.memory_space<vmem>>
      %dma_start3A_600 = arith.constant 0 : i32
      %dma_start3A_601 = tpu.memref_slice %arg4[%add3A_594, %add3A_495, %dma_start3A_600] : memref<16x1024x1024xf32, #tpu.memory_space<hbm>> -> memref<1x4x1024xf32, #tpu.memory_space<hbm>>
      %dma_start3A_602 = tpu.memref_squeeze %dma_start3A_601 : memref<1x4x1024xf32, #tpu.memory_space<hbm>> -> memref<4x1024xf32, #tpu.memory_space<hbm>>
      %dma_start3A_603 = arith.constant 0 : i32
      %dma_start3A_604 = tpu.memref_slice %arg4[%add3A_594, %add3A_495, %dma_start3A_603] : memref<16x1024x1024xf32, #tpu.memory_space<hbm>> -> memref<1x4x1024xf32, #tpu.memory_space<hbm>>
      %dma_start3A_605 = tpu.memref_squeeze %dma_start3A_604 : memref<1x4x1024xf32, #tpu.memory_space<hbm>> -> memref<4x1024xf32, #tpu.memory_space<hbm>>
      %dma_start3A_606 = arith.constant 0 : i32
      %dma_start3A_607 = arith.constant 0 : i32
      %dma_start3A_608 = tpu.memref_slice %arg9[%dma_start3A_595, %dma_start3A_606, %dma_start3A_607] : memref<8x4x1024xf32, #tpu.memory_space<vmem>> -> memref<1x4x1024xf32, #tpu.memory_space<vmem>>
      %dma_start3A_609 = tpu.memref_squeeze %dma_start3A_608 : memref<1x4x1024xf32, #tpu.memory_space<vmem>> -> memref<4x1024xf32, #tpu.memory_space<vmem>>
      tpu.enqueue_dma source(%dma_start3A_609 : memref<4x1024xf32, #tpu.memory_space<vmem>>) target(%dma_start3A_605 : memref<4x1024xf32, #tpu.memory_space<hbm>>) target_semaphore(%arg13 : memref<!tpu.dma_semaphore, #tpu.memory_space<semaphore_mem>>)
      %mul3A_610 = arith.constant 8 : i32
      %mul3A_611 = arith.muli %arg0, %mul3A_610 : i32
      %add3A_612 = arith.constant 6 : i32
      %add3A_613 = arith.addi %mul3A_611, %add3A_612 : i32
      %dma_start3A_614 = arith.constant 6 : i32
      %dma_start3A_615 = arith.constant 0 : i32
      %dma_start3A_616 = arith.constant 0 : i32
      %dma_start3A_617 = tpu.memref_slice %arg9[%dma_start3A_614, %dma_start3A_615, %dma_start3A_616] : memref<8x4x1024xf32, #tpu.memory_space<vmem>> -> memref<1x4x1024xf32, #tpu.memory_space<vmem>>
      %dma_start3A_618 = tpu.memref_squeeze %dma_start3A_617 : memref<1x4x1024xf32, #tpu.memory_space<vmem>> -> memref<4x1024xf32, #tpu.memory_space<vmem>>
      %dma_start3A_619 = arith.constant 0 : i32
      %dma_start3A_620 = tpu.memref_slice %arg4[%add3A_613, %add3A_495, %dma_start3A_619] : memref<16x1024x1024xf32, #tpu.memory_space<hbm>> -> memref<1x4x1024xf32, #tpu.memory_space<hbm>>
      %dma_start3A_621 = tpu.memref_squeeze %dma_start3A_620 : memref<1x4x1024xf32, #tpu.memory_space<hbm>> -> memref<4x1024xf32, #tpu.memory_space<hbm>>
      %dma_start3A_622 = arith.constant 0 : i32
      %dma_start3A_623 = tpu.memref_slice %arg4[%add3A_613, %add3A_495, %dma_start3A_622] : memref<16x1024x1024xf32, #tpu.memory_space<hbm>> -> memref<1x4x1024xf32, #tpu.memory_space<hbm>>
      %dma_start3A_624 = tpu.memref_squeeze %dma_start3A_623 : memref<1x4x1024xf32, #tpu.memory_space<hbm>> -> memref<4x1024xf32, #tpu.memory_space<hbm>>
      %dma_start3A_625 = arith.constant 0 : i32
      %dma_start3A_626 = arith.constant 0 : i32
      %dma_start3A_627 = tpu.memref_slice %arg9[%dma_start3A_614, %dma_start3A_625, %dma_start3A_626] : memref<8x4x1024xf32, #tpu.memory_space<vmem>> -> memref<1x4x1024xf32, #tpu.memory_space<vmem>>
      %dma_start3A_628 = tpu.memref_squeeze %dma_start3A_627 : memref<1x4x1024xf32, #tpu.memory_space<vmem>> -> memref<4x1024xf32, #tpu.memory_space<vmem>>
      tpu.enqueue_dma source(%dma_start3A_628 : memref<4x1024xf32, #tpu.memory_space<vmem>>) target(%dma_start3A_624 : memref<4x1024xf32, #tpu.memory_space<hbm>>) target_semaphore(%arg13 : memref<!tpu.dma_semaphore, #tpu.memory_space<semaphore_mem>>)
      %mul3A_629 = arith.constant 8 : i32
      %mul3A_630 = arith.muli %arg0, %mul3A_629 : i32
      %add3A_631 = arith.constant 7 : i32
      %add3A_632 = arith.addi %mul3A_630, %add3A_631 : i32
      %dma_start3A_633 = arith.constant 7 : i32
      %dma_start3A_634 = arith.constant 0 : i32
      %dma_start3A_635 = arith.constant 0 : i32
      %dma_start3A_636 = tpu.memref_slice %arg9[%dma_start3A_633, %dma_start3A_634, %dma_start3A_635] : memref<8x4x1024xf32, #tpu.memory_space<vmem>> -> memref<1x4x1024xf32, #tpu.memory_space<vmem>>
      %dma_start3A_637 = tpu.memref_squeeze %dma_start3A_636 : memref<1x4x1024xf32, #tpu.memory_space<vmem>> -> memref<4x1024xf32, #tpu.memory_space<vmem>>
      %dma_start3A_638 = arith.constant 0 : i32
      %dma_start3A_639 = tpu.memref_slice %arg4[%add3A_632, %add3A_495, %dma_start3A_638] : memref<16x1024x1024xf32, #tpu.memory_space<hbm>> -> memref<1x4x1024xf32, #tpu.memory_space<hbm>>
      %dma_start3A_640 = tpu.memref_squeeze %dma_start3A_639 : memref<1x4x1024xf32, #tpu.memory_space<hbm>> -> memref<4x1024xf32, #tpu.memory_space<hbm>>
      %dma_start3A_641 = arith.constant 0 : i32
      %dma_start3A_642 = tpu.memref_slice %arg4[%add3A_632, %add3A_495, %dma_start3A_641] : memref<16x1024x1024xf32, #tpu.memory_space<hbm>> -> memref<1x4x1024xf32, #tpu.memory_space<hbm>>
      %dma_start3A_643 = tpu.memref_squeeze %dma_start3A_642 : memref<1x4x1024xf32, #tpu.memory_space<hbm>> -> memref<4x1024xf32, #tpu.memory_space<hbm>>
      %dma_start3A_644 = arith.constant 0 : i32
      %dma_start3A_645 = arith.constant 0 : i32
      %dma_start3A_646 = tpu.memref_slice %arg9[%dma_start3A_633, %dma_start3A_644, %dma_start3A_645] : memref<8x4x1024xf32, #tpu.memory_space<vmem>> -> memref<1x4x1024xf32, #tpu.memory_space<vmem>>
      %dma_start3A_647 = tpu.memref_squeeze %dma_start3A_646 : memref<1x4x1024xf32, #tpu.memory_space<vmem>> -> memref<4x1024xf32, #tpu.memory_space<vmem>>
      tpu.enqueue_dma source(%dma_start3A_647 : memref<4x1024xf32, #tpu.memory_space<vmem>>) target(%dma_start3A_643 : memref<4x1024xf32, #tpu.memory_space<hbm>>) target_semaphore(%arg13 : memref<!tpu.dma_semaphore, #tpu.memory_space<semaphore_mem>>)
      %add3A_648 = arith.constant 2 : i32
      %add3A_649 = arith.addi %add3A_480, %add3A_648 : i32
      %lt3A_650 = arith.constant 16 : i32
      %lt3A_651 = arith.cmpi slt, %add3A_649, %lt3A_650 : i32
      %convert_element_type3A_652 = arith.extui %lt3A_651 : i1 to i32
      %cond3A_653 = arith.constant 0 : i32
      %cond3A_654 = arith.cmpi ne, %convert_element_type3A_652, %cond3A_653 : i32
      scf.if %cond3A_654 {
        %add3A_655 = arith.constant 2 : i32
        %add3A_656 = arith.addi %add3A_480, %add3A_655 : i32
        %mul3A_657 = arith.constant 4 : i32
        %mul3A_658 = arith.muli %add3A_656, %mul3A_657 : i32
        %add3A_659 = arith.addi %mul3A_0, %mul3A_658 : i32
        %dma_start3A_660 = arith.constant 0 : i32
        %dma_start3A_661 = tpu.memref_slice %arg3[%add3A_659, %dma_start3A_660] : memref<1024x1024xi32, #tpu.memory_space<hbm>> -> memref<4x1024xi32, #tpu.memory_space<hbm>>
        %dma_start3A_662 = arith.constant 0 : i32
        %dma_start3A_663 = tpu.memref_slice %arg3[%add3A_659, %dma_start3A_662] : memref<1024x1024xi32, #tpu.memory_space<hbm>> -> memref<4x1024xi32, #tpu.memory_space<hbm>>
        tpu.enqueue_dma source(%dma_start3A_663 : memref<4x1024xi32, #tpu.memory_space<hbm>>) target(%arg7 : memref<4x1024xi32, #tpu.memory_space<vmem>>) target_semaphore(%arg11 : memref<!tpu.dma_semaphore, #tpu.memory_space<semaphore_mem>>)
      } else {
      }
    }
    %scan3A_15 = arith.constant 8 : i32
    %dma_wait3A = arith.constant 0 : i32
    %dma_wait3A_16 = arith.constant 0 : i32
    %dma_wait3A_17 = arith.constant 0 : i32
    %dma_wait3A_18 = arith.constant 0 : i32
    %dma_wait3A_19 = tpu.memref_slice %arg8[%dma_wait3A, %dma_wait3A_17, %dma_wait3A_18] : memref<8x4x1024xf32, #tpu.memory_space<vmem>> -> memref<1x4x1024xf32, #tpu.memory_space<vmem>>
    %dma_wait3A_20 = tpu.memref_squeeze %dma_wait3A_19 : memref<1x4x1024xf32, #tpu.memory_space<vmem>> -> memref<4x1024xf32, #tpu.memory_space<vmem>>
    %dma_wait3A_21 = arith.constant 0 : i32
    %dma_wait3A_22 = arith.constant 0 : i32
    %dma_wait3A_23 = tpu.memref_slice %arg4[%dma_wait3A_16, %dma_wait3A_21, %dma_wait3A_22] : memref<16x1024x1024xf32, #tpu.memory_space<hbm>> -> memref<1x4x1024xf32, #tpu.memory_space<hbm>>
    %dma_wait3A_24 = tpu.memref_squeeze %dma_wait3A_23 : memref<1x4x1024xf32, #tpu.memory_space<hbm>> -> memref<4x1024xf32, #tpu.memory_space<hbm>>
    %dma_wait3A_25 = arith.constant 0 : i32
    %dma_wait3A_26 = arith.constant 0 : i32
    %dma_wait3A_27 = tpu.memref_slice %arg4[%dma_wait3A_16, %dma_wait3A_25, %dma_wait3A_26] : memref<16x1024x1024xf32, #tpu.memory_space<hbm>> -> memref<1x4x1024xf32, #tpu.memory_space<hbm>>
    %dma_wait3A_28 = tpu.memref_squeeze %dma_wait3A_27 : memref<1x4x1024xf32, #tpu.memory_space<hbm>> -> memref<4x1024xf32, #tpu.memory_space<hbm>>
    %dma_wait3A_29 = arith.constant 0 : i32
    %dma_wait3A_30 = arith.constant 0 : i32
    %dma_wait3A_31 = tpu.memref_slice %arg8[%dma_wait3A, %dma_wait3A_29, %dma_wait3A_30] : memref<8x4x1024xf32, #tpu.memory_space<vmem>> -> memref<1x4x1024xf32, #tpu.memory_space<vmem>>
    %dma_wait3A_32 = tpu.memref_squeeze %dma_wait3A_31 : memref<1x4x1024xf32, #tpu.memory_space<vmem>> -> memref<4x1024xf32, #tpu.memory_space<vmem>>
    tpu.wait_dma2 semaphore(%arg12 : memref<!tpu.dma_semaphore, #tpu.memory_space<semaphore_mem>>) src(%dma_wait3A_32 : memref<4x1024xf32, #tpu.memory_space<vmem>>) dst(%dma_wait3A_28 : memref<4x1024xf32, #tpu.memory_space<hbm>>)
    %dma_wait3A_33 = arith.constant 1 : i32
    %dma_wait3A_34 = arith.constant 0 : i32
    %dma_wait3A_35 = arith.constant 0 : i32
    %dma_wait3A_36 = arith.constant 0 : i32
    %dma_wait3A_37 = tpu.memref_slice %arg8[%dma_wait3A_33, %dma_wait3A_35, %dma_wait3A_36] : memref<8x4x1024xf32, #tpu.memory_space<vmem>> -> memref<1x4x1024xf32, #tpu.memory_space<vmem>>
    %dma_wait3A_38 = tpu.memref_squeeze %dma_wait3A_37 : memref<1x4x1024xf32, #tpu.memory_space<vmem>> -> memref<4x1024xf32, #tpu.memory_space<vmem>>
    %dma_wait3A_39 = arith.constant 0 : i32
    %dma_wait3A_40 = arith.constant 0 : i32
    %dma_wait3A_41 = tpu.memref_slice %arg4[%dma_wait3A_34, %dma_wait3A_39, %dma_wait3A_40] : memref<16x1024x1024xf32, #tpu.memory_space<hbm>> -> memref<1x4x1024xf32, #tpu.memory_space<hbm>>
    %dma_wait3A_42 = tpu.memref_squeeze %dma_wait3A_41 : memref<1x4x1024xf32, #tpu.memory_space<hbm>> -> memref<4x1024xf32, #tpu.memory_space<hbm>>
    %dma_wait3A_43 = arith.constant 0 : i32
    %dma_wait3A_44 = arith.constant 0 : i32
    %dma_wait3A_45 = tpu.memref_slice %arg4[%dma_wait3A_34, %dma_wait3A_43, %dma_wait3A_44] : memref<16x1024x1024xf32, #tpu.memory_space<hbm>> -> memref<1x4x1024xf32, #tpu.memory_space<hbm>>
    %dma_wait3A_46 = tpu.memref_squeeze %dma_wait3A_45 : memref<1x4x1024xf32, #tpu.memory_space<hbm>> -> memref<4x1024xf32, #tpu.memory_space<hbm>>
    %dma_wait3A_47 = arith.constant 0 : i32
    %dma_wait3A_48 = arith.constant 0 : i32
    %dma_wait3A_49 = tpu.memref_slice %arg8[%dma_wait3A_33, %dma_wait3A_47, %dma_wait3A_48] : memref<8x4x1024xf32, #tpu.memory_space<vmem>> -> memref<1x4x1024xf32, #tpu.memory_space<vmem>>
    %dma_wait3A_50 = tpu.memref_squeeze %dma_wait3A_49 : memref<1x4x1024xf32, #tpu.memory_space<vmem>> -> memref<4x1024xf32, #tpu.memory_space<vmem>>
    tpu.wait_dma2 semaphore(%arg12 : memref<!tpu.dma_semaphore, #tpu.memory_space<semaphore_mem>>) src(%dma_wait3A_50 : memref<4x1024xf32, #tpu.memory_space<vmem>>) dst(%dma_wait3A_46 : memref<4x1024xf32, #tpu.memory_space<hbm>>)
    %dma_wait3A_51 = arith.constant 2 : i32
    %dma_wait3A_52 = arith.constant 0 : i32
    %dma_wait3A_53 = arith.constant 0 : i32
    %dma_wait3A_54 = arith.constant 0 : i32
    %dma_wait3A_55 = tpu.memref_slice %arg8[%dma_wait3A_51, %dma_wait3A_53, %dma_wait3A_54] : memref<8x4x1024xf32, #tpu.memory_space<vmem>> -> memref<1x4x1024xf32, #tpu.memory_space<vmem>>
    %dma_wait3A_56 = tpu.memref_squeeze %dma_wait3A_55 : memref<1x4x1024xf32, #tpu.memory_space<vmem>> -> memref<4x1024xf32, #tpu.memory_space<vmem>>
    %dma_wait3A_57 = arith.constant 0 : i32
    %dma_wait3A_58 = arith.constant 0 : i32
    %dma_wait3A_59 = tpu.memref_slice %arg4[%dma_wait3A_52, %dma_wait3A_57, %dma_wait3A_58] : memref<16x1024x1024xf32, #tpu.memory_space<hbm>> -> memref<1x4x1024xf32, #tpu.memory_space<hbm>>
    %dma_wait3A_60 = tpu.memref_squeeze %dma_wait3A_59 : memref<1x4x1024xf32, #tpu.memory_space<hbm>> -> memref<4x1024xf32, #tpu.memory_space<hbm>>
    %dma_wait3A_61 = arith.constant 0 : i32
    %dma_wait3A_62 = arith.constant 0 : i32
    %dma_wait3A_63 = tpu.memref_slice %arg4[%dma_wait3A_52, %dma_wait3A_61, %dma_wait3A_62] : memref<16x1024x1024xf32, #tpu.memory_space<hbm>> -> memref<1x4x1024xf32, #tpu.memory_space<hbm>>
    %dma_wait3A_64 = tpu.memref_squeeze %dma_wait3A_63 : memref<1x4x1024xf32, #tpu.memory_space<hbm>> -> memref<4x1024xf32, #tpu.memory_space<hbm>>
    %dma_wait3A_65 = arith.constant 0 : i32
    %dma_wait3A_66 = arith.constant 0 : i32
    %dma_wait3A_67 = tpu.memref_slice %arg8[%dma_wait3A_51, %dma_wait3A_65, %dma_wait3A_66] : memref<8x4x1024xf32, #tpu.memory_space<vmem>> -> memref<1x4x1024xf32, #tpu.memory_space<vmem>>
    %dma_wait3A_68 = tpu.memref_squeeze %dma_wait3A_67 : memref<1x4x1024xf32, #tpu.memory_space<vmem>> -> memref<4x1024xf32, #tpu.memory_space<vmem>>
    tpu.wait_dma2 semaphore(%arg12 : memref<!tpu.dma_semaphore, #tpu.memory_space<semaphore_mem>>) src(%dma_wait3A_68 : memref<4x1024xf32, #tpu.memory_space<vmem>>) dst(%dma_wait3A_64 : memref<4x1024xf32, #tpu.memory_space<hbm>>)
    %dma_wait3A_69 = arith.constant 3 : i32
    %dma_wait3A_70 = arith.constant 0 : i32
    %dma_wait3A_71 = arith.constant 0 : i32
    %dma_wait3A_72 = arith.constant 0 : i32
    %dma_wait3A_73 = tpu.memref_slice %arg8[%dma_wait3A_69, %dma_wait3A_71, %dma_wait3A_72] : memref<8x4x1024xf32, #tpu.memory_space<vmem>> -> memref<1x4x1024xf32, #tpu.memory_space<vmem>>
    %dma_wait3A_74 = tpu.memref_squeeze %dma_wait3A_73 : memref<1x4x1024xf32, #tpu.memory_space<vmem>> -> memref<4x1024xf32, #tpu.memory_space<vmem>>
    %dma_wait3A_75 = arith.constant 0 : i32
    %dma_wait3A_76 = arith.constant 0 : i32
    %dma_wait3A_77 = tpu.memref_slice %arg4[%dma_wait3A_70, %dma_wait3A_75, %dma_wait3A_76] : memref<16x1024x1024xf32, #tpu.memory_space<hbm>> -> memref<1x4x1024xf32, #tpu.memory_space<hbm>>
    %dma_wait3A_78 = tpu.memref_squeeze %dma_wait3A_77 : memref<1x4x1024xf32, #tpu.memory_space<hbm>> -> memref<4x1024xf32, #tpu.memory_space<hbm>>
    %dma_wait3A_79 = arith.constant 0 : i32
    %dma_wait3A_80 = arith.constant 0 : i32
    %dma_wait3A_81 = tpu.memref_slice %arg4[%dma_wait3A_70, %dma_wait3A_79, %dma_wait3A_80] : memref<16x1024x1024xf32, #tpu.memory_space<hbm>> -> memref<1x4x1024xf32, #tpu.memory_space<hbm>>
    %dma_wait3A_82 = tpu.memref_squeeze %dma_wait3A_81 : memref<1x4x1024xf32, #tpu.memory_space<hbm>> -> memref<4x1024xf32, #tpu.memory_space<hbm>>
    %dma_wait3A_83 = arith.constant 0 : i32
    %dma_wait3A_84 = arith.constant 0 : i32
    %dma_wait3A_85 = tpu.memref_slice %arg8[%dma_wait3A_69, %dma_wait3A_83, %dma_wait3A_84] : memref<8x4x1024xf32, #tpu.memory_space<vmem>> -> memref<1x4x1024xf32, #tpu.memory_space<vmem>>
    %dma_wait3A_86 = tpu.memref_squeeze %dma_wait3A_85 : memref<1x4x1024xf32, #tpu.memory_space<vmem>> -> memref<4x1024xf32, #tpu.memory_space<vmem>>
    tpu.wait_dma2 semaphore(%arg12 : memref<!tpu.dma_semaphore, #tpu.memory_space<semaphore_mem>>) src(%dma_wait3A_86 : memref<4x1024xf32, #tpu.memory_space<vmem>>) dst(%dma_wait3A_82 : memref<4x1024xf32, #tpu.memory_space<hbm>>)
    %dma_wait3A_87 = arith.constant 4 : i32
    %dma_wait3A_88 = arith.constant 0 : i32
    %dma_wait3A_89 = arith.constant 0 : i32
    %dma_wait3A_90 = arith.constant 0 : i32
    %dma_wait3A_91 = tpu.memref_slice %arg8[%dma_wait3A_87, %dma_wait3A_89, %dma_wait3A_90] : memref<8x4x1024xf32, #tpu.memory_space<vmem>> -> memref<1x4x1024xf32, #tpu.memory_space<vmem>>
    %dma_wait3A_92 = tpu.memref_squeeze %dma_wait3A_91 : memref<1x4x1024xf32, #tpu.memory_space<vmem>> -> memref<4x1024xf32, #tpu.memory_space<vmem>>
    %dma_wait3A_93 = arith.constant 0 : i32
    %dma_wait3A_94 = arith.constant 0 : i32
    %dma_wait3A_95 = tpu.memref_slice %arg4[%dma_wait3A_88, %dma_wait3A_93, %dma_wait3A_94] : memref<16x1024x1024xf32, #tpu.memory_space<hbm>> -> memref<1x4x1024xf32, #tpu.memory_space<hbm>>
    %dma_wait3A_96 = tpu.memref_squeeze %dma_wait3A_95 : memref<1x4x1024xf32, #tpu.memory_space<hbm>> -> memref<4x1024xf32, #tpu.memory_space<hbm>>
    %dma_wait3A_97 = arith.constant 0 : i32
    %dma_wait3A_98 = arith.constant 0 : i32
    %dma_wait3A_99 = tpu.memref_slice %arg4[%dma_wait3A_88, %dma_wait3A_97, %dma_wait3A_98] : memref<16x1024x1024xf32, #tpu.memory_space<hbm>> -> memref<1x4x1024xf32, #tpu.memory_space<hbm>>
    %dma_wait3A_100 = tpu.memref_squeeze %dma_wait3A_99 : memref<1x4x1024xf32, #tpu.memory_space<hbm>> -> memref<4x1024xf32, #tpu.memory_space<hbm>>
    %dma_wait3A_101 = arith.constant 0 : i32
    %dma_wait3A_102 = arith.constant 0 : i32
    %dma_wait3A_103 = tpu.memref_slice %arg8[%dma_wait3A_87, %dma_wait3A_101, %dma_wait3A_102] : memref<8x4x1024xf32, #tpu.memory_space<vmem>> -> memref<1x4x1024xf32, #tpu.memory_space<vmem>>
    %dma_wait3A_104 = tpu.memref_squeeze %dma_wait3A_103 : memref<1x4x1024xf32, #tpu.memory_space<vmem>> -> memref<4x1024xf32, #tpu.memory_space<vmem>>
    tpu.wait_dma2 semaphore(%arg12 : memref<!tpu.dma_semaphore, #tpu.memory_space<semaphore_mem>>) src(%dma_wait3A_104 : memref<4x1024xf32, #tpu.memory_space<vmem>>) dst(%dma_wait3A_100 : memref<4x1024xf32, #tpu.memory_space<hbm>>)
    %dma_wait3A_105 = arith.constant 5 : i32
    %dma_wait3A_106 = arith.constant 0 : i32
    %dma_wait3A_107 = arith.constant 0 : i32
    %dma_wait3A_108 = arith.constant 0 : i32
    %dma_wait3A_109 = tpu.memref_slice %arg8[%dma_wait3A_105, %dma_wait3A_107, %dma_wait3A_108] : memref<8x4x1024xf32, #tpu.memory_space<vmem>> -> memref<1x4x1024xf32, #tpu.memory_space<vmem>>
    %dma_wait3A_110 = tpu.memref_squeeze %dma_wait3A_109 : memref<1x4x1024xf32, #tpu.memory_space<vmem>> -> memref<4x1024xf32, #tpu.memory_space<vmem>>
    %dma_wait3A_111 = arith.constant 0 : i32
    %dma_wait3A_112 = arith.constant 0 : i32
    %dma_wait3A_113 = tpu.memref_slice %arg4[%dma_wait3A_106, %dma_wait3A_111, %dma_wait3A_112] : memref<16x1024x1024xf32, #tpu.memory_space<hbm>> -> memref<1x4x1024xf32, #tpu.memory_space<hbm>>
    %dma_wait3A_114 = tpu.memref_squeeze %dma_wait3A_113 : memref<1x4x1024xf32, #tpu.memory_space<hbm>> -> memref<4x1024xf32, #tpu.memory_space<hbm>>
    %dma_wait3A_115 = arith.constant 0 : i32
    %dma_wait3A_116 = arith.constant 0 : i32
    %dma_wait3A_117 = tpu.memref_slice %arg4[%dma_wait3A_106, %dma_wait3A_115, %dma_wait3A_116] : memref<16x1024x1024xf32, #tpu.memory_space<hbm>> -> memref<1x4x1024xf32, #tpu.memory_space<hbm>>
    %dma_wait3A_118 = tpu.memref_squeeze %dma_wait3A_117 : memref<1x4x1024xf32, #tpu.memory_space<hbm>> -> memref<4x1024xf32, #tpu.memory_space<hbm>>
    %dma_wait3A_119 = arith.constant 0 : i32
    %dma_wait3A_120 = arith.constant 0 : i32
    %dma_wait3A_121 = tpu.memref_slice %arg8[%dma_wait3A_105, %dma_wait3A_119, %dma_wait3A_120] : memref<8x4x1024xf32, #tpu.memory_space<vmem>> -> memref<1x4x1024xf32, #tpu.memory_space<vmem>>
    %dma_wait3A_122 = tpu.memref_squeeze %dma_wait3A_121 : memref<1x4x1024xf32, #tpu.memory_space<vmem>> -> memref<4x1024xf32, #tpu.memory_space<vmem>>
    tpu.wait_dma2 semaphore(%arg12 : memref<!tpu.dma_semaphore, #tpu.memory_space<semaphore_mem>>) src(%dma_wait3A_122 : memref<4x1024xf32, #tpu.memory_space<vmem>>) dst(%dma_wait3A_118 : memref<4x1024xf32, #tpu.memory_space<hbm>>)
    %dma_wait3A_123 = arith.constant 6 : i32
    %dma_wait3A_124 = arith.constant 0 : i32
    %dma_wait3A_125 = arith.constant 0 : i32
    %dma_wait3A_126 = arith.constant 0 : i32
    %dma_wait3A_127 = tpu.memref_slice %arg8[%dma_wait3A_123, %dma_wait3A_125, %dma_wait3A_126] : memref<8x4x1024xf32, #tpu.memory_space<vmem>> -> memref<1x4x1024xf32, #tpu.memory_space<vmem>>
    %dma_wait3A_128 = tpu.memref_squeeze %dma_wait3A_127 : memref<1x4x1024xf32, #tpu.memory_space<vmem>> -> memref<4x1024xf32, #tpu.memory_space<vmem>>
    %dma_wait3A_129 = arith.constant 0 : i32
    %dma_wait3A_130 = arith.constant 0 : i32
    %dma_wait3A_131 = tpu.memref_slice %arg4[%dma_wait3A_124, %dma_wait3A_129, %dma_wait3A_130] : memref<16x1024x1024xf32, #tpu.memory_space<hbm>> -> memref<1x4x1024xf32, #tpu.memory_space<hbm>>
    %dma_wait3A_132 = tpu.memref_squeeze %dma_wait3A_131 : memref<1x4x1024xf32, #tpu.memory_space<hbm>> -> memref<4x1024xf32, #tpu.memory_space<hbm>>
    %dma_wait3A_133 = arith.constant 0 : i32
    %dma_wait3A_134 = arith.constant 0 : i32
    %dma_wait3A_135 = tpu.memref_slice %arg4[%dma_wait3A_124, %dma_wait3A_133, %dma_wait3A_134] : memref<16x1024x1024xf32, #tpu.memory_space<hbm>> -> memref<1x4x1024xf32, #tpu.memory_space<hbm>>
    %dma_wait3A_136 = tpu.memref_squeeze %dma_wait3A_135 : memref<1x4x1024xf32, #tpu.memory_space<hbm>> -> memref<4x1024xf32, #tpu.memory_space<hbm>>
    %dma_wait3A_137 = arith.constant 0 : i32
    %dma_wait3A_138 = arith.constant 0 : i32
    %dma_wait3A_139 = tpu.memref_slice %arg8[%dma_wait3A_123, %dma_wait3A_137, %dma_wait3A_138] : memref<8x4x1024xf32, #tpu.memory_space<vmem>> -> memref<1x4x1024xf32, #tpu.memory_space<vmem>>
    %dma_wait3A_140 = tpu.memref_squeeze %dma_wait3A_139 : memref<1x4x1024xf32, #tpu.memory_space<vmem>> -> memref<4x1024xf32, #tpu.memory_space<vmem>>
    tpu.wait_dma2 semaphore(%arg12 : memref<!tpu.dma_semaphore, #tpu.memory_space<semaphore_mem>>) src(%dma_wait3A_140 : memref<4x1024xf32, #tpu.memory_space<vmem>>) dst(%dma_wait3A_136 : memref<4x1024xf32, #tpu.memory_space<hbm>>)
    %dma_wait3A_141 = arith.constant 7 : i32
    %dma_wait3A_142 = arith.constant 0 : i32
    %dma_wait3A_143 = arith.constant 0 : i32
    %dma_wait3A_144 = arith.constant 0 : i32
    %dma_wait3A_145 = tpu.memref_slice %arg8[%dma_wait3A_141, %dma_wait3A_143, %dma_wait3A_144] : memref<8x4x1024xf32, #tpu.memory_space<vmem>> -> memref<1x4x1024xf32, #tpu.memory_space<vmem>>
    %dma_wait3A_146 = tpu.memref_squeeze %dma_wait3A_145 : memref<1x4x1024xf32, #tpu.memory_space<vmem>> -> memref<4x1024xf32, #tpu.memory_space<vmem>>
    %dma_wait3A_147 = arith.constant 0 : i32
    %dma_wait3A_148 = arith.constant 0 : i32
    %dma_wait3A_149 = tpu.memref_slice %arg4[%dma_wait3A_142, %dma_wait3A_147, %dma_wait3A_148] : memref<16x1024x1024xf32, #tpu.memory_space<hbm>> -> memref<1x4x1024xf32, #tpu.memory_space<hbm>>
    %dma_wait3A_150 = tpu.memref_squeeze %dma_wait3A_149 : memref<1x4x1024xf32, #tpu.memory_space<hbm>> -> memref<4x1024xf32, #tpu.memory_space<hbm>>
    %dma_wait3A_151 = arith.constant 0 : i32
    %dma_wait3A_152 = arith.constant 0 : i32
    %dma_wait3A_153 = tpu.memref_slice %arg4[%dma_wait3A_142, %dma_wait3A_151, %dma_wait3A_152] : memref<16x1024x1024xf32, #tpu.memory_space<hbm>> -> memref<1x4x1024xf32, #tpu.memory_space<hbm>>
    %dma_wait3A_154 = tpu.memref_squeeze %dma_wait3A_153 : memref<1x4x1024xf32, #tpu.memory_space<hbm>> -> memref<4x1024xf32, #tpu.memory_space<hbm>>
    %dma_wait3A_155 = arith.constant 0 : i32
    %dma_wait3A_156 = arith.constant 0 : i32
    %dma_wait3A_157 = tpu.memref_slice %arg8[%dma_wait3A_141, %dma_wait3A_155, %dma_wait3A_156] : memref<8x4x1024xf32, #tpu.memory_space<vmem>> -> memref<1x4x1024xf32, #tpu.memory_space<vmem>>
    %dma_wait3A_158 = tpu.memref_squeeze %dma_wait3A_157 : memref<1x4x1024xf32, #tpu.memory_space<vmem>> -> memref<4x1024xf32, #tpu.memory_space<vmem>>
    tpu.wait_dma2 semaphore(%arg12 : memref<!tpu.dma_semaphore, #tpu.memory_space<semaphore_mem>>) src(%dma_wait3A_158 : memref<4x1024xf32, #tpu.memory_space<vmem>>) dst(%dma_wait3A_154 : memref<4x1024xf32, #tpu.memory_space<hbm>>)
    %dma_wait3A_159 = arith.constant 0 : i32
    %dma_wait3A_160 = arith.constant 0 : i32
    %dma_wait3A_161 = arith.constant 0 : i32
    %dma_wait3A_162 = arith.constant 0 : i32
    %dma_wait3A_163 = tpu.memref_slice %arg9[%dma_wait3A_159, %dma_wait3A_161, %dma_wait3A_162] : memref<8x4x1024xf32, #tpu.memory_space<vmem>> -> memref<1x4x1024xf32, #tpu.memory_space<vmem>>
    %dma_wait3A_164 = tpu.memref_squeeze %dma_wait3A_163 : memref<1x4x1024xf32, #tpu.memory_space<vmem>> -> memref<4x1024xf32, #tpu.memory_space<vmem>>
    %dma_wait3A_165 = arith.constant 0 : i32
    %dma_wait3A_166 = arith.constant 0 : i32
    %dma_wait3A_167 = tpu.memref_slice %arg4[%dma_wait3A_160, %dma_wait3A_165, %dma_wait3A_166] : memref<16x1024x1024xf32, #tpu.memory_space<hbm>> -> memref<1x4x1024xf32, #tpu.memory_space<hbm>>
    %dma_wait3A_168 = tpu.memref_squeeze %dma_wait3A_167 : memref<1x4x1024xf32, #tpu.memory_space<hbm>> -> memref<4x1024xf32, #tpu.memory_space<hbm>>
    %dma_wait3A_169 = arith.constant 0 : i32
    %dma_wait3A_170 = arith.constant 0 : i32
    %dma_wait3A_171 = tpu.memref_slice %arg4[%dma_wait3A_160, %dma_wait3A_169, %dma_wait3A_170] : memref<16x1024x1024xf32, #tpu.memory_space<hbm>> -> memref<1x4x1024xf32, #tpu.memory_space<hbm>>
    %dma_wait3A_172 = tpu.memref_squeeze %dma_wait3A_171 : memref<1x4x1024xf32, #tpu.memory_space<hbm>> -> memref<4x1024xf32, #tpu.memory_space<hbm>>
    %dma_wait3A_173 = arith.constant 0 : i32
    %dma_wait3A_174 = arith.constant 0 : i32
    %dma_wait3A_175 = tpu.memref_slice %arg9[%dma_wait3A_159, %dma_wait3A_173, %dma_wait3A_174] : memref<8x4x1024xf32, #tpu.memory_space<vmem>> -> memref<1x4x1024xf32, #tpu.memory_space<vmem>>
    %dma_wait3A_176 = tpu.memref_squeeze %dma_wait3A_175 : memref<1x4x1024xf32, #tpu.memory_space<vmem>> -> memref<4x1024xf32, #tpu.memory_space<vmem>>
    tpu.wait_dma2 semaphore(%arg13 : memref<!tpu.dma_semaphore, #tpu.memory_space<semaphore_mem>>) src(%dma_wait3A_176 : memref<4x1024xf32, #tpu.memory_space<vmem>>) dst(%dma_wait3A_172 : memref<4x1024xf32, #tpu.memory_space<hbm>>)
    %dma_wait3A_177 = arith.constant 1 : i32
    %dma_wait3A_178 = arith.constant 0 : i32
    %dma_wait3A_179 = arith.constant 0 : i32
    %dma_wait3A_180 = arith.constant 0 : i32
    %dma_wait3A_181 = tpu.memref_slice %arg9[%dma_wait3A_177, %dma_wait3A_179, %dma_wait3A_180] : memref<8x4x1024xf32, #tpu.memory_space<vmem>> -> memref<1x4x1024xf32, #tpu.memory_space<vmem>>
    %dma_wait3A_182 = tpu.memref_squeeze %dma_wait3A_181 : memref<1x4x1024xf32, #tpu.memory_space<vmem>> -> memref<4x1024xf32, #tpu.memory_space<vmem>>
    %dma_wait3A_183 = arith.constant 0 : i32
    %dma_wait3A_184 = arith.constant 0 : i32
    %dma_wait3A_185 = tpu.memref_slice %arg4[%dma_wait3A_178, %dma_wait3A_183, %dma_wait3A_184] : memref<16x1024x1024xf32, #tpu.memory_space<hbm>> -> memref<1x4x1024xf32, #tpu.memory_space<hbm>>
    %dma_wait3A_186 = tpu.memref_squeeze %dma_wait3A_185 : memref<1x4x1024xf32, #tpu.memory_space<hbm>> -> memref<4x1024xf32, #tpu.memory_space<hbm>>
    %dma_wait3A_187 = arith.constant 0 : i32
    %dma_wait3A_188 = arith.constant 0 : i32
    %dma_wait3A_189 = tpu.memref_slice %arg4[%dma_wait3A_178, %dma_wait3A_187, %dma_wait3A_188] : memref<16x1024x1024xf32, #tpu.memory_space<hbm>> -> memref<1x4x1024xf32, #tpu.memory_space<hbm>>
    %dma_wait3A_190 = tpu.memref_squeeze %dma_wait3A_189 : memref<1x4x1024xf32, #tpu.memory_space<hbm>> -> memref<4x1024xf32, #tpu.memory_space<hbm>>
    %dma_wait3A_191 = arith.constant 0 : i32
    %dma_wait3A_192 = arith.constant 0 : i32
    %dma_wait3A_193 = tpu.memref_slice %arg9[%dma_wait3A_177, %dma_wait3A_191, %dma_wait3A_192] : memref<8x4x1024xf32, #tpu.memory_space<vmem>> -> memref<1x4x1024xf32, #tpu.memory_space<vmem>>
    %dma_wait3A_194 = tpu.memref_squeeze %dma_wait3A_193 : memref<1x4x1024xf32, #tpu.memory_space<vmem>> -> memref<4x1024xf32, #tpu.memory_space<vmem>>
    tpu.wait_dma2 semaphore(%arg13 : memref<!tpu.dma_semaphore, #tpu.memory_space<semaphore_mem>>) src(%dma_wait3A_194 : memref<4x1024xf32, #tpu.memory_space<vmem>>) dst(%dma_wait3A_190 : memref<4x1024xf32, #tpu.memory_space<hbm>>)
    %dma_wait3A_195 = arith.constant 2 : i32
    %dma_wait3A_196 = arith.constant 0 : i32
    %dma_wait3A_197 = arith.constant 0 : i32
    %dma_wait3A_198 = arith.constant 0 : i32
    %dma_wait3A_199 = tpu.memref_slice %arg9[%dma_wait3A_195, %dma_wait3A_197, %dma_wait3A_198] : memref<8x4x1024xf32, #tpu.memory_space<vmem>> -> memref<1x4x1024xf32, #tpu.memory_space<vmem>>
    %dma_wait3A_200 = tpu.memref_squeeze %dma_wait3A_199 : memref<1x4x1024xf32, #tpu.memory_space<vmem>> -> memref<4x1024xf32, #tpu.memory_space<vmem>>
    %dma_wait3A_201 = arith.constant 0 : i32
    %dma_wait3A_202 = arith.constant 0 : i32
    %dma_wait3A_203 = tpu.memref_slice %arg4[%dma_wait3A_196, %dma_wait3A_201, %dma_wait3A_202] : memref<16x1024x1024xf32, #tpu.memory_space<hbm>> -> memref<1x4x1024xf32, #tpu.memory_space<hbm>>
    %dma_wait3A_204 = tpu.memref_squeeze %dma_wait3A_203 : memref<1x4x1024xf32, #tpu.memory_space<hbm>> -> memref<4x1024xf32, #tpu.memory_space<hbm>>
    %dma_wait3A_205 = arith.constant 0 : i32
    %dma_wait3A_206 = arith.constant 0 : i32
    %dma_wait3A_207 = tpu.memref_slice %arg4[%dma_wait3A_196, %dma_wait3A_205, %dma_wait3A_206] : memref<16x1024x1024xf32, #tpu.memory_space<hbm>> -> memref<1x4x1024xf32, #tpu.memory_space<hbm>>
    %dma_wait3A_208 = tpu.memref_squeeze %dma_wait3A_207 : memref<1x4x1024xf32, #tpu.memory_space<hbm>> -> memref<4x1024xf32, #tpu.memory_space<hbm>>
    %dma_wait3A_209 = arith.constant 0 : i32
    %dma_wait3A_210 = arith.constant 0 : i32
    %dma_wait3A_211 = tpu.memref_slice %arg9[%dma_wait3A_195, %dma_wait3A_209, %dma_wait3A_210] : memref<8x4x1024xf32, #tpu.memory_space<vmem>> -> memref<1x4x1024xf32, #tpu.memory_space<vmem>>
    %dma_wait3A_212 = tpu.memref_squeeze %dma_wait3A_211 : memref<1x4x1024xf32, #tpu.memory_space<vmem>> -> memref<4x1024xf32, #tpu.memory_space<vmem>>
    tpu.wait_dma2 semaphore(%arg13 : memref<!tpu.dma_semaphore, #tpu.memory_space<semaphore_mem>>) src(%dma_wait3A_212 : memref<4x1024xf32, #tpu.memory_space<vmem>>) dst(%dma_wait3A_208 : memref<4x1024xf32, #tpu.memory_space<hbm>>)
    %dma_wait3A_213 = arith.constant 3 : i32
    %dma_wait3A_214 = arith.constant 0 : i32
    %dma_wait3A_215 = arith.constant 0 : i32
    %dma_wait3A_216 = arith.constant 0 : i32
    %dma_wait3A_217 = tpu.memref_slice %arg9[%dma_wait3A_213, %dma_wait3A_215, %dma_wait3A_216] : memref<8x4x1024xf32, #tpu.memory_space<vmem>> -> memref<1x4x1024xf32, #tpu.memory_space<vmem>>
    %dma_wait3A_218 = tpu.memref_squeeze %dma_wait3A_217 : memref<1x4x1024xf32, #tpu.memory_space<vmem>> -> memref<4x1024xf32, #tpu.memory_space<vmem>>
    %dma_wait3A_219 = arith.constant 0 : i32
    %dma_wait3A_220 = arith.constant 0 : i32
    %dma_wait3A_221 = tpu.memref_slice %arg4[%dma_wait3A_214, %dma_wait3A_219, %dma_wait3A_220] : memref<16x1024x1024xf32, #tpu.memory_space<hbm>> -> memref<1x4x1024xf32, #tpu.memory_space<hbm>>
    %dma_wait3A_222 = tpu.memref_squeeze %dma_wait3A_221 : memref<1x4x1024xf32, #tpu.memory_space<hbm>> -> memref<4x1024xf32, #tpu.memory_space<hbm>>
    %dma_wait3A_223 = arith.constant 0 : i32
    %dma_wait3A_224 = arith.constant 0 : i32
    %dma_wait3A_225 = tpu.memref_slice %arg4[%dma_wait3A_214, %dma_wait3A_223, %dma_wait3A_224] : memref<16x1024x1024xf32, #tpu.memory_space<hbm>> -> memref<1x4x1024xf32, #tpu.memory_space<hbm>>
    %dma_wait3A_226 = tpu.memref_squeeze %dma_wait3A_225 : memref<1x4x1024xf32, #tpu.memory_space<hbm>> -> memref<4x1024xf32, #tpu.memory_space<hbm>>
    %dma_wait3A_227 = arith.constant 0 : i32
    %dma_wait3A_228 = arith.constant 0 : i32
    %dma_wait3A_229 = tpu.memref_slice %arg9[%dma_wait3A_213, %dma_wait3A_227, %dma_wait3A_228] : memref<8x4x1024xf32, #tpu.memory_space<vmem>> -> memref<1x4x1024xf32, #tpu.memory_space<vmem>>
    %dma_wait3A_230 = tpu.memref_squeeze %dma_wait3A_229 : memref<1x4x1024xf32, #tpu.memory_space<vmem>> -> memref<4x1024xf32, #tpu.memory_space<vmem>>
    tpu.wait_dma2 semaphore(%arg13 : memref<!tpu.dma_semaphore, #tpu.memory_space<semaphore_mem>>) src(%dma_wait3A_230 : memref<4x1024xf32, #tpu.memory_space<vmem>>) dst(%dma_wait3A_226 : memref<4x1024xf32, #tpu.memory_space<hbm>>)
    %dma_wait3A_231 = arith.constant 4 : i32
    %dma_wait3A_232 = arith.constant 0 : i32
    %dma_wait3A_233 = arith.constant 0 : i32
    %dma_wait3A_234 = arith.constant 0 : i32
    %dma_wait3A_235 = tpu.memref_slice %arg9[%dma_wait3A_231, %dma_wait3A_233, %dma_wait3A_234] : memref<8x4x1024xf32, #tpu.memory_space<vmem>> -> memref<1x4x1024xf32, #tpu.memory_space<vmem>>
    %dma_wait3A_236 = tpu.memref_squeeze %dma_wait3A_235 : memref<1x4x1024xf32, #tpu.memory_space<vmem>> -> memref<4x1024xf32, #tpu.memory_space<vmem>>
    %dma_wait3A_237 = arith.constant 0 : i32
    %dma_wait3A_238 = arith.constant 0 : i32
    %dma_wait3A_239 = tpu.memref_slice %arg4[%dma_wait3A_232, %dma_wait3A_237, %dma_wait3A_238] : memref<16x1024x1024xf32, #tpu.memory_space<hbm>> -> memref<1x4x1024xf32, #tpu.memory_space<hbm>>
    %dma_wait3A_240 = tpu.memref_squeeze %dma_wait3A_239 : memref<1x4x1024xf32, #tpu.memory_space<hbm>> -> memref<4x1024xf32, #tpu.memory_space<hbm>>
    %dma_wait3A_241 = arith.constant 0 : i32
    %dma_wait3A_242 = arith.constant 0 : i32
    %dma_wait3A_243 = tpu.memref_slice %arg4[%dma_wait3A_232, %dma_wait3A_241, %dma_wait3A_242] : memref<16x1024x1024xf32, #tpu.memory_space<hbm>> -> memref<1x4x1024xf32, #tpu.memory_space<hbm>>
    %dma_wait3A_244 = tpu.memref_squeeze %dma_wait3A_243 : memref<1x4x1024xf32, #tpu.memory_space<hbm>> -> memref<4x1024xf32, #tpu.memory_space<hbm>>
    %dma_wait3A_245 = arith.constant 0 : i32
    %dma_wait3A_246 = arith.constant 0 : i32
    %dma_wait3A_247 = tpu.memref_slice %arg9[%dma_wait3A_231, %dma_wait3A_245, %dma_wait3A_246] : memref<8x4x1024xf32, #tpu.memory_space<vmem>> -> memref<1x4x1024xf32, #tpu.memory_space<vmem>>
    %dma_wait3A_248 = tpu.memref_squeeze %dma_wait3A_247 : memref<1x4x1024xf32, #tpu.memory_space<vmem>> -> memref<4x1024xf32, #tpu.memory_space<vmem>>
    tpu.wait_dma2 semaphore(%arg13 : memref<!tpu.dma_semaphore, #tpu.memory_space<semaphore_mem>>) src(%dma_wait3A_248 : memref<4x1024xf32, #tpu.memory_space<vmem>>) dst(%dma_wait3A_244 : memref<4x1024xf32, #tpu.memory_space<hbm>>)
    %dma_wait3A_249 = arith.constant 5 : i32
    %dma_wait3A_250 = arith.constant 0 : i32
    %dma_wait3A_251 = arith.constant 0 : i32
    %dma_wait3A_252 = arith.constant 0 : i32
    %dma_wait3A_253 = tpu.memref_slice %arg9[%dma_wait3A_249, %dma_wait3A_251, %dma_wait3A_252] : memref<8x4x1024xf32, #tpu.memory_space<vmem>> -> memref<1x4x1024xf32, #tpu.memory_space<vmem>>
    %dma_wait3A_254 = tpu.memref_squeeze %dma_wait3A_253 : memref<1x4x1024xf32, #tpu.memory_space<vmem>> -> memref<4x1024xf32, #tpu.memory_space<vmem>>
    %dma_wait3A_255 = arith.constant 0 : i32
    %dma_wait3A_256 = arith.constant 0 : i32
    %dma_wait3A_257 = tpu.memref_slice %arg4[%dma_wait3A_250, %dma_wait3A_255, %dma_wait3A_256] : memref<16x1024x1024xf32, #tpu.memory_space<hbm>> -> memref<1x4x1024xf32, #tpu.memory_space<hbm>>
    %dma_wait3A_258 = tpu.memref_squeeze %dma_wait3A_257 : memref<1x4x1024xf32, #tpu.memory_space<hbm>> -> memref<4x1024xf32, #tpu.memory_space<hbm>>
    %dma_wait3A_259 = arith.constant 0 : i32
    %dma_wait3A_260 = arith.constant 0 : i32
    %dma_wait3A_261 = tpu.memref_slice %arg4[%dma_wait3A_250, %dma_wait3A_259, %dma_wait3A_260] : memref<16x1024x1024xf32, #tpu.memory_space<hbm>> -> memref<1x4x1024xf32, #tpu.memory_space<hbm>>
    %dma_wait3A_262 = tpu.memref_squeeze %dma_wait3A_261 : memref<1x4x1024xf32, #tpu.memory_space<hbm>> -> memref<4x1024xf32, #tpu.memory_space<hbm>>
    %dma_wait3A_263 = arith.constant 0 : i32
    %dma_wait3A_264 = arith.constant 0 : i32
    %dma_wait3A_265 = tpu.memref_slice %arg9[%dma_wait3A_249, %dma_wait3A_263, %dma_wait3A_264] : memref<8x4x1024xf32, #tpu.memory_space<vmem>> -> memref<1x4x1024xf32, #tpu.memory_space<vmem>>
    %dma_wait3A_266 = tpu.memref_squeeze %dma_wait3A_265 : memref<1x4x1024xf32, #tpu.memory_space<vmem>> -> memref<4x1024xf32, #tpu.memory_space<vmem>>
    tpu.wait_dma2 semaphore(%arg13 : memref<!tpu.dma_semaphore, #tpu.memory_space<semaphore_mem>>) src(%dma_wait3A_266 : memref<4x1024xf32, #tpu.memory_space<vmem>>) dst(%dma_wait3A_262 : memref<4x1024xf32, #tpu.memory_space<hbm>>)
    %dma_wait3A_267 = arith.constant 6 : i32
    %dma_wait3A_268 = arith.constant 0 : i32
    %dma_wait3A_269 = arith.constant 0 : i32
    %dma_wait3A_270 = arith.constant 0 : i32
    %dma_wait3A_271 = tpu.memref_slice %arg9[%dma_wait3A_267, %dma_wait3A_269, %dma_wait3A_270] : memref<8x4x1024xf32, #tpu.memory_space<vmem>> -> memref<1x4x1024xf32, #tpu.memory_space<vmem>>
    %dma_wait3A_272 = tpu.memref_squeeze %dma_wait3A_271 : memref<1x4x1024xf32, #tpu.memory_space<vmem>> -> memref<4x1024xf32, #tpu.memory_space<vmem>>
    %dma_wait3A_273 = arith.constant 0 : i32
    %dma_wait3A_274 = arith.constant 0 : i32
    %dma_wait3A_275 = tpu.memref_slice %arg4[%dma_wait3A_268, %dma_wait3A_273, %dma_wait3A_274] : memref<16x1024x1024xf32, #tpu.memory_space<hbm>> -> memref<1x4x1024xf32, #tpu.memory_space<hbm>>
    %dma_wait3A_276 = tpu.memref_squeeze %dma_wait3A_275 : memref<1x4x1024xf32, #tpu.memory_space<hbm>> -> memref<4x1024xf32, #tpu.memory_space<hbm>>
    %dma_wait3A_277 = arith.constant 0 : i32
    %dma_wait3A_278 = arith.constant 0 : i32
    %dma_wait3A_279 = tpu.memref_slice %arg4[%dma_wait3A_268, %dma_wait3A_277, %dma_wait3A_278] : memref<16x1024x1024xf32, #tpu.memory_space<hbm>> -> memref<1x4x1024xf32, #tpu.memory_space<hbm>>
    %dma_wait3A_280 = tpu.memref_squeeze %dma_wait3A_279 : memref<1x4x1024xf32, #tpu.memory_space<hbm>> -> memref<4x1024xf32, #tpu.memory_space<hbm>>
    %dma_wait3A_281 = arith.constant 0 : i32
    %dma_wait3A_282 = arith.constant 0 : i32
    %dma_wait3A_283 = tpu.memref_slice %arg9[%dma_wait3A_267, %dma_wait3A_281, %dma_wait3A_282] : memref<8x4x1024xf32, #tpu.memory_space<vmem>> -> memref<1x4x1024xf32, #tpu.memory_space<vmem>>
    %dma_wait3A_284 = tpu.memref_squeeze %dma_wait3A_283 : memref<1x4x1024xf32, #tpu.memory_space<vmem>> -> memref<4x1024xf32, #tpu.memory_space<vmem>>
    tpu.wait_dma2 semaphore(%arg13 : memref<!tpu.dma_semaphore, #tpu.memory_space<semaphore_mem>>) src(%dma_wait3A_284 : memref<4x1024xf32, #tpu.memory_space<vmem>>) dst(%dma_wait3A_280 : memref<4x1024xf32, #tpu.memory_space<hbm>>)
    %dma_wait3A_285 = arith.constant 7 : i32
    %dma_wait3A_286 = arith.constant 0 : i32
    %dma_wait3A_287 = arith.constant 0 : i32
    %dma_wait3A_288 = arith.constant 0 : i32
    %dma_wait3A_289 = tpu.memref_slice %arg9[%dma_wait3A_285, %dma_wait3A_287, %dma_wait3A_288] : memref<8x4x1024xf32, #tpu.memory_space<vmem>> -> memref<1x4x1024xf32, #tpu.memory_space<vmem>>
    %dma_wait3A_290 = tpu.memref_squeeze %dma_wait3A_289 : memref<1x4x1024xf32, #tpu.memory_space<vmem>> -> memref<4x1024xf32, #tpu.memory_space<vmem>>
    %dma_wait3A_291 = arith.constant 0 : i32
    %dma_wait3A_292 = arith.constant 0 : i32
    %dma_wait3A_293 = tpu.memref_slice %arg4[%dma_wait3A_286, %dma_wait3A_291, %dma_wait3A_292] : memref<16x1024x1024xf32, #tpu.memory_space<hbm>> -> memref<1x4x1024xf32, #tpu.memory_space<hbm>>
    %dma_wait3A_294 = tpu.memref_squeeze %dma_wait3A_293 : memref<1x4x1024xf32, #tpu.memory_space<hbm>> -> memref<4x1024xf32, #tpu.memory_space<hbm>>
    %dma_wait3A_295 = arith.constant 0 : i32
    %dma_wait3A_296 = arith.constant 0 : i32
    %dma_wait3A_297 = tpu.memref_slice %arg4[%dma_wait3A_286, %dma_wait3A_295, %dma_wait3A_296] : memref<16x1024x1024xf32, #tpu.memory_space<hbm>> -> memref<1x4x1024xf32, #tpu.memory_space<hbm>>
    %dma_wait3A_298 = tpu.memref_squeeze %dma_wait3A_297 : memref<1x4x1024xf32, #tpu.memory_space<hbm>> -> memref<4x1024xf32, #tpu.memory_space<hbm>>
    %dma_wait3A_299 = arith.constant 0 : i32
    %dma_wait3A_300 = arith.constant 0 : i32
    %dma_wait3A_301 = tpu.memref_slice %arg9[%dma_wait3A_285, %dma_wait3A_299, %dma_wait3A_300] : memref<8x4x1024xf32, #tpu.memory_space<vmem>> -> memref<1x4x1024xf32, #tpu.memory_space<vmem>>
    %dma_wait3A_302 = tpu.memref_squeeze %dma_wait3A_301 : memref<1x4x1024xf32, #tpu.memory_space<vmem>> -> memref<4x1024xf32, #tpu.memory_space<vmem>>
    tpu.wait_dma2 semaphore(%arg13 : memref<!tpu.dma_semaphore, #tpu.memory_space<semaphore_mem>>) src(%dma_wait3A_302 : memref<4x1024xf32, #tpu.memory_space<vmem>>) dst(%dma_wait3A_298 : memref<4x1024xf32, #tpu.memory_space<hbm>>)
    return
  }
}

</mosaic_0001>

<sc_bundles>
// kernel: kernel.3.cloned.1.call-start
scs
__scs_entry_jumppad:
0x0: {  	(pc) =	sbr.rel $0x88, $3  }
0x1: {  	(tag) =	ssettag $0x0;
	lr =	simm.s32 $0x1  }
0x2: {  	[smem:$0x3F9F] =	sst lr;
	_ =	strace $0xD0000000  }
0x3: {  	_ = 	snop  }
0x4: {  	_ = 	snop  }
0x5: {  	_ = 	snop  }
0x6: {  	_ = 	snop  }
0x7: {  	_ = 	snop  }
__scs_overlays_trampoline_lowered:
0x8: {  	[smem:$0x3FAE] =	sst s0  }
0x9: {  	[smem:$0x3FAF] =	sst s1  }
0xa: {  	[smem:$0x3FB0] =	sst s2  }
0xb: {  	[smem:$0x3FB1] =	sst s3  }
0xc: {  	[smem:$0x3FB2] =	sst s4  }
0xd: {  	[smem:$0x3FB3] =	sst s5  }
0xe: {  	[smem:$0x3FB4] =	sst s6  }
0xf: {  	[smem:$0x3FB5] =	sst s7  }
0x10: {  	[smem:$0x3FB6] =	sst s8  }
0x11: {  	[smem:$0x3FB7] =	sst s9;
	s0 =	simm.s32 @!p0 $0x0  }
0x12: {  	s1 =	sld [smem:$0x3F9D];
	s0 =	simm.s32 @p0 $0x1  }
0x13: {  	[smem:$0x3FB8] =	sst s0;
	s0 =	simm.s32 @!p1 $0x0  }
0x14: {  	s2 =	sld [smem:$0x3F9C];
	s0 =	simm.s32 @p1 $0x1  }
0x15: {  	[smem:$0x3FB9] =	sst s0;
	s0 =	simm.s32 @!p2 $0x0  }
0x16: {  	s3 =	sld [smem:$0x3FDB];
	s0 =	simm.s32 @p2 $0x1  }
0x17: {  	s4 =	simm.s32 $0x1BF5;
	[smem:$0x3FBB] =	sst s0  }
0x18: {  	s0 =	sld [smem:$0x3F9E];
	_ =	swait.ge [sflag:s4], $0x0  }
0x19: {  	s7 =	sld [smem:$0x3F9F]  }
0x1a: {  	s8 =	sadd.s32 $0xFFFFE003, lr  }
0x1b: {  	s9 =	sadd.s32 $0xFFFFFEF7, lr;
	s5 =	simm.s32 $0xFFFFFFFF;
	p2 =	slt.u32 s8, $0xFFFFF086  }
0x1c: {  	p1 =	slt.u32 s9, $0xF7A;
	s5 =	simm.s32 @!p2 $0x0  }
0x1d: {  	s5 =	simm.s32 @p1 $0x1;
	p0 =	seq.s32 s7, s2  }
0x1e: {  	s7 =	smul.u32 @!p0 $0xF7A, s2;
	p2 =	seq.s32 @!p0 s5, $0x0  }
0x1f: {  	s9 =	smul.u32 $0xF7A, s1;
	s8 =	simm.s32 @!p0 $0x1BF5;
	p2 =	por !p2, p0  }
0x20: {  	[sflag:s8] =	ssyncset.s32 @!p0 $0xFFFFF086;
	s6 =	sadd.s32 @!p0 s3, s7;
	s7 =	simm.s32 @!p0 $0x108  }
0x21: {  	s3 =	sadd.s32 s3, s9;
	s6 =	sadd.s32 @!p0 $0x88, s6;
	s7 =	simm.s32 @p2 $0x1082  }
0x22: {  	[simem:s7], [sflag:s8] =	dma.local @!p0 [hbm:s6], $0xF7A  }
0x23: {  	s9 =	sor.u32 $0xD0000000, s2;
	s6 =	simm.s32 $0x108;
	_ =	swait.ge @!p0 [sflag:s8], $0x0  }
0x24: {  	s3 =	sadd.s32 $0x88, s3;
	s6 =	simm.s32 @!p1 $0x1082;
	[sflag:s4] =	ssyncset.s32 $0xFFFFF086  }
0x25: {  	[simem:s6], [sflag:s4] =	dma.local [hbm:s3], $0xF7A  }
0x26: {  	[smem:$0x3F9F] =	sst s1;
	(tag) =	ssettag s2;
	_ =	strace s9  }
0x27: {  	s1 =	sld [smem:$0x3FAF]  }
0x28: {  	s2 =	sld [smem:$0x3FB0]  }
0x29: {  	s4 =	sld [smem:$0x3FB2]  }
0x2a: {  	p0 =	seq.s32 s5, $0x0;
	s5 =	sld [smem:$0x3FB3]  }
0x2b: {  	s6 =	sld [smem:$0x3FB4]  }
0x2c: {  	s7 =	sld [smem:$0x3FB5]  }
0x2d: {  	s3 =	simm.s32 $0x108;
	s8 =	sld [smem:$0x3FB6]  }
0x2e: {  	s3 =	simm.s32 @!p0 $0x1082;
	s9 =	sld [smem:$0x3FB7]  }
0x2f: {  	lr =	sadd.s32 s0, s3;
	s0 =	sld [smem:$0x3FAE]  }
0x30: {  	s3 =	sld [smem:$0x3FB1]  }
0x31: {  	[smem:$0x3FBA] =	sst s10  }
0x32: {  	s10 =	sld [smem:$0x3FB8];
	_ =	sdelay $0x3  }
0x33: {  	p0 =	seq.s32 s10, $0x1;
	s10 =	sld [smem:$0x3FBA];
	_ =	sdelay $0x3  }
0x34: {  	[smem:$0x3FBA] =	sst s10  }
0x35: {  	s10 =	sld [smem:$0x3FB9];
	_ =	sdelay $0x3  }
0x36: {  	p1 =	seq.s32 s10, $0x1;
	s10 =	sld [smem:$0x3FBA];
	_ =	sdelay $0x3  }
0x37: {  	[smem:$0x3FBA] =	sst s10  }
0x38: {  	s10 =	sld [smem:$0x3FBB]  }
0x39: {  	_ = 	snop;
	(pc) =	sbr.ind lr, $3  }
0x3a: {  	_ = 	snop  }
0x3b: {  	_ = 	snop  }
0x3c: {  	p2 =	seq.s32 s10, $0x1;
	s10 =	sld [smem:$0x3FBA]  }
0x3d: {  	_ =	shalt  }
0x3e: {  	_ =	shalt  }
0x3f: {  	_ =	shalt  }
0x40: {  	_ =	shalt  }
0x41: {  	_ =	shalt  }
0x42: {  	_ =	shalt  }
0x43: {  	_ =	shalt  }
0x44: {  	_ =	shalt  }
0x45: {  	_ =	shalt  }
0x46: {  	_ =	shalt  }
0x47: {  	_ =	shalt  }
0x48: {  	_ =	shalt  }
0x49: {  	_ =	shalt  }
0x4a: {  	_ =	shalt  }
0x4b: {  	_ =	shalt  }
0x4c: {  	_ =	shalt  }
0x4d: {  	_ =	shalt  }
0x4e: {  	_ =	shalt  }
0x4f: {  	_ =	shalt  }
0x50: {  	_ =	shalt  }
0x51: {  	_ =	shalt  }
0x52: {  	_ =	shalt  }
0x53: {  	_ =	shalt  }
0x54: {  	_ =	shalt  }
0x55: {  	_ =	shalt  }
0x56: {  	_ =	shalt  }
0x57: {  	_ =	shalt  }
0x58: {  	_ =	shalt  }
0x59: {  	_ =	shalt  }
0x5a: {  	_ =	shalt  }
0x5b: {  	_ =	shalt  }
0x5c: {  	_ =	shalt  }
0x5d: {  	_ =	shalt  }
0x5e: {  	_ =	shalt  }
0x5f: {  	_ =	shalt  }
0x60: {  	_ =	shalt  }
0x61: {  	_ =	shalt  }
0x62: {  	_ =	shalt  }
0x63: {  	_ =	shalt  }
0x64: {  	_ =	shalt  }
0x65: {  	_ =	shalt  }
0x66: {  	_ =	shalt  }
0x67: {  	_ =	shalt  }
0x68: {  	_ =	shalt  }
0x69: {  	_ =	shalt  }
0x6a: {  	_ =	shalt  }
0x6b: {  	_ =	shalt  }
0x6c: {  	_ =	shalt  }
0x6d: {  	_ =	shalt  }
0x6e: {  	_ =	shalt  }
0x6f: {  	_ =	shalt  }
0x70: {  	_ =	shalt  }
0x71: {  	_ =	shalt  }
0x72: {  	_ =	shalt  }
0x73: {  	_ =	shalt  }
0x74: {  	_ =	shalt  }
0x75: {  	_ =	shalt  }
0x76: {  	_ =	shalt  }
0x77: {  	_ =	shalt  }
0x78: {  	_ =	shalt  }
0x79: {  	_ =	shalt  }
0x7a: {  	_ =	shalt  }
0x7b: {  	_ =	shalt  }
0x7c: {  	_ =	shalt  }
0x7d: {  	_ =	shalt  }
0x7e: {  	_ =	shalt  }
0x7f: {  	_ =	shalt  }
0x80: {  	_ =	shalt  }
0x81: {  	_ =	shalt  }
0x82: {  	_ =	shalt  }
0x83: {  	_ =	shalt  }
0x84: {  	_ =	shalt  }
0x85: {  	_ =	shalt  }
0x86: {  	_ =	shalt  }
0x87: {  	_ =	shalt  }
.Lfunc_end0:
.L_simem_size_0:
called_computation_lowered:
.L_overlay_start_0:
0x88: {  	s2 =	sld [smem:$0x3FD9]  }
0x89: {  	s3 =	sld [smem:$0x3FFE];
	_ =	sdelay $0x1  }
0x8a: {  	s1 =	srdreg.scid  }
0x8b: {  	s0 =	sand.u32 $0x1, s1  }
0x8c: {  	s17 =	sshll.u32 s0, $0xA;
	s2 =	sadd.s32 s3, s2  }
0x8d: {  	s2 =	sadd.s32 s2, s17  }
0x8e: {  	[smem:$0x3FC6] =	sst s2  }
0x8f: {  	_ = 	snop  }
0x90: {  	s2 =	sld [smem:$0x3FC9]  }
0x91: {  	s18 =	sld [smem:$0x3FD0];
	(tm) =	ssettm $0x1  }
0x92: {  	s4 =	sld [smem:$0x3FFB];
	_ =	sdelay $0x3  }
0x93: {  	_ =	strace s4  }
0x94: {  	s4 =	sld [smem:$0x3FFC];
	_ =	sdelay $0x3  }
0x95: {  	_ =	strace s4  }
0x96: {  	s4 =	sld [smem:$0x3FFD];
	_ =	sdelay $0x3  }
0x97: {  	_ =	strace s4  }
0x98: {  	_ =	strace $0x8FFFFFFF  }
0x99: {  	s19 =	sld [smem:$0x3FDB];
	_ =	sdelay $0x1  }
0x9a: {  	s5 =	simm.s32 $_scs_section_size  }
0x9b: {  	s6 =	simm.s32 $_size__tile_overlayer_lowered;
	s7 =	simm.s32 $_tile_overlayer_lowered  }
0x9c: {  	s22 =	simm.s32 $0x1BFF;
	s21 =	sshll.u32 s7, $0x1;
	s4 =	sadd.s32 s5, s19  }
0x9d: {  	s8 =	simm.s32 $0x0;
	s20 =	sshll.u32 s6, $0x1;
	s6 =	sadd.s32 s21, s4  }
0x9e: {  	[timem:s8], [sflag:s22] =	dma.local [hbm:s6], s20  }
0x9f: {  	_ =	swait.ge [sflag:s22], s20  }
0xa0: {  	s5 =	ssub.s32 $0x0, s20;
	[sflag:s22] =	ssyncset.done $0x0  }
0xa1: {  	[sflag:s22] =	ssyncadd.s32 s5;
	_ =	sdelay $0x1  }
0xa2: {  	s23 =	simm.s32 $0x1B8B  }
0xa3: {  	_ =	swait.ge [sflag:s23], $0x1  }
0xa4: {  	[sflag:s23] =	ssyncset.done $0x0  }
0xa5: {  	s25 =	simm.s32 $0x1B8E;
	s24 =	sld [smem:$0x3FFE];
	[sflag:s23] =	ssyncadd.s32 $0xFFFFFFFF  }
0xa6: {  	s26 =	simm.s32 $execute0_lowered;
	[smem:$0x3FD2] =	sst s25  }
0xa7: {  	s6 =	sshll.u32 s26, $0x1;
	_ =	strace $0x80000046;
	[dreg:$0x1] =	wrdreg $0xFFFFFFFF  }
0xa8: {  	s28 =	simm.s32 $_size_execute0_lowered;
	s4 =	sadd.s32 s4, s6;
	[dreg:$0x0] =	wrdreg $0x0  }
0xa9: {  	s6 =	sshll.u32 s28, $0x1;
	[dreg:$0x2] =	wrdreg s4  }
0xaa: {  	[dreg:$0x3] =	wrdreg s6  }
0xab: {  	[dreg:$0x4] =	wrdreg $0xC0  }
0xac: {  	_ =	task [dreg:s8], $0x5FFFF  }
0xad: {  	[dreg:$0x1] =	wrdreg $0xFFFFFFFF  }
0xae: {  	[dreg:$0x0] =	wrdreg $0x60  }
0xaf: {  	[dreg:$0x2] =	wrdreg s24  }
0xb0: {  	[dreg:$0x3] =	wrdreg s2  }
0xb1: {  	[dreg:$0x4] =	wrdreg s18  }
0xb2: {  	[dreg:$0x5] =	wrdreg $0x9  }
0xb3: {  	_ =	task.clear_ibuf [dreg:s8], $0x6FFFF;
	_ =	strace $0x90000046  }
0xb4: {  	s29 =	simm.s32 $0x9;
	_ =	strace $0x80000048  }
0xb5: {  	_ =	swait.ge [sflag:s29], $0x1  }
0xb6: {  	[sflag:s29] =	ssyncadd.s32 $0xFFFFFFFF  }
0xb7: {  	_ =	strace $0x90000048  }
0xb8: {  	_ =	sfence  }
0xb9: {  	s30 =	sld [smem:$0x0];
	_ =	sdelay $0x2  }
0xba: {  	s31 =	sshll.u32 s1, $0xD;
	s1 =	sshrl.u32 s1, $0x2  }
0xbb: {  	s3 =	sand.u32 $0x4000, s31;
	s1 =	sadd.s32 s1, s30  }
0xbc: {  	s0 =	sor.u32 s3, s0;
	s1 =	sshll.u32 s1, $0x11  }
0xbd: {  	s0 =	sor.u32 s1, s0  }
0xbe: {  	s0 =	sadd.s32 $0x8F2B, s0  }
0xbf: {  	[sflag:s0] =	ssyncadd.remote.s32 $0x1  }
0xc0: {  	_ =	sfence.sel $0xFFFF  }
0xc1: {  	[dreg:$0x0] =	wrdreg $0xFFFFFFFF;
	(pc) =	sbr.abs _section_cstart, $3  }
0xc2: {  	[dreg:$0x1] =	wrdreg $0xFFFFFFFF  }
0xc3: {  	_ =	task.clear_ibuf [dreg:s8], $0x2FFFF;
	_ =	strace $0x9FFFFFFF  }
0xc4: {  	(tm) =	ssettm $0x7FFFFFFF  }
0xc5: {  	_ =	shalt  }
tec
execute0_lowered:
.L_overlay_start_1:
0x0: {  	(tag) =	ssettag $0x1  }
0x1: {  	s0 =	rddreg [dreg:$0x0]  }
0x2: {  	s1 =	rddreg [dreg:$0x1]  }
0x3: {  	s8 =	rddreg [dreg:$0x2];
	s2 =	simm.s32 $0x0  }
0x4: {  	[smem:$0x7FF] =	sst s2;
	s11 =	sadd.s32 $0x20000, s8  }
0x5: {  	s12 =	sadd.s32 $0x40000, s8;
	_ =	strace $0x80000047;
	[dreg:$0x9] =	wrdreg s11  }
0x6: {  	s13 =	sadd.s32 $0x60000, s8;
	[dreg:$0xa] =	wrdreg s12  }
0x7: {  	s14 =	sadd.s32 $0x80000, s8;
	[dreg:$0xb] =	wrdreg s13  }
0x8: {  	s15 =	sadd.s32 $0xA0000, s8;
	[dreg:$0xc] =	wrdreg s14  }
0x9: {  	s16 =	sadd.s32 $0xC0000, s8;
	[dreg:$0xd] =	wrdreg s15  }
0xa: {  	s17 =	sadd.s32 $0xE0000, s8;
	[dreg:$0xe] =	wrdreg s16  }
0xb: {  	s19 =	sadd.s32 $0x40, s8;
	[dreg:$0xf] =	wrdreg s17  }
0xc: {  	s20 =	sadd.s32 $0x20040, s8;
	[dreg:$0x11] =	wrdreg s19  }
0xd: {  	s21 =	sadd.s32 $0x40040, s8;
	[dreg:$0x12] =	wrdreg s20  }
0xe: {  	s22 =	sadd.s32 $0x60040, s8;
	[dreg:$0x13] =	wrdreg s21  }
0xf: {  	s3 =	srdreg.scid;
	s23 =	sadd.s32 $0x80040, s8;
	[dreg:$0x14] =	wrdreg s22  }
0x10: {  	s9 =	stileid.u32;
	s24 =	sadd.s32 $0xA0040, s8;
	[dreg:$0x15] =	wrdreg s23  }
0x11: {  	s3 =	sand.u32 $0x1, s3;
	s25 =	sadd.s32 $0xC0040, s8;
	[dreg:$0x16] =	wrdreg s24  }
0x12: {  	s7 =	sshll.u32 s9, $0xD;
	s26 =	sadd.s32 $0xE0040, s8;
	[dreg:$0x17] =	wrdreg s25  }
0x13: {  	s1 =	sadd.s32 s1, s7;
	s7 =	sshll.u32 s9, $0x10;
	[dreg:$0x18] =	wrdreg s26  }
0x14: {  	s28 =	simm.s32 $0x200;
	s10 =	sshll.u32 s3, $0x17;
	[dreg:$0x5] =	wrdreg s7  }
0x15: {  	s4 =	smul.u32 $0xF81, s3;
	s5 =	ssub.s32 $0x2, s3;
	[dreg:$0x8] =	wrdreg s10  }
0x16: {  	s6 =	sshrl.u32 s5, $0x1;
	s9 =	sadd.s32 $0x40, s1;
	[dreg:$0x4] =	wrdreg s1  }
.Ltmp0:
0x17: {  	s18 =	sadd.s32 $0x400, s1;
	[dreg:$0x6] =	wrdreg s9;
	(pc) =	sbr.rel .LBB2_1-.Ltmp0, $4  }
0x18: {  	s31 =	sadd.s32 $0x440, s1;
	s0 =	sadd.s32 s4, s0;
	[dreg:$0x10] =	wrdreg s18  }
0x19: {  	s6 =	ssub.s32 s5, s6;
	[dreg:$0x1a] =	wrdreg s31;
	s0 =	sadd.s32 $0x400, s0  }
0x1a: {  	s29 =	simm.s32 $0x400;
	s30 =	smax.u32 s6, $0x1;
	[dreg:$0x7] =	wrdreg s0  }
0x1b: {  	s1 =	simm.s32 $0x0;
	s6 =	simm.s32 $0x4;
	[dreg:$0x19] =	wrdreg s30  }
.LBB2_12:
0x1c: {  	s0 =	simm.s32 $0x3  }
0x1d: {  	_ =	swait.ge [sflag:s0], $0x1000  }
0x1e: {  	[sflag:s0] =	ssyncset.done $0x0  }
0x1f: {  	[sflag:s0] =	ssyncadd.s32 $0xFFFFF000  }
0x20: {  	_ =	swait.ge [sflag:s0], $0x1000  }
0x21: {  	[sflag:s0] =	ssyncset.done $0x0  }
0x22: {  	[sflag:s0] =	ssyncadd.s32 $0xFFFFF000  }
0x23: {  	_ =	swait.ge [sflag:s0], $0x1000  }
0x24: {  	[sflag:s0] =	ssyncset.done $0x0  }
0x25: {  	[sflag:s0] =	ssyncadd.s32 $0xFFFFF000  }
0x26: {  	_ =	swait.ge [sflag:s0], $0x1000  }
0x27: {  	[sflag:s0] =	ssyncset.done $0x0  }
0x28: {  	[sflag:s0] =	ssyncadd.s32 $0xFFFFF000  }
0x29: {  	_ =	swait.ge [sflag:s0], $0x1000  }
0x2a: {  	[sflag:s0] =	ssyncset.done $0x0  }
0x2b: {  	[sflag:s0] =	ssyncadd.s32 $0xFFFFF000  }
0x2c: {  	_ =	swait.ge [sflag:s0], $0x1000  }
0x2d: {  	[sflag:s0] =	ssyncset.done $0x0  }
0x2e: {  	[sflag:s0] =	ssyncadd.s32 $0xFFFFF000  }
0x2f: {  	_ =	swait.ge [sflag:s0], $0x1000  }
0x30: {  	[sflag:s0] =	ssyncset.done $0x0  }
0x31: {  	[sflag:s0] =	ssyncadd.s32 $0xFFFFF000  }
0x32: {  	_ =	swait.ge [sflag:s0], $0x1000  }
0x33: {  	[sflag:s0] =	ssyncset.done $0x0  }
0x34: {  	[sflag:s0] =	ssyncadd.s32 $0xFFFFF000  }
0x35: {  	_ =	swait.ge [sflag:s6], $0x1000  }
0x36: {  	[sflag:s6] =	ssyncset.done $0x0  }
0x37: {  	[sflag:s6] =	ssyncadd.s32 $0xFFFFF000  }
0x38: {  	_ =	swait.ge [sflag:s6], $0x1000  }
0x39: {  	[sflag:s6] =	ssyncset.done $0x0  }
0x3a: {  	[sflag:s6] =	ssyncadd.s32 $0xFFFFF000  }
0x3b: {  	_ =	swait.ge [sflag:s6], $0x1000  }
0x3c: {  	[sflag:s6] =	ssyncset.done $0x0  }
0x3d: {  	[sflag:s6] =	ssyncadd.s32 $0xFFFFF000  }
0x3e: {  	_ =	swait.ge [sflag:s6], $0x1000  }
0x3f: {  	[sflag:s6] =	ssyncset.done $0x0  }
0x40: {  	[sflag:s6] =	ssyncadd.s32 $0xFFFFF000  }
0x41: {  	_ =	swait.ge [sflag:s6], $0x1000  }
0x42: {  	[sflag:s6] =	ssyncset.done $0x0  }
0x43: {  	[sflag:s6] =	ssyncadd.s32 $0xFFFFF000  }
0x44: {  	_ =	swait.ge [sflag:s6], $0x1000  }
0x45: {  	[sflag:s6] =	ssyncset.done $0x0  }
0x46: {  	[sflag:s6] =	ssyncadd.s32 $0xFFFFF000  }
0x47: {  	_ =	swait.ge [sflag:s6], $0x1000  }
0x48: {  	[sflag:s6] =	ssyncset.done $0x0  }
0x49: {  	[sflag:s6] =	ssyncadd.s32 $0xFFFFF000  }
0x4a: {  	_ =	swait.ge [sflag:s6], $0x1000  }
0x4b: {  	s1 =	rddreg [dreg:$0x1b]  }
0x4c: {  	s31 =	rddreg [dreg:$0x19];
	s1 =	sadd.s32 $0x1, s1  }
0x4d: {  	p0 =	sne.s32 s1, s31  }
.Ltmp1:
0x4e: {  	_ = 	snop;
	(pc) =	sbr.rel @!p0 .LBB2_13-.Ltmp1, $3  }
0x4f: {  	_ =	sdelay $0x1  }
0x50: {  	[sflag:s6] =	ssyncset.done $0x0  }
0x51: {  	[sflag:s6] =	ssyncadd.s32 $0xFFFFF000  }
.LBB2_1:
0x52: {  	[dreg:$0x1b] =	wrdreg s1  }
0x53: {  	s0 =	rddreg [dreg:$0x4];
	s24 =	simm.s32 $0x7C80  }
0x54: {  	[tilespmem:s24], [sflag:$0x1] =	stream.strided.gather [hbm4b:s0+s28], $0x1000, s29, s28, $0x38;
	[tilespmem:$0x19C80] =	vst v63  }
0x55: {  	s25 =	rddreg [dreg:$0x6];
	s26 =	simm.s32 $0x8C80  }
0x56: {  	[tilespmem:s26], [sflag:$0x2] =	stream.strided.gather [hbm4b:s25+s28], $0x1000, s29, s28, $0x38;
	[tilespmem:$0x19C80] =	vst v63  }
0x57: {  	s30 =	rddreg [dreg:$0x7];
	s31 =	simm.s32 $0x5  }
0x58: {  	[tilespmem:s2], [sflag:$0x5] =	stream.linear.gather [hbm4b:s30+s2], $0x7C08, $0x38;
	[tilespmem:$0x19C80] =	vst v63  }
0x59: {  	_ =	swait.ge [sflag:s31], $0x7C08  }
0x5a: {  	[sflag:s31] =	ssyncset.done $0x0  }
0x5b: {  	s25 =	simm.s32 $0x0;
	[sflag:s31] =	ssyncadd.s32 $0xFFFF83F8  }
.LBB2_2:
0x5c: {  	s0 =	simm.s32 $0x1  }
0x5d: {  	_ =	swait.ge [sflag:s0], $0x1000  }
0x5e: {  	p0 =	seq.s32 s25, $0x0;
	[sflag:s0] =	ssyncset.done $0x0  }
0x5f: {  	[sflag:s0] =	ssyncadd.s32 $0xFFFFF000;
	s0 =	simm.s32 @!p0 $0x3  }
0x60: {  	_ =	swait.ge @!p0 [sflag:s0], $0x1000  }
0x61: {  	[sflag:s0] =	ssyncset.done @!p0 $0x0  }
0x62: {  	[sflag:s0] =	ssyncadd.s32 @!p0 $0xFFFFF000  }
0x63: {  	_ =	swait.ge @!p0 [sflag:s0], $0x1000  }
0x64: {  	[sflag:s0] =	ssyncset.done @!p0 $0x0  }
0x65: {  	[sflag:s0] =	ssyncadd.s32 @!p0 $0xFFFFF000  }
0x66: {  	_ =	swait.ge @!p0 [sflag:s0], $0x1000  }
0x67: {  	[sflag:s0] =	ssyncset.done @!p0 $0x0  }
0x68: {  	[sflag:s0] =	ssyncadd.s32 @!p0 $0xFFFFF000  }
0x69: {  	_ =	swait.ge @!p0 [sflag:s0], $0x1000  }
0x6a: {  	[sflag:s0] =	ssyncset.done @!p0 $0x0  }
0x6b: {  	[sflag:s0] =	ssyncadd.s32 @!p0 $0xFFFFF000  }
0x6c: {  	_ =	swait.ge @!p0 [sflag:s0], $0x1000  }
0x6d: {  	[sflag:s0] =	ssyncset.done @!p0 $0x0  }
0x6e: {  	[sflag:s0] =	ssyncadd.s32 @!p0 $0xFFFFF000  }
0x6f: {  	_ =	swait.ge @!p0 [sflag:s0], $0x1000  }
0x70: {  	[sflag:s0] =	ssyncset.done @!p0 $0x0  }
0x71: {  	[sflag:s0] =	ssyncadd.s32 @!p0 $0xFFFFF000  }
0x72: {  	s1 =	simm.s32 $0x0;
	s4 =	simm.s32 $0x0;
	_ =	swait.ge @!p0 [sflag:s0], $0x1000  }
0x73: {  	s5 =	simm.s32 $0x0;
	s1 =	sand.u32 $0xFFFFF000, s1;
	[sflag:s0] =	ssyncset.done @!p0 $0x0  }
0x74: {  	s11 =	sand.u32 $0x60, s4;
	s1 =	ssub.s32 $0x0, s1;
	[sflag:s0] =	ssyncadd.s32 @!p0 $0xFFFFF000  }
0x75: {  	s26 =	sand.u32 $0xFFFFFF80, s5;
	s1 =	sand.u32 $0xFFFFFE00, s1;
	_ =	swait.ge @!p0 [sflag:s0], $0x1000  }
0x76: {  	s15 =	sor.u32 $0x10, s11;
	s5 =	sor.u32 s26, s1;
	[sflag:s0] =	ssyncset.done @!p0 $0x0  }
0x77: {  	s31 =	sor.u32 s15, s5;
	[sflag:s0] =	ssyncadd.s32 @!p0 $0xFFFFF000  }
0x78: {  	s5 =	sor.u32 s11, s5;
	v2 =	vld [tilespmem:s31+$0x7C80]  }
0x79: {  	v3 =	vld [tilespmem:s5+$0x7C80];
	_ =	sdelay $0x5  }
0x7a: {  	s7 =	simm.s32 $0x80  }
0x7b: {  	s7 =	sand.u32 $0xFFFFF000, s7;
	v0 =	vld.idx.msk [tilespmem:v2+s2+$0x0], $0xffff  }
0x7c: {  	s8 =	simm.s32 $0x4;
	s9 =	simm.s32 $0x20;
	s7 =	ssub.s32 $0x80, s7;
	v4 =	vadd.s32 $0xF81, v2;
	v1 =	vld.idx.msk [tilespmem:v3+s2+$0x0], $0xffff  }
0x7d: {  	s30 =	sand.u32 $0x60, s9;
	s3 =	sand.u32 $0xFFFFFF80, s8;
	s7 =	sand.u32 $0xFFFFFE00, s7;
	v5 =	vadd.s32 $0xF81, v3  }
0x7e: {  	s8 =	sor.u32 s3, s7;
	s0 =	sor.u32 $0x10, s30  }
0x7f: {  	s14 =	sor.u32 s0, s8  }
0x80: {  	[tilespmem:s31+$0x9C80] =	vst v0;
	v0 =	vld [tilespmem:s14+$0x7C80]  }
0x81: {  	[tilespmem:s5+$0x9C80] =	vst v1;
	v1 =	vld.idx.msk [tilespmem:v4+s2+$0x0], $0xffff  }
0x82: {  	s10 =	sor.u32 s30, s8;
	v6 =	vadd.s32 $0x1F02, v2;
	v5 =	vld.idx.msk [tilespmem:v5+s2+$0x0], $0xffff  }
0x83: {  	s17 =	sadd.s32 s26, s1;
	v7 =	vadd.s32 $0x1F02, v3;
	v4 =	vld [tilespmem:s10+$0x7C80]  }
0x84: {  	s1 =	sadd.s32 $0xAC80, s17  }
0x85: {  	s18 =	sor.u32 s15, s1  }
0x86: {  	s1 =	sor.u32 s11, s1;
	[tilespmem:s18+$0x0] =	vst v1  }
0x87: {  	[tilespmem:s1+$0x0] =	vst v5;
	v1 =	vld.idx.msk [tilespmem:v6+s2+$0x0], $0xffff  }
0x88: {  	v5 =	vadd.s32 $0x2E83, v2;
	v6 =	vld.idx.msk [tilespmem:v7+s2+$0x0], $0xffff  }
0x89: {  	v7 =	vadd.s32 $0x2E83, v3;
	v8 =	vld.idx.msk [tilespmem:v0+s2+$0x0], $0xffff  }
0x8a: {  	s21 =	simm.s32 $0x100;
	s19 =	sadd.s32 $0xBC80, s17;
	v10 =	vadd.s32 $0xF81, v0  }
0x8b: {  	s4 =	sand.u32 $0xFFFFF000, s21;
	s20 =	sor.u32 s15, s19;
	v9 =	vld.idx.msk [tilespmem:v4+s2+$0x0], $0xffff  }
0x8c: {  	s23 =	simm.s32 $0x8;
	s22 =	ssub.s32 $0x100, s4;
	v11 =	vadd.s32 $0xF81, v4;
	s1 =	sor.u32 s11, s19;
	[tilespmem:s20+$0x0] =	vst v1  }
0x8d: {  	s24 =	simm.s32 $0x40;
	s4 =	sand.u32 $0xFFFFFE00, s22;
	s8 =	sand.u32 $0xFFFFFF80, s23;
	[tilespmem:s1+$0x0] =	vst v6;
	v5 =	vld.idx.msk [tilespmem:v5+s2+$0x0], $0xffff  }
0x8e: {  	s16 =	sand.u32 $0x60, s24;
	s26 =	sor.u32 s8, s4;
	v6 =	vadd.s32 $0x3E04, v2;
	v7 =	vld.idx.msk [tilespmem:v7+s2+$0x0], $0xffff;
	[tilespmem:s14+$0x9C80] =	vst v8  }
0x8f: {  	s14 =	sor.u32 s16, s26;
	v8 =	vld.idx.msk [tilespmem:v10+s2+$0x0], $0xffff;
	v10 =	vadd.s32 $0x3E04, v3  }
0x90: {  	s31 =	sadd.s32 $0xCC80, s17;
	s1 =	sor.u32 $0x10, s16;
	[tilespmem:s10+$0x9C80] =	vst v9;
	v13 =	vld [tilespmem:s14+$0x7C80]  }
0x91: {  	s12 =	sor.u32 s15, s31;
	s13 =	sor.u32 s1, s26;
	v9 =	vld.idx.msk [tilespmem:v11+s2+$0x0], $0xffff  }
0x92: {  	s7 =	sadd.s32 s3, s7;
	s3 =	sor.u32 s11, s31;
	v1 =	vld [tilespmem:s13+$0x7C80];
	v11 =	vadd.s32 $0x1F02, v4;
	[tilespmem:s12+$0x0] =	vst v5  }
0x93: {  	v5 =	vadd.s32 $0x1F02, v0;
	[tilespmem:s3+$0x0] =	vst v7;
	v6 =	vld.idx.msk [tilespmem:v6+s2+$0x0], $0xffff  }
0x94: {  	s9 =	sadd.s32 $0xAC80, s7;
	v7 =	vld.idx.msk [tilespmem:v10+s2+$0x0], $0xffff  }
0x95: {  	v12 =	vadd.s32 $0x4D85, v2;
	s10 =	sor.u32 s0, s9;
	s9 =	sor.u32 s30, s9  }
0x96: {  	s12 =	sadd.s32 $0xDC80, s17;
	[tilespmem:s9+$0x0] =	vst v9  }
0x97: {  	[tilespmem:s10+$0x0] =	vst v8;
	s18 =	sor.u32 s15, s12;
	v9 =	vld.idx.msk [tilespmem:v11+s2+$0x0], $0xffff  }
0x98: {  	v8 =	vadd.s32 $0x4D85, v3;
	s5 =	sor.u32 s11, s12;
	v5 =	vld.idx.msk [tilespmem:v5+s2+$0x0], $0xffff;
	[tilespmem:s18+$0x0] =	vst v6  }
0x99: {  	v10 =	vadd.s32 $0x2E83, v0;
	[tilespmem:s5+$0x0] =	vst v7;
	v7 =	vld.idx.msk [tilespmem:v13+s2+$0x0], $0xffff  }
0x9a: {  	s19 =	sadd.s32 $0xBC80, s7;
	v6 =	vadd.s32 $0x2E83, v4;
	v11 =	vld.idx.msk [tilespmem:v12+s2+$0x0], $0xffff  }
0x9b: {  	v16 =	vadd.s32 $0xF81, v13;
	s9 =	sor.u32 s30, s19;
	v12 =	vld.idx.msk [tilespmem:v1+s2+$0x0], $0xffff  }
0x9c: {  	s21 =	simm.s32 $0x180;
	v14 =	vadd.s32 $0x5D06, v2;
	s20 =	sor.u32 s0, s19;
	[tilespmem:s9+$0x0] =	vst v9  }
0x9d: {  	s23 =	simm.s32 $0xC;
	s18 =	sadd.s32 $0xEC80, s17;
	s5 =	sand.u32 $0xFFFFF000, s21;
	v8 =	vld.idx.msk [tilespmem:v8+s2+$0x0], $0xffff;
	[tilespmem:s20+$0x0] =	vst v5  }
0x9e: {  	v15 =	vadd.s32 $0xF81, v1;
	s22 =	sor.u32 s15, s18;
	s5 =	ssub.s32 $0x180, s5;
	s9 =	simm.s32 $0x60;
	v5 =	vld.idx.msk [tilespmem:v10+s2+$0x0], $0xffff;
	[tilespmem:s14+$0x9C80] =	vst v7  }
0x9f: {  	s12 =	sand.u32 $0xFFFFFF80, s23;
	s10 =	sand.u32 $0xFFFFFE00, s5;
	s26 =	sand.u32 $0x60, s9;
	v6 =	vld.idx.msk [tilespmem:v6+s2+$0x0], $0xffff;
	[tilespmem:s22+$0x0] =	vst v11  }
0xa0: {  	v9 =	vadd.s32 $0x3E04, v0;
	s24 =	sor.u32 s12, s10;
	s5 =	sor.u32 $0x10, s26;
	[tilespmem:s13+$0x9C80] =	vst v12;
	v12 =	vld.idx.msk [tilespmem:v16+s2+$0x0], $0xffff  }
0xa1: {  	s14 =	sor.u32 s5, s24;
	v11 =	vadd.s32 $0x3E04, v4;
	v10 =	vld.idx.msk [tilespmem:v14+s2+$0x0], $0xffff  }
0xa2: {  	s19 =	sadd.s32 $0xCC80, s7;
	v16 =	vadd.s32 $0x1F02, v13;
	v14 =	vadd.s32 $0x6C87, v2;
	v2 =	vld [tilespmem:s14+$0x7C80]  }
0xa3: {  	s8 =	sadd.s32 s8, s4;
	s20 =	sor.u32 s0, s19;
	s13 =	sor.u32 s26, s24;
	v7 =	vld.idx.msk [tilespmem:v15+s2+$0x0], $0xffff  }
0xa4: {  	s4 =	sadd.s32 $0xAC80, s8;
	s19 =	sor.u32 s30, s19;
	v15 =	vadd.s32 $0x1F02, v1;
	v21 =	vld [tilespmem:s13+$0x7C80];
	[tilespmem:s20+$0x0] =	vst v5  }
0xa5: {  	s21 =	sor.u32 s1, s4;
	s4 =	sor.u32 s16, s4;
	s20 =	sadd.s32 $0xFC80, s17;
	[tilespmem:s19+$0x0] =	vst v6;
	v17 =	vld.idx.msk [tilespmem:v9+s2+$0x0], $0xffff  }
0xa6: {  	v18 =	vadd.s32 $0x5D06, v3;
	s31 =	sor.u32 s15, s20;
	v25 =	vld.idx.msk [tilespmem:v11+s2+$0x0], $0xffff;
	[tilespmem:s4+$0x0] =	vst v12  }
0xa7: {  	v22 =	vadd.s32 $0x4D85, v0;
	[tilespmem:s31+$0x0] =	vst v10;
	v20 =	vld.idx.msk [tilespmem:v16+s2+$0x0], $0xffff  }
0xa8: {  	v28 =	vadd.s32 $0x4D85, v4;
	v23 =	vadd.s32 $0x2E83, v1;
	v5 =	vadd.s32 $0x6C87, v3;
	[tilespmem:s21+$0x0] =	vst v7;
	v26 =	vld.idx.msk [tilespmem:v14+s2+$0x0], $0xffff  }
0xa9: {  	s3 =	sadd.s32 $0xDC80, s7;
	s18 =	sor.u32 s11, s18;
	v6 =	vadd.s32 $0x5D06, v4;
	v3 =	vadd.s32 $0x6C87, v4;
	v4 =	vadd.s32 $0x6C87, v13;
	v27 =	vld.idx.msk [tilespmem:v15+s2+$0x0], $0xffff  }
0xaa: {  	[tilespmem:s18+$0x0] =	vst v8;
	v12 =	vadd.s32 $0x2E83, v13;
	v11 =	vadd.s32 $0x3E04, v13;
	v9 =	vadd.s32 $0x4D85, v13;
	s21 =	sor.u32 s0, s3;
	v24 =	vld.idx.msk [tilespmem:v2+s2+$0x0], $0xffff  }
0xab: {  	s23 =	sadd.s32 $0x10C80, s17;
	s22 =	sor.u32 s30, s3;
	s24 =	sadd.s32 $0xBC80, s8;
	v7 =	vadd.s32 $0x5D06, v13;
	v19 =	vadd.s32 $0xF81, v21;
	v10 =	vadd.s32 $0x4D85, v21;
	[tilespmem:s21+$0x0] =	vst v17;
	v17 =	vld.idx.msk [tilespmem:v18+s2+$0x0], $0xffff  }
0xac: {  	s17 =	simm.s32 $0x180;
	s19 =	simm.s32 $0x8;
	v8 =	vadd.s32 $0x5D06, v21;
	v13 =	vadd.s32 $0x6C87, v21;
	v15 =	vadd.s32 $0x1F02, v21;
	[tilespmem:s22+$0x0] =	vst v25;
	s22 =	sor.u32 s15, s23;
	v18 =	vld.idx.msk [tilespmem:v22+s2+$0x0], $0xffff  }
0xad: {  	s4 =	sshll.u32 s25, $0xA;
	s18 =	sor.u32 s11, s20;
	s31 =	sor.u32 s1, s24;
	v14 =	vadd.s32 $0x3E04, v21;
	v25 =	vld.idx.msk [tilespmem:v21+s2+$0x0], $0xffff;
	v22 =	vadd.s32 $0x2E83, v21;
	v21 =	vadd.s32 $0x5D06, v0;
	[tilespmem:s22+$0x0] =	vst v26  }
0xae: {  	s11 =	sor.u32 s11, s23;
	s15 =	simm.s32 $0x6;
	s21 =	sor.u32 s16, s24;
	v16 =	vld.idx.msk [tilespmem:v28+s2+$0x0], $0xffff;
	v26 =	vadd.s32 $0xF81, v2;
	[tilespmem:s31+$0x0] =	vst v27  }
.LBB2_3:
0xaf: {  	s20 =	sshll.u32 s19, $0x6;
	s17 =	sadd.s32 $0x80, s17;
	[tilespmem:s21+$0x0] =	vst v20;
	v20 =	vld.idx.msk [tilespmem:v23+s2+$0x0], $0xffff;
	s21 =	sadd.s32 $0xEC80, s7  }
0xb0: {  	s15 =	sadd.s32 $0x2, s15;
	s20 =	sand.u32 $0xFFFFF000, s20;
	v23 =	vld.idx.msk [tilespmem:v12+s2+$0x0], $0xffff;
	s22 =	sor.u32 s0, s21;
	[tilespmem:s18+$0x0] =	vst v17;
	v12 =	vmov v22  }
0xb1: {  	s9 =	sadd.s32 $0x20, s9;
	s23 =	sshll.u32 s15, $0x1;
	v17 =	vadd.s32 $0x3E04, v1;
	s18 =	ssub.s32 s17, s20;
	[tilespmem:s22+$0x0] =	vst v18;
	v18 =	vld.idx.msk [tilespmem:v5+s2+$0x0], $0xffff;
	v5 =	vmovc v3;
	v3 =	vmov v4;
	v4 =	vmov v13  }
0xb2: {  	s20 =	sand.u32 $0x60, s9;
	s22 =	sand.u32 $0xFFFFFF80, s23;
	s18 =	sand.u32 $0xFFFFFE00, s18;
	[tilespmem:s14+$0x9C80] =	vst v24;
	v13 =	vld.idx.msk [tilespmem:v21+s2+$0x0], $0xffff  }
0xb3: {  	s24 =	sadd.s32 $0xCC80, s8;
	s23 =	sor.u32 $0x10, s20;
	s14 =	sor.u32 s22, s18;
	[tilespmem:s13+$0x9C80] =	vst v25;
	v21 =	vld.idx.msk [tilespmem:v26+s2+$0x0], $0xffff  }
0xb4: {  	s3 =	sor.u32 s1, s24;
	v22 =	vadd.s32 $0x6C87, v0;
	v0 =	vmov v1;
	v1 =	vmov v2;
	s13 =	sor.u32 s20, s14;
	s14 =	sor.u32 s23, s14;
	v19 =	vld.idx.msk [tilespmem:v19+s2+$0x0], $0xffff  }
0xb5: {  	p1 =	slt.u32 s15, $0xFE;
	s24 =	sor.u32 s16, s24;
	v24 =	vadd.s32 $0x1F02, v1;
	v2 =	vld [tilespmem:s14+$0x7C80];
	[tilespmem:s3+$0x0] =	vst v20;
	s3 =	sor.u32 s30, s21  }
0xb6: {  	s21 =	sadd.s32 s12, s10;
	s12 =	sadd.s32 $0xFC80, s7;
	s10 =	smov.u32 s18;
	[tilespmem:s24+$0x0] =	vst v23;
	v17 =	vld.idx.msk [tilespmem:v17+s2+$0x0], $0xffff  }
0xb7: {  	s24 =	sadd.s32 $0xAC80, s21;
	s18 =	sor.u32 s30, s12;
	v25 =	vld [tilespmem:s13+$0x7C80];
	[tilespmem:s3+$0x0] =	vst v16;
	s3 =	sor.u32 s0, s12  }
0xb8: {  	v26 =	vadd.s32 $0x4D85, v0;
	s31 =	sor.u32 s26, s24;
	s24 =	sor.u32 s5, s24;
	s12 =	smov.u32 s22;
	v16 =	vld.idx.msk [tilespmem:v11+s2+$0x0], $0xffff;
	[tilespmem:s3+$0x0] =	vst v13;
	v11 =	vmov v14  }
0xb9: {  	s3 =	smov.u32 s0;
	s0 =	smov.u32 s1;
	s1 =	smov.u32 s5;
	[tilespmem:s24+$0x0] =	vst v21;
	v27 =	vld.idx.msk [tilespmem:v22+s2+$0x0], $0xffff  }
0xba: {  	s22 =	sadd.s32 $0xDC80, s8;
	s5 =	smov.u32 s23;
	[tilespmem:s31+$0x0] =	vst v19;
	v28 =	vld.idx.msk [tilespmem:v24+s2+$0x0], $0xffff  }
0xbb: {  	s23 =	sor.u32 s16, s22;
	s22 =	sor.u32 s0, s22;
	v20 =	vld.idx.msk [tilespmem:v15+s2+$0x0], $0xffff;
	[tilespmem:s11+$0x0] =	vst v18  }
.Ltmp2:
0xbc: {  	v23 =	vadd.s32 $0x2E83, v1;
	v19 =	vadd.s32 $0xF81, v25;
	v15 =	vadd.s32 $0x1F02, v25;
	[tilespmem:s22+$0x0] =	vst v17;
	v17 =	vld.idx.msk [tilespmem:v6+s2+$0x0], $0xffff;
	v6 =	vmovc v7;
	v7 =	vmovc v8;
	(pc) =	sbr.rel @p1 .LBB2_3-.Ltmp2, $4  }
0xbd: {  	v22 =	vadd.s32 $0x2E83, v25;
	v14 =	vadd.s32 $0x3E04, v25;
	v29 =	vadd.s32 $0x4D85, v25;
	s22 =	sadd.s32 $0x10C80, s7;
	s7 =	smov.u32 s8;
	s8 =	smov.u32 s21;
	v18 =	vld.idx.msk [tilespmem:v26+s2+$0x0], $0xffff  }
0xbe: {  	v8 =	vadd.s32 $0x5D06, v25;
	v13 =	vadd.s32 $0x6C87, v25;
	s24 =	sadd.s32 $0xBC80, s8;
	s11 =	sor.u32 s30, s22;
	s3 =	sor.u32 s3, s22;
	v24 =	vld.idx.msk [tilespmem:v2+s2+$0x0], $0xffff;
	[tilespmem:s23+$0x0] =	vst v16  }
0xbf: {  	v21 =	vadd.s32 $0x5D06, v0;
	s30 =	smov.u32 s16;
	s21 =	sor.u32 s26, s24;
	s22 =	sor.u32 s1, s24;
	v25 =	vld.idx.msk [tilespmem:v25+s2+$0x0], $0xffff;
	[tilespmem:s3+$0x0] =	vst v27  }
0xc0: {  	s19 =	sadd.s32 $0x2, s19;
	v26 =	vadd.s32 $0xF81, v2;
	s16 =	smov.u32 s26;
	s26 =	smov.u32 s20;
	[tilespmem:s22+$0x0] =	vst v28;
	v16 =	vld.idx.msk [tilespmem:v9+s2+$0x0], $0xffff;
	v9 =	vmov v10;
	v10 =	vmov v29  }
0xc1: {  	_ =	sdelay $0x2  }
0xc2: {  	[tilespmem:s14+$0x9C80] =	vst v24  }
0xc3: {  	[tilespmem:s13+$0x9C80] =	vst v25;
	v24 =	vld.idx.msk [tilespmem:v26+s2+$0x0], $0xffff  }
0xc4: {  	v46 =	vadd.s32 $0x1F02, v2;
	v19 =	vld.idx.msk [tilespmem:v19+s2+$0x0], $0xffff  }
0xc5: {  	s9 =	sadd.s32 s12, s10  }
0xc6: {  	s3 =	sadd.s32 $0xAC80, s9  }
0xc7: {  	s23 =	sor.u32 s5, s3  }
0xc8: {  	s3 =	sor.u32 s26, s3;
	[tilespmem:s23+$0x0] =	vst v24  }
0xc9: {  	[tilespmem:s3+$0x0] =	vst v19;
	v47 =	vld.idx.msk [tilespmem:v46+s2+$0x0], $0xffff  }
0xca: {  	v48 =	vadd.s32 $0x2E83, v2;
	v15 =	vld.idx.msk [tilespmem:v15+s2+$0x0], $0xffff  }
0xcb: {  	[tilespmem:s21+$0x0] =	vst v20;
	v49 =	vld.idx.msk [tilespmem:v23+s2+$0x0], $0xffff  }
0xcc: {  	v50 =	vadd.s32 $0x3E04, v1;
	s24 =	sadd.s32 $0xBC80, s9;
	v12 =	vld.idx.msk [tilespmem:v12+s2+$0x0], $0xffff  }
0xcd: {  	s31 =	sor.u32 s5, s24  }
0xce: {  	s10 =	sadd.s32 $0xCC80, s8;
	s3 =	sor.u32 s26, s24;
	[tilespmem:s31+$0x0] =	vst v47  }
0xcf: {  	s12 =	sor.u32 s1, s10;
	[tilespmem:s3+$0x0] =	vst v15;
	v51 =	vld.idx.msk [tilespmem:v48+s2+$0x0], $0xffff  }
0xd0: {  	v53 =	vadd.s32 $0x3E04, v2;
	[tilespmem:s12+$0x0] =	vst v49;
	s3 =	sor.u32 s16, s10;
	v52 =	vld.idx.msk [tilespmem:v22+s2+$0x0], $0xffff  }
0xd1: {  	s15 =	sadd.s32 $0xEC80, s7;
	v54 =	vld.idx.msk [tilespmem:v50+s2+$0x0], $0xffff;
	[tilespmem:s3+$0x0] =	vst v12  }
0xd2: {  	v55 =	vadd.s32 $0x4D85, v1;
	[tilespmem:s18+$0x0] =	vst v17;
	s17 =	sor.u32 s0, s15;
	s13 =	sadd.s32 $0xCC80, s9;
	v11 =	vld.idx.msk [tilespmem:v11+s2+$0x0], $0xffff  }
0xd3: {  	v5 =	vld.idx.msk [tilespmem:v5+s2+$0x0], $0xffff;
	[tilespmem:s17+$0x0] =	vst v18;
	s14 =	sor.u32 s5, s13  }
0xd4: {  	s18 =	sadd.s32 $0xDC80, s8;
	s10 =	sor.u32 s26, s13;
	[tilespmem:s14+$0x0] =	vst v51  }
0xd5: {  	s19 =	sor.u32 s1, s18;
	[tilespmem:s10+$0x0] =	vst v52;
	v15 =	vld.idx.msk [tilespmem:v53+s2+$0x0], $0xffff  }
0xd6: {  	v56 =	vadd.s32 $0x4D85, v2;
	s12 =	sor.u32 s16, s18;
	[tilespmem:s19+$0x0] =	vst v54;
	v14 =	vld.idx.msk [tilespmem:v14+s2+$0x0], $0xffff  }
0xd7: {  	v12 =	vld.idx.msk [tilespmem:v55+s2+$0x0], $0xffff;
	[tilespmem:s12+$0x0] =	vst v11  }
0xd8: {  	v57 =	vadd.s32 $0x5D06, v1;
	s20 =	sadd.s32 $0xDC80, s9;
	[tilespmem:s11+$0x0] =	vst v5;
	s3 =	sor.u32 s30, s15;
	v9 =	vld.idx.msk [tilespmem:v9+s2+$0x0], $0xffff  }
0xd9: {  	s21 =	sor.u32 s5, s20;
	v18 =	vld.idx.msk [tilespmem:v21+s2+$0x0], $0xffff;
	[tilespmem:s3+$0x0] =	vst v16  }
0xda: {  	v0 =	vadd.s32 $0x6C87, v0;
	s24 =	sadd.s32 $0xEC80, s8;
	v6 =	vld.idx.msk [tilespmem:v6+s2+$0x0], $0xffff;
	s10 =	sor.u32 s26, s20;
	[tilespmem:s21+$0x0] =	vst v15  }
0xdb: {  	s31 =	sor.u32 s1, s24;
	v15 =	vld.idx.msk [tilespmem:v56+s2+$0x0], $0xffff;
	[tilespmem:s10+$0x0] =	vst v14  }
0xdc: {  	s22 =	sadd.s32 $0xFC80, s7;
	v58 =	vadd.s32 $0x5D06, v2;
	s13 =	sor.u32 s16, s24;
	[tilespmem:s31+$0x0] =	vst v12;
	v10 =	vld.idx.msk [tilespmem:v10+s2+$0x0], $0xffff  }
0xdd: {  	s23 =	sor.u32 s0, s22;
	v11 =	vld.idx.msk [tilespmem:v57+s2+$0x0], $0xffff;
	[tilespmem:s13+$0x0] =	vst v9  }
0xde: {  	v59 =	vadd.s32 $0x6C87, v1;
	s18 =	sor.u32 s30, s22;
	[tilespmem:s23+$0x0] =	vst v18;
	s14 =	sadd.s32 $0xEC80, s9;
	v7 =	vld.idx.msk [tilespmem:v7+s2+$0x0], $0xffff  }
0xdf: {  	v0 =	vld.idx.msk [tilespmem:v0+s2+$0x0], $0xffff;
	s15 =	sor.u32 s5, s14;
	[tilespmem:s18+$0x0] =	vst v6  }
0xe0: {  	s19 =	sadd.s32 $0xFC80, s8;
	s17 =	sor.u32 s26, s14;
	v3 =	vld.idx.msk [tilespmem:v3+s2+$0x0], $0xffff;
	[tilespmem:s15+$0x0] =	vst v15  }
0xe1: {  	s20 =	sor.u32 s1, s19;
	[tilespmem:s17+$0x0] =	vst v10;
	v60 =	vld.idx.msk [tilespmem:v58+s2+$0x0], $0xffff  }
0xe2: {  	v61 =	vadd.s32 $0x6C87, v2;
	s23 =	sadd.s32 $0x10C80, s7;
	s10 =	sor.u32 s16, s19;
	[tilespmem:s20+$0x0] =	vst v11;
	v62 =	vld.idx.msk [tilespmem:v8+s2+$0x0], $0xffff  }
0xe3: {  	s24 =	sor.u32 s0, s23;
	v1 =	vld.idx.msk [tilespmem:v59+s2+$0x0], $0xffff;
	[tilespmem:s10+$0x0] =	vst v7  }
0xe4: {  	s30 =	sor.u32 s30, s23;
	[tilespmem:s24+$0x0] =	vst v0;
	s21 =	sadd.s32 $0xFC80, s9;
	v4 =	vld.idx.msk [tilespmem:v4+s2+$0x0], $0xffff  }
0xe5: {  	s22 =	sor.u32 s5, s21;
	[tilespmem:s30+$0x0] =	vst v3  }
0xe6: {  	s31 =	sadd.s32 $0x10C80, s8;
	s3 =	sor.u32 s26, s21;
	[tilespmem:s22+$0x0] =	vst v60  }
0xe7: {  	[tilespmem:s3+$0x0] =	vst v62;
	v2 =	vld.idx.msk [tilespmem:v61+s2+$0x0], $0xffff;
	s3 =	sor.u32 s1, s31  }
0xe8: {  	s0 =	sor.u32 s16, s31;
	v63 =	vld.idx.msk [tilespmem:v13+s2+$0x0], $0xffff;
	[tilespmem:s3+$0x0] =	vst v1  }
0xe9: {  	s7 =	sshll.u32 s25, $0xD;
	s8 =	sadd.s32 $0x10C80, s9;
	s9 =	rddreg [dreg:$0x5];
	[tilespmem:s0+$0x0] =	vst v4  }
0xea: {  	s3 =	sadd.s32 s9, s7;
	s11 =	rddreg [dreg:$0x8]  }
0xeb: {  	s10 =	sor.u32 s5, s8;
	s3 =	sor.u32 s11, s3  }
0xec: {  	s12 =	rddreg [dreg:$0x2];
	s1 =	sor.u32 s26, s8;
	[tilespmem:s10+$0x0] =	vst v2;
	s0 =	sshrl.u32 s3, $0x3  }
0xed: {  	s13 =	simm.s32 $0x9C80;
	[tilespmem:s1+$0x0] =	vst v63;
	s1 =	sadd.s32 s12, s0  }
0xee: {  	[hbm4b:s1+s28] =	stream.strided.scatter [tilespmem:s13], [sflag:$0x3], $0x1000, s29, s28, $0x38;
	[tilespmem:$0x19C80] =	vst v63  }
0xef: {  	s14 =	rddreg [dreg:$0x9]  }
0xf0: {  	s15 =	simm.s32 $0xAC80;
	s16 =	rddreg [dreg:$0xa];
	s1 =	sadd.s32 s0, s14  }
0xf1: {  	[hbm4b:s1+s28] =	stream.strided.scatter [tilespmem:s15], [sflag:$0x3], $0x1000, s29, s28, $0x38;
	[tilespmem:$0x19C80] =	vst v63  }
0xf2: {  	s17 =	simm.s32 $0xBC80;
	s18 =	rddreg [dreg:$0xb];
	s1 =	sadd.s32 s0, s16  }
0xf3: {  	[hbm4b:s1+s28] =	stream.strided.scatter [tilespmem:s17], [sflag:$0x3], $0x1000, s29, s28, $0x38;
	[tilespmem:$0x19C80] =	vst v63  }
0xf4: {  	s19 =	simm.s32 $0xCC80;
	s20 =	rddreg [dreg:$0xc];
	s1 =	sadd.s32 s0, s18  }
0xf5: {  	[hbm4b:s1+s28] =	stream.strided.scatter [tilespmem:s19], [sflag:$0x3], $0x1000, s29, s28, $0x38;
	[tilespmem:$0x19C80] =	vst v63  }
0xf6: {  	s21 =	simm.s32 $0xDC80;
	s22 =	rddreg [dreg:$0xd];
	s1 =	sadd.s32 s0, s20  }
0xf7: {  	[hbm4b:s1+s28] =	stream.strided.scatter [tilespmem:s21], [sflag:$0x3], $0x1000, s29, s28, $0x38;
	[tilespmem:$0x19C80] =	vst v63  }
0xf8: {  	p1 =	sne.s32 s25, $0x7;
	s23 =	simm.s32 $0xEC80;
	s1 =	sadd.s32 s0, s22  }
0xf9: {  	[hbm4b:s1+s28] =	stream.strided.scatter [tilespmem:s23], [sflag:$0x3], $0x1000, s29, s28, $0x38;
	[tilespmem:$0x19C80] =	vst v63  }
.Ltmp3:
0xfa: {  	s24 =	rddreg [dreg:$0xe];
	(pc) =	sbr.rel @p1 .LBB2_6-.Ltmp3, $4  }
0xfb: {  	s26 =	simm.s32 $0xFC80;
	s30 =	rddreg [dreg:$0xf];
	s1 =	sadd.s32 s0, s24  }
0xfc: {  	[hbm4b:s1+s28] =	stream.strided.scatter [tilespmem:s26], [sflag:$0x3], $0x1000, s29, s28, $0x38;
	[tilespmem:$0x19C80] =	vst v63  }
0xfd: {  	s31 =	simm.s32 $0x10C80;
	s1 =	sadd.s32 s0, s30  }
0xfe: {  	[hbm4b:s1+s28] =	stream.strided.scatter [tilespmem:s31], [sflag:$0x3], $0x1000, s29, s28, $0x38;
	[tilespmem:$0x19C80] =	vst v63  }
.Ltmp4:
0xff: {  	(pc) =	sbr.rel .LBB2_7-.Ltmp4, $4  }
0x100: {  	s1 =	simm.s32 $0x2  }
0x101: {  	_ =	swait.ge [sflag:s1], $0x1000  }
0x102: {  	[sflag:s1] =	ssyncset.done $0x0  }
0x103: {  	[sflag:s1] =	ssyncadd.s32 $0xFFFFF000  }
.LBB2_6:
0x104: {  	s1 =	rddreg [dreg:$0x10];
	s3 =	simm.s32 $0x7C80  }
.Ltmp5:
0x105: {  	s31 =	simm.s32 $0x2;
	s1 =	sadd.s32 s4, s1;
	(pc) =	sbr.rel @p0 .LBB2_8-.Ltmp5, $4  }
0x106: {  	[tilespmem:s3], [sflag:$0x1] =	stream.strided.gather [hbm4b:s1+s28], $0x1000, s29, s28, $0x38;
	[tilespmem:$0x19C80] =	vst v63  }
0x107: {  	_ =	swait.ge [sflag:s31], $0x1000  }
0x108: {  	[sflag:s31] =	ssyncset.done $0x0  }
0x109: {  	[sflag:s31] =	ssyncadd.s32 $0xFFFFF000  }
.LBB2_7:
0x10a: {  	_ =	swait.ge [sflag:s6], $0x1000  }
0x10b: {  	[sflag:s6] =	ssyncset.done $0x0  }
0x10c: {  	[sflag:s6] =	ssyncadd.s32 $0xFFFFF000  }
0x10d: {  	_ =	swait.ge [sflag:s6], $0x1000  }
0x10e: {  	[sflag:s6] =	ssyncset.done $0x0  }
0x10f: {  	[sflag:s6] =	ssyncadd.s32 $0xFFFFF000  }
0x110: {  	_ =	swait.ge [sflag:s6], $0x1000  }
0x111: {  	[sflag:s6] =	ssyncset.done $0x0  }
0x112: {  	[sflag:s6] =	ssyncadd.s32 $0xFFFFF000  }
0x113: {  	_ =	swait.ge [sflag:s6], $0x1000  }
0x114: {  	[sflag:s6] =	ssyncset.done $0x0  }
0x115: {  	[sflag:s6] =	ssyncadd.s32 $0xFFFFF000  }
0x116: {  	_ =	swait.ge [sflag:s6], $0x1000  }
0x117: {  	[sflag:s6] =	ssyncset.done $0x0  }
0x118: {  	[sflag:s6] =	ssyncadd.s32 $0xFFFFF000  }
0x119: {  	_ =	swait.ge [sflag:s6], $0x1000  }
0x11a: {  	[sflag:s6] =	ssyncset.done $0x0  }
0x11b: {  	[sflag:s6] =	ssyncadd.s32 $0xFFFFF000  }
0x11c: {  	_ =	swait.ge [sflag:s6], $0x1000  }
0x11d: {  	[sflag:s6] =	ssyncset.done $0x0  }
0x11e: {  	[sflag:s6] =	ssyncadd.s32 $0xFFFFF000  }
0x11f: {  	_ =	swait.ge [sflag:s6], $0x1000  }
0x120: {  	[sflag:s6] =	ssyncset.done $0x0  }
0x121: {  	[sflag:s6] =	ssyncadd.s32 $0xFFFFF000  }
.LBB2_8:
0x122: {  	s1 =	simm.s32 $0x0  }
0x123: {  	s1 =	sand.u32 $0xFFFFF000, s1  }
0x124: {  	s3 =	simm.s32 $0x0;
	s5 =	simm.s32 $0x0;
	s1 =	ssub.s32 $0x0, s1  }
0x125: {  	s12 =	sand.u32 $0x60, s3;
	s5 =	sand.u32 $0xFFFFFF80, s5;
	s22 =	sand.u32 $0xFFFFFE00, s1  }
0x126: {  	s17 =	sor.u32 $0x10, s12;
	s1 =	sor.u32 s5, s22  }
0x127: {  	s7 =	sor.u32 s17, s1  }
0x128: {  	s8 =	sor.u32 s12, s1;
	v2 =	vld [tilespmem:s7+$0x8C80]  }
0x129: {  	v3 =	vld [tilespmem:s8+$0x8C80];
	_ =	sdelay $0x5  }
0x12a: {  	s23 =	simm.s32 $0x80  }
0x12b: {  	s1 =	sand.u32 $0xFFFFF000, s23;
	v0 =	vld.idx.msk [tilespmem:v2+s2+$0x0], $0xffff  }
0x12c: {  	s10 =	simm.s32 $0x4;
	s24 =	simm.s32 $0x20;
	s9 =	ssub.s32 $0x80, s1;
	v4 =	vadd.s32 $0xF81, v2;
	v1 =	vld.idx.msk [tilespmem:v3+s2+$0x0], $0xffff  }
0x12d: {  	s10 =	sand.u32 $0xFFFFFF80, s10;
	s1 =	sand.u32 $0x60, s24;
	s11 =	sand.u32 $0xFFFFFE00, s9;
	v5 =	vadd.s32 $0xF81, v3  }
0x12e: {  	s30 =	sor.u32 $0x10, s1;
	s26 =	sor.u32 s10, s11  }
0x12f: {  	s31 =	sor.u32 s30, s26  }
0x130: {  	[tilespmem:s7+$0x11C80] =	vst v0;
	v0 =	vld [tilespmem:s31+$0x8C80]  }
0x131: {  	[tilespmem:s8+$0x11C80] =	vst v1;
	v1 =	vld.idx.msk [tilespmem:v4+s2+$0x0], $0xffff  }
0x132: {  	s13 =	sor.u32 s1, s26;
	v6 =	vadd.s32 $0x1F02, v2;
	v5 =	vld.idx.msk [tilespmem:v5+s2+$0x0], $0xffff  }
0x133: {  	s18 =	sadd.s32 s5, s22;
	v7 =	vadd.s32 $0x1F02, v3;
	v4 =	vld [tilespmem:s13+$0x8C80]  }
0x134: {  	s3 =	sadd.s32 $0x12C80, s18  }
0x135: {  	s7 =	sor.u32 s17, s3  }
0x136: {  	s3 =	sor.u32 s12, s3;
	[tilespmem:s7+$0x0] =	vst v1  }
0x137: {  	[tilespmem:s3+$0x0] =	vst v5;
	v1 =	vld.idx.msk [tilespmem:v6+s2+$0x0], $0xffff  }
0x138: {  	v5 =	vadd.s32 $0x2E83, v2;
	v6 =	vld.idx.msk [tilespmem:v7+s2+$0x0], $0xffff  }
0x139: {  	v7 =	vadd.s32 $0x2E83, v3;
	v8 =	vld.idx.msk [tilespmem:v0+s2+$0x0], $0xffff  }
0x13a: {  	s15 =	simm.s32 $0x100;
	s9 =	sadd.s32 $0x13C80, s18;
	v10 =	vadd.s32 $0xF81, v0  }
0x13b: {  	s19 =	simm.s32 $0x8;
	s5 =	sand.u32 $0xFFFFF000, s15;
	s14 =	sor.u32 s17, s9;
	v9 =	vld.idx.msk [tilespmem:v4+s2+$0x0], $0xffff  }
0x13c: {  	s20 =	simm.s32 $0x40;
	s16 =	ssub.s32 $0x100, s5;
	v11 =	vadd.s32 $0xF81, v4;
	s3 =	sor.u32 s12, s9;
	[tilespmem:s14+$0x0] =	vst v1  }
0x13d: {  	s19 =	sand.u32 $0xFFFFFF80, s19;
	s7 =	sand.u32 $0x60, s20;
	s9 =	sand.u32 $0xFFFFFE00, s16;
	[tilespmem:s3+$0x0] =	vst v6;
	v5 =	vld.idx.msk [tilespmem:v5+s2+$0x0], $0xffff  }
0x13e: {  	s16 =	sor.u32 $0x10, s7;
	v6 =	vadd.s32 $0x3E04, v2;
	s3 =	sor.u32 s19, s9;
	v7 =	vld.idx.msk [tilespmem:v7+s2+$0x0], $0xffff;
	[tilespmem:s31+$0x11C80] =	vst v8  }
0x13f: {  	s8 =	sor.u32 s16, s3;
	s3 =	sor.u32 s7, s3;
	v8 =	vld.idx.msk [tilespmem:v10+s2+$0x0], $0xffff;
	v10 =	vadd.s32 $0x3E04, v3  }
0x140: {  	s21 =	sadd.s32 $0x14C80, s18;
	[tilespmem:s13+$0x11C80] =	vst v9;
	v13 =	vld [tilespmem:s3+$0x8C80]  }
0x141: {  	s22 =	sor.u32 s17, s21;
	v9 =	vld.idx.msk [tilespmem:v11+s2+$0x0], $0xffff  }
0x142: {  	s5 =	sor.u32 s12, s21;
	v1 =	vld [tilespmem:s8+$0x8C80];
	v11 =	vadd.s32 $0x1F02, v4;
	[tilespmem:s22+$0x0] =	vst v5  }
0x143: {  	s26 =	sadd.s32 s10, s11;
	v5 =	vadd.s32 $0x1F02, v0;
	[tilespmem:s5+$0x0] =	vst v7;
	v6 =	vld.idx.msk [tilespmem:v6+s2+$0x0], $0xffff  }
0x144: {  	s10 =	sadd.s32 $0x12C80, s26;
	v7 =	vld.idx.msk [tilespmem:v10+s2+$0x0], $0xffff  }
0x145: {  	v12 =	vadd.s32 $0x4D85, v2;
	s23 =	sor.u32 s30, s10;
	s10 =	sor.u32 s1, s10  }
0x146: {  	s24 =	sadd.s32 $0x15C80, s18;
	[tilespmem:s10+$0x0] =	vst v9  }
0x147: {  	s31 =	sor.u32 s17, s24;
	[tilespmem:s23+$0x0] =	vst v8;
	v9 =	vld.idx.msk [tilespmem:v11+s2+$0x0], $0xffff  }
0x148: {  	s5 =	sor.u32 s12, s24;
	v8 =	vadd.s32 $0x4D85, v3;
	v5 =	vld.idx.msk [tilespmem:v5+s2+$0x0], $0xffff;
	[tilespmem:s31+$0x0] =	vst v6  }
0x149: {  	v10 =	vadd.s32 $0x2E83, v0;
	[tilespmem:s5+$0x0] =	vst v7;
	v7 =	vld.idx.msk [tilespmem:v13+s2+$0x0], $0xffff  }
0x14a: {  	s11 =	sadd.s32 $0x13C80, s26;
	v6 =	vadd.s32 $0x2E83, v4;
	v11 =	vld.idx.msk [tilespmem:v12+s2+$0x0], $0xffff  }
0x14b: {  	v16 =	vadd.s32 $0xF81, v13;
	s10 =	sor.u32 s1, s11;
	v12 =	vld.idx.msk [tilespmem:v1+s2+$0x0], $0xffff  }
0x14c: {  	v14 =	vadd.s32 $0x5D06, v2;
	s13 =	sor.u32 s30, s11;
	[tilespmem:s10+$0x0] =	vst v9  }
0x14d: {  	s20 =	sadd.s32 $0x16C80, s18;
	s14 =	simm.s32 $0x180;
	v15 =	vadd.s32 $0xF81, v1;
	v8 =	vld.idx.msk [tilespmem:v8+s2+$0x0], $0xffff;
	[tilespmem:s13+$0x0] =	vst v5  }
0x14e: {  	s15 =	sor.u32 s17, s20;
	s5 =	sand.u32 $0xFFFFF000, s14;
	v5 =	vld.idx.msk [tilespmem:v10+s2+$0x0], $0xffff;
	[tilespmem:s3+$0x11C80] =	vst v7  }
0x14f: {  	s14 =	simm.s32 $0xC;
	s21 =	ssub.s32 $0x180, s5;
	s10 =	simm.s32 $0x60;
	v6 =	vld.idx.msk [tilespmem:v6+s2+$0x0], $0xffff;
	[tilespmem:s15+$0x0] =	vst v11  }
0x150: {  	v9 =	vadd.s32 $0x3E04, v0;
	s11 =	sand.u32 $0xFFFFFE00, s21;
	s5 =	sand.u32 $0x60, s10;
	s13 =	sand.u32 $0xFFFFFF80, s14;
	[tilespmem:s8+$0x11C80] =	vst v12;
	v12 =	vld.idx.msk [tilespmem:v16+s2+$0x0], $0xffff  }
0x151: {  	s14 =	sor.u32 s13, s11;
	v11 =	vadd.s32 $0x3E04, v4;
	s8 =	sor.u32 $0x10, s5;
	v10 =	vld.idx.msk [tilespmem:v14+s2+$0x0], $0xffff  }
0x152: {  	s22 =	sadd.s32 $0x14C80, s26;
	v16 =	vadd.s32 $0x1F02, v13;
	v7 =	vld.idx.msk [tilespmem:v15+s2+$0x0], $0xffff;
	s15 =	sor.u32 s8, s14  }
0x153: {  	s9 =	sadd.s32 s19, s9;
	s21 =	sor.u32 s30, s22;
	v14 =	vadd.s32 $0x6C87, v2;
	s14 =	sor.u32 s5, s14;
	v2 =	vld [tilespmem:s15+$0x8C80]  }
0x154: {  	s23 =	sadd.s32 $0x12C80, s9;
	s3 =	sor.u32 s1, s22;
	v15 =	vadd.s32 $0x1F02, v1;
	v21 =	vld [tilespmem:s14+$0x8C80];
	[tilespmem:s21+$0x0] =	vst v5  }
0x155: {  	v18 =	vadd.s32 $0x5D06, v3;
	s19 =	sadd.s32 $0x17C80, s18;
	[tilespmem:s3+$0x0] =	vst v6;
	s3 =	sor.u32 s7, s23;
	v17 =	vld.idx.msk [tilespmem:v9+s2+$0x0], $0xffff  }
0x156: {  	s24 =	sor.u32 s17, s19;
	v25 =	vld.idx.msk [tilespmem:v11+s2+$0x0], $0xffff;
	[tilespmem:s3+$0x0] =	vst v12  }
0x157: {  	v22 =	vadd.s32 $0x4D85, v0;
	s22 =	sor.u32 s16, s23;
	[tilespmem:s24+$0x0] =	vst v10;
	v20 =	vld.idx.msk [tilespmem:v16+s2+$0x0], $0xffff  }
0x158: {  	v28 =	vadd.s32 $0x4D85, v4;
	s20 =	sor.u32 s12, s20;
	v23 =	vadd.s32 $0x2E83, v1;
	s31 =	sadd.s32 $0x15C80, s26;
	v5 =	vadd.s32 $0x6C87, v3;
	[tilespmem:s22+$0x0] =	vst v7;
	v26 =	vld.idx.msk [tilespmem:v14+s2+$0x0], $0xffff  }
0x159: {  	[tilespmem:s20+$0x0] =	vst v8;
	v6 =	vadd.s32 $0x5D06, v4;
	v3 =	vadd.s32 $0x6C87, v4;
	s21 =	sor.u32 s30, s31;
	v4 =	vadd.s32 $0x6C87, v13;
	v27 =	vld.idx.msk [tilespmem:v15+s2+$0x0], $0xffff  }
0x15a: {  	v12 =	vadd.s32 $0x2E83, v13;
	v11 =	vadd.s32 $0x3E04, v13;
	v9 =	vadd.s32 $0x4D85, v13;
	[tilespmem:s21+$0x0] =	vst v17;
	v17 =	vld.idx.msk [tilespmem:v18+s2+$0x0], $0xffff  }
0x15b: {  	s3 =	sor.u32 s1, s31;
	v7 =	vadd.s32 $0x5D06, v13;
	s22 =	sadd.s32 $0x18C80, s18;
	v19 =	vadd.s32 $0xF81, v21;
	v15 =	vadd.s32 $0x1F02, v21;
	v24 =	vld.idx.msk [tilespmem:v2+s2+$0x0], $0xffff  }
0x15c: {  	s19 =	sor.u32 s12, s19;
	s24 =	sadd.s32 $0x13C80, s9;
	s31 =	sor.u32 s17, s22;
	v14 =	vadd.s32 $0x3E04, v21;
	v10 =	vadd.s32 $0x4D85, v21;
	v8 =	vadd.s32 $0x5D06, v21;
	[tilespmem:s3+$0x0] =	vst v25;
	v18 =	vld.idx.msk [tilespmem:v22+s2+$0x0], $0xffff  }
0x15d: {  	s20 =	simm.s32 $0x8;
	s18 =	simm.s32 $0x180;
	s23 =	sor.u32 s16, s24;
	v13 =	vadd.s32 $0x6C87, v21;
	v25 =	vld.idx.msk [tilespmem:v21+s2+$0x0], $0xffff;
	v22 =	vadd.s32 $0x2E83, v21;
	v21 =	vadd.s32 $0x5D06, v0;
	[tilespmem:s31+$0x0] =	vst v26  }
0x15e: {  	s17 =	simm.s32 $0x6;
	s12 =	sor.u32 s12, s22;
	s22 =	sor.u32 s7, s24;
	v16 =	vld.idx.msk [tilespmem:v28+s2+$0x0], $0xffff;
	v26 =	vadd.s32 $0xF81, v2;
	[tilespmem:s23+$0x0] =	vst v27  }
.LBB2_9:
0x15f: {  	s3 =	sshll.u32 s20, $0x6;
	s18 =	sadd.s32 $0x80, s18;
	[tilespmem:s22+$0x0] =	vst v20;
	v20 =	vld.idx.msk [tilespmem:v23+s2+$0x0], $0xffff;
	s22 =	sadd.s32 $0x16C80, s26  }
0x160: {  	s17 =	sadd.s32 $0x2, s17;
	s3 =	sand.u32 $0xFFFFF000, s3;
	v23 =	vld.idx.msk [tilespmem:v12+s2+$0x0], $0xffff;
	s21 =	sor.u32 s30, s22;
	[tilespmem:s19+$0x0] =	vst v17;
	v12 =	vmov v22  }
0x161: {  	s10 =	sadd.s32 $0x20, s10;
	s19 =	sshll.u32 s17, $0x1;
	v17 =	vadd.s32 $0x3E04, v1;
	s3 =	ssub.s32 s18, s3;
	[tilespmem:s21+$0x0] =	vst v18;
	v18 =	vld.idx.msk [tilespmem:v5+s2+$0x0], $0xffff;
	v5 =	vmovc v3;
	v3 =	vmov v4;
	v4 =	vmov v13  }
0x162: {  	s21 =	sand.u32 $0x60, s10;
	s23 =	sand.u32 $0xFFFFFF80, s19;
	s3 =	sand.u32 $0xFFFFFE00, s3;
	[tilespmem:s15+$0x11C80] =	vst v24;
	v13 =	vld.idx.msk [tilespmem:v21+s2+$0x0], $0xffff  }
0x163: {  	s19 =	sadd.s32 $0x14C80, s9;
	s24 =	sor.u32 $0x10, s21;
	s15 =	sor.u32 s23, s3;
	[tilespmem:s14+$0x11C80] =	vst v25;
	v21 =	vld.idx.msk [tilespmem:v26+s2+$0x0], $0xffff  }
0x164: {  	v22 =	vadd.s32 $0x6C87, v0;
	v0 =	vmov v1;
	v1 =	vmov v2;
	s31 =	sor.u32 s16, s19;
	s14 =	sor.u32 s21, s15;
	s15 =	sor.u32 s24, s15;
	v19 =	vld.idx.msk [tilespmem:v19+s2+$0x0], $0xffff  }
0x165: {  	p0 =	slt.u32 s17, $0xFE;
	s22 =	sor.u32 s1, s22;
	v24 =	vadd.s32 $0x1F02, v1;
	s19 =	sor.u32 s7, s19;
	v2 =	vld [tilespmem:s15+$0x8C80];
	[tilespmem:s31+$0x0] =	vst v20  }
0x166: {  	s31 =	sadd.s32 s13, s11;
	s13 =	sadd.s32 $0x17C80, s26;
	s11 =	smov.u32 s3;
	[tilespmem:s19+$0x0] =	vst v23;
	v17 =	vld.idx.msk [tilespmem:v17+s2+$0x0], $0xffff  }
0x167: {  	s3 =	sadd.s32 $0x12C80, s31;
	s19 =	sor.u32 s1, s13;
	s13 =	sor.u32 s30, s13;
	v25 =	vld [tilespmem:s14+$0x8C80];
	[tilespmem:s22+$0x0] =	vst v16  }
0x168: {  	v26 =	vadd.s32 $0x4D85, v0;
	s22 =	sor.u32 s5, s3;
	s3 =	sor.u32 s8, s3;
	v16 =	vld.idx.msk [tilespmem:v11+s2+$0x0], $0xffff;
	[tilespmem:s13+$0x0] =	vst v13;
	v11 =	vmov v14;
	s13 =	smov.u32 s23  }
0x169: {  	[tilespmem:s3+$0x0] =	vst v21;
	v27 =	vld.idx.msk [tilespmem:v22+s2+$0x0], $0xffff;
	s3 =	smov.u32 s30;
	s30 =	smov.u32 s16;
	s16 =	smov.u32 s8  }
0x16a: {  	s8 =	smov.u32 s24;
	[tilespmem:s22+$0x0] =	vst v19;
	v28 =	vld.idx.msk [tilespmem:v24+s2+$0x0], $0xffff;
	s22 =	sadd.s32 $0x15C80, s9  }
0x16b: {  	v20 =	vld.idx.msk [tilespmem:v15+s2+$0x0], $0xffff;
	s23 =	sor.u32 s7, s22;
	s22 =	sor.u32 s30, s22;
	[tilespmem:s12+$0x0] =	vst v18  }
.Ltmp6:
0x16c: {  	v23 =	vadd.s32 $0x2E83, v1;
	v19 =	vadd.s32 $0xF81, v25;
	v15 =	vadd.s32 $0x1F02, v25;
	[tilespmem:s22+$0x0] =	vst v17;
	v17 =	vld.idx.msk [tilespmem:v6+s2+$0x0], $0xffff;
	v6 =	vmovc v7;
	v7 =	vmovc v8;
	(pc) =	sbr.rel @p0 .LBB2_9-.Ltmp6, $4  }
0x16d: {  	v22 =	vadd.s32 $0x2E83, v25;
	v14 =	vadd.s32 $0x3E04, v25;
	v29 =	vadd.s32 $0x4D85, v25;
	s22 =	sadd.s32 $0x18C80, s26;
	s26 =	smov.u32 s9;
	s9 =	smov.u32 s31;
	v18 =	vld.idx.msk [tilespmem:v26+s2+$0x0], $0xffff  }
0x16e: {  	v8 =	vadd.s32 $0x5D06, v25;
	v13 =	vadd.s32 $0x6C87, v25;
	s24 =	sadd.s32 $0x13C80, s9;
	s12 =	sor.u32 s1, s22;
	s1 =	sor.u32 s3, s22;
	v24 =	vld.idx.msk [tilespmem:v2+s2+$0x0], $0xffff;
	[tilespmem:s23+$0x0] =	vst v16  }
0x16f: {  	v21 =	vadd.s32 $0x5D06, v0;
	s22 =	sor.u32 s5, s24;
	s3 =	sor.u32 s16, s24;
	v25 =	vld.idx.msk [tilespmem:v25+s2+$0x0], $0xffff;
	[tilespmem:s1+$0x0] =	vst v27;
	s1 =	smov.u32 s7  }
0x170: {  	s20 =	sadd.s32 $0x2, s20;
	v26 =	vadd.s32 $0xF81, v2;
	s7 =	smov.u32 s5;
	s5 =	smov.u32 s21;
	[tilespmem:s3+$0x0] =	vst v28;
	v16 =	vld.idx.msk [tilespmem:v9+s2+$0x0], $0xffff;
	v9 =	vmov v10;
	v10 =	vmov v29  }
0x171: {  	_ =	sdelay $0x2  }
0x172: {  	[tilespmem:s15+$0x11C80] =	vst v24  }
0x173: {  	[tilespmem:s14+$0x11C80] =	vst v25;
	v24 =	vld.idx.msk [tilespmem:v26+s2+$0x0], $0xffff  }
0x174: {  	v46 =	vadd.s32 $0x1F02, v2;
	v19 =	vld.idx.msk [tilespmem:v19+s2+$0x0], $0xffff  }
0x175: {  	s10 =	sadd.s32 s13, s11  }
0x176: {  	s3 =	sadd.s32 $0x12C80, s10  }
0x177: {  	s20 =	sor.u32 s8, s3  }
0x178: {  	s3 =	sor.u32 s5, s3;
	[tilespmem:s20+$0x0] =	vst v24  }
0x179: {  	[tilespmem:s3+$0x0] =	vst v19;
	v47 =	vld.idx.msk [tilespmem:v46+s2+$0x0], $0xffff  }
0x17a: {  	v48 =	vadd.s32 $0x2E83, v2;
	v15 =	vld.idx.msk [tilespmem:v15+s2+$0x0], $0xffff;
	_ =	sdelay $0x1  }
0x17b: {  	s21 =	sadd.s32 $0x13C80, s10  }
0x17c: {  	[tilespmem:s22+$0x0] =	vst v20;
	v49 =	vld.idx.msk [tilespmem:v23+s2+$0x0], $0xffff;
	s23 =	sor.u32 s8, s21  }
0x17d: {  	v50 =	vadd.s32 $0x3E04, v1;
	v12 =	vld.idx.msk [tilespmem:v12+s2+$0x0], $0xffff;
	s3 =	sor.u32 s5, s21;
	[tilespmem:s23+$0x0] =	vst v47  }
0x17e: {  	[tilespmem:s3+$0x0] =	vst v15;
	v51 =	vld.idx.msk [tilespmem:v48+s2+$0x0], $0xffff  }
0x17f: {  	s24 =	sadd.s32 $0x14C80, s9;
	v53 =	vadd.s32 $0x3E04, v2;
	v52 =	vld.idx.msk [tilespmem:v22+s2+$0x0], $0xffff  }
0x180: {  	s31 =	sor.u32 s16, s24  }
0x181: {  	s13 =	sadd.s32 $0x14C80, s10;
	[tilespmem:s31+$0x0] =	vst v49;
	s3 =	sor.u32 s7, s24  }
0x182: {  	s14 =	sor.u32 s8, s13;
	v54 =	vld.idx.msk [tilespmem:v50+s2+$0x0], $0xffff;
	[tilespmem:s3+$0x0] =	vst v12  }
0x183: {  	v55 =	vadd.s32 $0x4D85, v1;
	s11 =	sor.u32 s5, s13;
	v11 =	vld.idx.msk [tilespmem:v11+s2+$0x0], $0xffff;
	[tilespmem:s14+$0x0] =	vst v51  }
0x184: {  	s15 =	sadd.s32 $0x16C80, s26;
	[tilespmem:s11+$0x0] =	vst v52;
	v15 =	vld.idx.msk [tilespmem:v53+s2+$0x0], $0xffff  }
0x185: {  	[tilespmem:s19+$0x0] =	vst v17;
	s18 =	sadd.s32 $0x15C80, s9;
	v56 =	vadd.s32 $0x4D85, v2;
	s17 =	sor.u32 s30, s15;
	v14 =	vld.idx.msk [tilespmem:v14+s2+$0x0], $0xffff  }
0x186: {  	s19 =	sor.u32 s16, s18;
	v5 =	vld.idx.msk [tilespmem:v5+s2+$0x0], $0xffff;
	[tilespmem:s17+$0x0] =	vst v18  }
0x187: {  	s13 =	sor.u32 s7, s18;
	s20 =	sadd.s32 $0x15C80, s10;
	[tilespmem:s19+$0x0] =	vst v54  }
0x188: {  	s21 =	sor.u32 s8, s20;
	v12 =	vld.idx.msk [tilespmem:v55+s2+$0x0], $0xffff;
	[tilespmem:s13+$0x0] =	vst v11  }
0x189: {  	v57 =	vadd.s32 $0x5D06, v1;
	s11 =	sor.u32 s5, s20;
	v9 =	vld.idx.msk [tilespmem:v9+s2+$0x0], $0xffff;
	[tilespmem:s21+$0x0] =	vst v15  }
0x18a: {  	v15 =	vld.idx.msk [tilespmem:v56+s2+$0x0], $0xffff;
	[tilespmem:s11+$0x0] =	vst v14  }
0x18b: {  	v58 =	vadd.s32 $0x5D06, v2;
	[tilespmem:s12+$0x0] =	vst v5;
	s24 =	sadd.s32 $0x16C80, s9;
	s3 =	sor.u32 s1, s15;
	v10 =	vld.idx.msk [tilespmem:v10+s2+$0x0], $0xffff  }
0x18c: {  	v18 =	vld.idx.msk [tilespmem:v21+s2+$0x0], $0xffff;
	s31 =	sor.u32 s16, s24;
	[tilespmem:s3+$0x0] =	vst v16  }
0x18d: {  	v0 =	vadd.s32 $0x6C87, v0;
	s15 =	sadd.s32 $0x16C80, s10;
	v6 =	vld.idx.msk [tilespmem:v6+s2+$0x0], $0xffff;
	s14 =	sor.u32 s7, s24;
	[tilespmem:s31+$0x0] =	vst v12  }
0x18e: {  	s17 =	sor.u32 s8, s15;
	v11 =	vld.idx.msk [tilespmem:v57+s2+$0x0], $0xffff;
	[tilespmem:s14+$0x0] =	vst v9  }
0x18f: {  	s22 =	sadd.s32 $0x17C80, s26;
	v59 =	vadd.s32 $0x6C87, v1;
	s18 =	sor.u32 s5, s15;
	v7 =	vld.idx.msk [tilespmem:v7+s2+$0x0], $0xffff;
	[tilespmem:s17+$0x0] =	vst v15  }
0x190: {  	s23 =	sor.u32 s30, s22;
	[tilespmem:s18+$0x0] =	vst v10;
	v60 =	vld.idx.msk [tilespmem:v58+s2+$0x0], $0xffff  }
0x191: {  	v61 =	vadd.s32 $0x6C87, v2;
	s19 =	sor.u32 s1, s22;
	[tilespmem:s23+$0x0] =	vst v18;
	s20 =	sadd.s32 $0x17C80, s9;
	v62 =	vld.idx.msk [tilespmem:v8+s2+$0x0], $0xffff  }
0x192: {  	v0 =	vld.idx.msk [tilespmem:v0+s2+$0x0], $0xffff;
	[tilespmem:s19+$0x0] =	vst v6;
	s21 =	sor.u32 s16, s20  }
0x193: {  	s22 =	sadd.s32 $0x17C80, s10;
	v3 =	vld.idx.msk [tilespmem:v3+s2+$0x0], $0xffff;
	s11 =	sor.u32 s7, s20;
	[tilespmem:s21+$0x0] =	vst v11  }
0x194: {  	s23 =	sor.u32 s8, s22;
	v1 =	vld.idx.msk [tilespmem:v59+s2+$0x0], $0xffff;
	[tilespmem:s11+$0x0] =	vst v7  }
0x195: {  	s3 =	sor.u32 s5, s22;
	s24 =	sadd.s32 $0x18C80, s26;
	v4 =	vld.idx.msk [tilespmem:v4+s2+$0x0], $0xffff;
	[tilespmem:s23+$0x0] =	vst v60  }
0x196: {  	s26 =	sor.u32 s30, s24;
	[tilespmem:s3+$0x0] =	vst v62;
	v2 =	vld.idx.msk [tilespmem:v61+s2+$0x0], $0xffff  }
0x197: {  	s30 =	sor.u32 s1, s24;
	s31 =	sadd.s32 $0x18C80, s9;
	[tilespmem:s26+$0x0] =	vst v0;
	v63 =	vld.idx.msk [tilespmem:v13+s2+$0x0], $0xffff  }
0x198: {  	s9 =	sor.u32 s16, s31;
	[tilespmem:s30+$0x0] =	vst v3  }
0x199: {  	s10 =	sadd.s32 $0x18C80, s10;
	[tilespmem:s9+$0x0] =	vst v1;
	s3 =	sor.u32 s7, s31  }
0x19a: {  	s11 =	sor.u32 s8, s10;
	[tilespmem:s3+$0x0] =	vst v4  }
0x19b: {  	s1 =	sor.u32 s5, s10;
	[tilespmem:s11+$0x0] =	vst v2  }
0x19c: {  	[tilespmem:s1+$0x0] =	vst v63  }
0x19d: {  	s1 =	rddreg [dreg:$0x11]  }
0x19e: {  	s12 =	simm.s32 $0x11C80;
	s13 =	rddreg [dreg:$0x12];
	s1 =	sadd.s32 s0, s1  }
0x19f: {  	[hbm4b:s1+s28] =	stream.strided.scatter [tilespmem:s12], [sflag:$0x4], $0x1000, s29, s28, $0x38;
	[tilespmem:$0x19C80] =	vst v63  }
0x1a0: {  	s14 =	simm.s32 $0x12C80;
	s15 =	rddreg [dreg:$0x13];
	s1 =	sadd.s32 s0, s13  }
0x1a1: {  	[hbm4b:s1+s28] =	stream.strided.scatter [tilespmem:s14], [sflag:$0x4], $0x1000, s29, s28, $0x38;
	[tilespmem:$0x19C80] =	vst v63  }
0x1a2: {  	s16 =	simm.s32 $0x13C80;
	s17 =	rddreg [dreg:$0x14];
	s1 =	sadd.s32 s0, s15  }
0x1a3: {  	[hbm4b:s1+s28] =	stream.strided.scatter [tilespmem:s16], [sflag:$0x4], $0x1000, s29, s28, $0x38;
	[tilespmem:$0x19C80] =	vst v63  }
0x1a4: {  	s18 =	simm.s32 $0x14C80;
	s19 =	rddreg [dreg:$0x15];
	s1 =	sadd.s32 s0, s17  }
0x1a5: {  	[hbm4b:s1+s28] =	stream.strided.scatter [tilespmem:s18], [sflag:$0x4], $0x1000, s29, s28, $0x38;
	[tilespmem:$0x19C80] =	vst v63  }
0x1a6: {  	s20 =	simm.s32 $0x15C80;
	s21 =	rddreg [dreg:$0x16];
	s1 =	sadd.s32 s0, s19  }
0x1a7: {  	[hbm4b:s1+s28] =	stream.strided.scatter [tilespmem:s20], [sflag:$0x4], $0x1000, s29, s28, $0x38;
	[tilespmem:$0x19C80] =	vst v63  }
0x1a8: {  	p0 =	seq.s32 s25, $0x7;
	s22 =	simm.s32 $0x16C80;
	s1 =	sadd.s32 s0, s21  }
0x1a9: {  	[hbm4b:s1+s28] =	stream.strided.scatter [tilespmem:s22], [sflag:$0x4], $0x1000, s29, s28, $0x38;
	[tilespmem:$0x19C80] =	vst v63  }
.Ltmp7:
0x1aa: {  	s23 =	rddreg [dreg:$0x17];
	(pc) =	sbr.rel @p0 .LBB2_12-.Ltmp7, $4  }
0x1ab: {  	s24 =	simm.s32 $0x17C80;
	s26 =	rddreg [dreg:$0x18];
	s1 =	sadd.s32 s0, s23  }
0x1ac: {  	[hbm4b:s1+s28] =	stream.strided.scatter [tilespmem:s24], [sflag:$0x4], $0x1000, s29, s28, $0x38;
	[tilespmem:$0x19C80] =	vst v63  }
0x1ad: {  	s31 =	simm.s32 $0x18C80;
	s30 =	sadd.s32 s0, s26  }
0x1ae: {  	[hbm4b:s30+s28] =	stream.strided.scatter [tilespmem:s31], [sflag:$0x4], $0x1000, s29, s28, $0x38;
	[tilespmem:$0x19C80] =	vst v63  }
.Ltmp8:
0x1af: {  	(pc) =	sbr.rel .LBB2_2-.Ltmp8, $4  }
0x1b0: {  	_ = 	snop  }
0x1b1: {  	s0 =	rddreg [dreg:$0x1a]  }
0x1b2: {  	s1 =	simm.s32 $0x8C80;
	s25 =	sadd.s32 $0x1, s25;
	s0 =	sadd.s32 s4, s0  }
0x1b3: {  	[tilespmem:s1], [sflag:$0x2] =	stream.strided.gather [hbm4b:s0+s28], $0x1000, s29, s28, $0x38;
	[tilespmem:$0x19C80] =	vst v63  }
.LBB2_13:
0x1b4: {  	_ =	sfence.sel $0x180000  }
0x1b5: {  	[bflag:$0x0] =	sbarrier.arrive $0xFFFF  }
0x1b6: {  	_ =	strace $0x90000047  }
0x1b7: {  	s0 =	stileid.u32;
	[bflag:$0x2] =	sbarrier.arrive $0xFFFF  }
0x1b8: {  	p0 =	sne.s32 s0, $0x0;
	s0 =	rddreg [dreg:$0x3]  }
0x1b9: {  	s0 =	sadd.s32 @!p0 $0x100000, s0  }
0x1ba: {  	[sflag:s0] =	ssyncadd.tile.s32 @!p0 $0x1;
	_ =	shalt  }
.Lfunc_end2:
_tile_overlayer_lowered:
.L_overlay_start_2:
0x1bb: {  	(tag) =	ssettag $0x2  }
0x1bc: {  	s0 =	rddreg [dreg:$0x0];
	s2 =	stileid.u32  }
0x1bd: {  	s1 =	rddreg [dreg:$0x1];
	p0 =	sne.s32 s2, $0x0  }
0x1be: {  	s3 =	rddreg [dreg:$0x2];
	[bflag:$0x3] =	sbarrier.arrive $0xFFFF;
	s2 =	simm.s32 @!p0 $0x1C05  }
0x1bf: {  	[timem:s3], [sflag:s2] =	dma.local @!p0 [hbm:s0], s1  }
0x1c0: {  	s0 =	simm.s32 @!p0 $0x5  }
0x1c1: {  	_ =	swait.ge @!p0 [sflag:s0], s1  }
0x1c2: {  	s1 =	ssub.s32 @!p0 $0x0, s1;
	[sflag:s0] =	ssyncset.done @!p0 $0x0  }
0x1c3: {  	[sflag:s0] =	ssyncadd.s32 @!p0 s1  }
0x1c4: {  	[bflag:$0x3] =	sbarrier.arrive $0xFFFF  }
0x1c5: {  	_ =	shalt  }

</sc_bundles>
